<compile_context>
chip_gen: v7x
topology: tpu7x:2x2x1
jax: 0.10.2.dev20260603
libtpu: 0.0.44.dev20260713+nightly
codegen_flags: <defaults>
</compile_context>

<pallas_src>
import functools

import numpy as np
import jax
import jax.numpy as jnp
from jax import lax
from jax.experimental import pallas as pl
from jax.experimental.pallas import tpu as pltpu
from jax.experimental.pallas import tpu_sc as plsc

B, D, H, W = 8, 128, 224, 224
HW = H * W
T = 16
CH = 24
NPC = CH * CH
N = B * NPC
POS_R = 3

_pos = np.array([(i, j) for i in range(-3, 4) for j in range(-3, 4)
                 if i * i + j * j <= 9], dtype=np.int32).reshape(-1, 2).T
_neg = np.array([(i, j) for i in range(-8, 9, 2) for j in range(-8, 9, 2)
                 if 49 <= i * i + j * j <= 64], dtype=np.int32).reshape(-1, 2).T
P = _pos.shape[1]
NN = _neg.shape[1]
NP48 = 48
_alldx = np.zeros(NP48, np.int32)
_alldy = np.zeros(NP48, np.int32)
_alldx[:P], _alldy[:P] = _pos[0], _pos[1]
_alldx[P:P + NN], _alldy[P:P + NN] = _neg[0], _neg[1]

NBUF = 8
NW = 32
KPW = N // NW
CK = 48
NCHUNK = KPW // CK


def _sample_body(cells_ref, out_ref):
    c = cells_ref[...]
    R = c.shape[1]
    vmax = jnp.max(c, axis=0, keepdims=True)
    ch = lax.broadcasted_iota(jnp.int32, c.shape, 0)
    k = jnp.min(jnp.where(c == vmax, ch, 64), axis=0, keepdims=True)
    r = lax.broadcasted_iota(jnp.int32, (1, R), 1)
    bidx = (r % N) // NPC
    cell = r % NPC
    cy = cell // CH
    cx = cell % CH
    i = k // 8
    j = k % 8
    xs = T + cx * 8 + j
    ys = T + cy * 8 + i
    off = bidx * HW + xs * W + ys
    z = jnp.zeros_like(off)
    out_ref[...] = jnp.concatenate([off, xs, ys, z, z, z, z, z], axis=0)


def _run_sample(det1, det2):
    crop = jnp.concatenate([det1, det2], axis=0)[:, 0, T:H - T, T:W - T]
    cells = crop.reshape(2 * B, CH, 8, CH, 8).transpose(0, 1, 3, 2, 4)
    cells = cells.reshape(2 * N, 64).T
    out = pl.pallas_call(
        _sample_body,
        out_shape=jax.ShapeDtypeStruct((8, 2 * N), jnp.int32),
    )(cells)
    return out


def _sc_body(des1v, des2v, aux, off1h, off2h, ptab,
             nallo, psco, qlto, msko, axo, ayo, s1o, dro,
             off_v, off2_v, s1_v, aux_v, nidx_v, rows2_v, nall_v,
             axv, ayv, bbv, qidx_v, q2_v, pscv, qltv, mskv,
             dxt, dyt, d2_v, sem, sema, semb, semc, semd, seme, semf, semg, semh):
    wid = lax.axis_index("s") * 2 + lax.axis_index("c")
    iota = lax.iota(jnp.int32, 16)
    pltpu.sync_copy(ptab.at[0], dxt)
    pltpu.sync_copy(ptab.at[1], dyt)

    _gdn = lax.GatherDimensionNumbers(offset_dims=(), collapsed_slice_dims=(0,),
                                      start_index_map=(0,))

    def _shuf(v, s):
        return lax.gather(v, (iota ^ s)[:, None], _gdn, (1,),
                          mode=lax.GatherScatterMode.PROMISE_IN_BOUNDS)

    def _bsum(v):
        for s in (8, 4, 2, 1):
            v = v + _shuf(v, s)
        return v

    def _bmax(v):
        for s in (8, 4, 2, 1):
            v = jnp.maximum(v, _shuf(v, s))
        return v

    def _bmin(v):
        for s in (8, 4, 2, 1):
            v = jnp.minimum(v, _shuf(v, s))
        return v

    def _lane(vec, lane_idx):
        return _bsum(jnp.where(iota == lane_idx, vec, jnp.zeros_like(vec)))

    def chunk_body(ci, _):
        base = wid * KPW + ci * CK

        pltpu.sync_copy(off2h.at[pl.ds(base, CK)], off2_v)
        pltpu.async_copy(des2v.at[off2_v], d2_v, sem).wait()
        pltpu.sync_copy(d2_v, dro.at[pl.ds(base, CK)])

        pltpu.sync_copy(off1h.at[pl.ds(base, CK)], off_v)
        pltpu.async_copy(des1v.at[off_v], s1_v, sem).wait()
        pltpu.sync_copy(s1_v, s1o.at[pl.ds(base, CK)])
        pltpu.async_copy(aux.at[off_v], aux_v, sem).wait()

        def idx_body(kp, _):
            arow = aux_v[kp, pl.ds(0, 16)]
            ax_s = (_lane(arow, 0) + 0.5).astype(jnp.int32)
            ay_s = (_lane(arow, 1) + 0.5).astype(jnp.int32)
            bb_s = _lane(arow, 4).astype(jnp.int32)
            for g in range(3):
                dxg = dxt[pl.ds(g * 16, 16)]
                dyg = dyt[pl.ds(g * 16, 16)]
                px = jnp.clip(ax_s + dxg, 0, W - 1)
                py = jnp.clip(ay_s + dyg, 0, H - 1)
                nidx_v[kp, pl.ds(g * 16, 16)] = bb_s + py * W + px
            return 0

        lax.fori_loop(0, CK, idx_body, 0)

        sems = (sema, semb, semc, semd, seme, semf, semg, semh)

        def issue(kp):
            for b in range(NBUF):
                @pl.when(kp % NBUF == b)
                def _(b=b):
                    pltpu.async_copy(des2v.at[nidx_v.at[kp]],
                                     rows2_v.at[b], sems[b])

        def drain(kp):
            for b in range(NBUF):
                @pl.when(kp % NBUF == b)
                def _(b=b):
                    pltpu.make_async_copy(des2v.at[pl.ds(0, NP48)],
                                          rows2_v.at[b], sems[b]).wait()

        for k0 in range(NBUF - 1):
            issue(k0)

        def kp_body(kp, carry):
            pos_c, psc_c, ax_c, ay_c, msk_c, q1_c, qof_c = carry
            arow = aux_v[kp, pl.ds(0, 16)]
            ax_s = (_lane(arow, 0) + 0.5).astype(jnp.int32)
            ay_s = (_lane(arow, 1) + 0.5).astype(jnp.int32)
            q1_s = _lane(arow, 2)
            bb_s = _lane(arow, 4).astype(jnp.int32)
            msk_s = (jnp.where(ax_s >= 0, 1, 0) * jnp.where(ay_s >= 0, 1, 0)
                     * jnp.where(ax_s < W, 1, 0) * jnp.where(ay_s < H, 1, 0))

            @pl.when(kp + (NBUF - 1) < CK)
            def _():
                issue(kp + (NBUF - 1))

            drain(kp)
            par = kp % NBUF
            s1c = [s1_v[kp, pl.ds(c * 16, 16)] for c in range(8)]

            def p_body(p, sv):
                v0, v1, v2 = sv
                acc = s1c[0] * rows2_v[par, p, pl.ds(0, 16)]
                for c in range(1, 8):
                    acc = acc + s1c[c] * rows2_v[par, p, pl.ds(c * 16, 16)]
                dot = _bsum(acc)
                v0 = jnp.where(iota == p, dot, v0)
                v1 = jnp.where(iota == p - 16, dot, v1)
                v2 = jnp.where(iota == p - 32, dot, v2)
                return (v0, v1, v2)

            z16 = jnp.zeros((16,), jnp.float32)
            v0, v1, v2 = lax.fori_loop(0, NP48, p_body, (z16, z16, z16))
            nall_v[kp, pl.ds(0, 16)] = v0
            nall_v[kp, pl.ds(16, 16)] = v1
            nall_v[kp, pl.ds(32, 16)] = v2

            neginf = jnp.float32(-3.0e38)
            m1 = jnp.where(iota < (P - 16), v1, neginf)
            psc_s = _bmax(jnp.maximum(v0, m1))
            cand = jnp.minimum(jnp.where(v0 == psc_s, iota, 99),
                               jnp.where(m1 == psc_s, iota + 16, 99))
            pos_s = _bmin(cand)

            dx0 = dxt[pl.ds(0, 16)]
            dx1 = dxt[pl.ds(16, 16)]
            dy0 = dyt[pl.ds(0, 16)]
            dy1 = dyt[pl.ds(16, 16)]
            zi16 = jnp.zeros((16,), jnp.int32)
            dx_s = _bsum(jnp.where(iota == pos_s, dx0, zi16)
                         + jnp.where(iota + 16 == pos_s, dx1, zi16))
            dy_s = _bsum(jnp.where(iota == pos_s, dy0, zi16)
                         + jnp.where(iota + 16 == pos_s, dy1, zi16))
            qof_s = (bb_s + jnp.clip(ay_s + dy_s, 0, H - 1) * W
                     + jnp.clip(ax_s + dx_s, 0, W - 1))

            def upd(c, val):
                return tuple(jnp.where(iota == kp - 16 * g, val, c[g])
                             for g in range(3))

            return (upd(pos_c, pos_s), upd(psc_c, psc_s), upd(ax_c, ax_s),
                    upd(ay_c, ay_s), upd(msk_c, msk_s), upd(q1_c, q1_s),
                    upd(qof_c, qof_s))

        zi = jnp.zeros((16,), jnp.int32)
        zf = jnp.zeros((16,), jnp.float32)
        t3i = (zi, zi, zi)
        t3f = (zf, zf, zf)
        (pos_c, psc_c, ax_c, ay_c, msk_c, q1_c, qof_c) = lax.fori_loop(
            0, CK, kp_body, (t3i, t3f, t3i, t3i, t3i, t3f, t3i))

        for g in range(3):
            sl = pl.ds(g * 16, 16)
            qidx_v[sl] = qof_c[g]
            pscv[sl] = psc_c[g]
            axv[sl] = ax_c[g]
            ayv[sl] = ay_c[g]
            mskv[sl] = msk_c[g]

        pltpu.async_copy(aux.at[qidx_v], q2_v, sem).wait()

        def q_body(kp, qv_c):
            qrow = q2_v[kp, pl.ds(0, 16)]
            q2_s = _lane(qrow, 3)
            zf16 = jnp.zeros((16,), jnp.float32)
            q1_s = _bsum(sum(jnp.where(iota == kp - 16 * g, q1_c[g], zf16)
                             for g in range(3)))
            val = (q1_s + q2_s) * 0.5
            return tuple(jnp.where(iota == kp - 16 * g, val, qv_c[g])
                         for g in range(3))

        qv_c = lax.fori_loop(0, CK, q_body, t3f)
        for g in range(3):
            qltv[pl.ds(g * 16, 16)] = qv_c[g]

        pltpu.sync_copy(nall_v, nallo.at[pl.ds(base, CK)])
        pltpu.sync_copy(pscv, psco.at[pl.ds(base, CK)])
        pltpu.sync_copy(qltv, qlto.at[pl.ds(base, CK)])
        pltpu.sync_copy(mskv, msko.at[pl.ds(base, CK)])
        pltpu.sync_copy(axv, axo.at[pl.ds(base, CK)])
        pltpu.sync_copy(ayv, ayo.at[pl.ds(base, CK)])
        return 0

    lax.fori_loop(0, NCHUNK, chunk_body, 0)


_sc_kernel_cache = None


def _get_sc_kernel():
    global _sc_kernel_cache
    if _sc_kernel_cache is not None:
        return _sc_kernel_cache
    mesh = plsc.VectorSubcoreMesh(core_axis_name="c", subcore_axis_name="s",
                                  num_cores=2, num_subcores=16)
    _sc_kernel_cache = functools.partial(
        pl.kernel,
        compiler_params=pltpu.CompilerParams(use_tc_tiling_on_sc=False),
        out_type=(
        jax.ShapeDtypeStruct((N, NP48), jnp.float32),
        jax.ShapeDtypeStruct((N,), jnp.float32),
        jax.ShapeDtypeStruct((N,), jnp.float32),
        jax.ShapeDtypeStruct((N,), jnp.int32),
        jax.ShapeDtypeStruct((N,), jnp.int32),
        jax.ShapeDtypeStruct((N,), jnp.int32),
        jax.ShapeDtypeStruct((N, D), jnp.float32),
        jax.ShapeDtypeStruct((N, D), jnp.float32),
    ),
        mesh=mesh,
        scratch_types=[
        pltpu.VMEM((CK,), jnp.int32),
        pltpu.VMEM((CK,), jnp.int32),
        pltpu.VMEM((CK, D), jnp.float32),
        pltpu.VMEM((CK, 16), jnp.float32),
        pltpu.VMEM((CK, NP48), jnp.int32),
        pltpu.VMEM((8, NP48, D), jnp.float32),
        pltpu.VMEM((CK, NP48), jnp.float32),
        pltpu.VMEM((CK,), jnp.int32),
        pltpu.VMEM((CK,), jnp.int32),
        pltpu.VMEM((CK,), jnp.int32),
        pltpu.VMEM((CK,), jnp.int32),
        pltpu.VMEM((CK, 16), jnp.float32),
        pltpu.VMEM((CK,), jnp.float32),
        pltpu.VMEM((CK,), jnp.float32),
        pltpu.VMEM((CK,), jnp.int32),
        pltpu.VMEM((NP48,), jnp.int32),
        pltpu.VMEM((NP48,), jnp.int32),
        pltpu.VMEM((CK, D), jnp.float32),
        pltpu.SemaphoreType.DMA,
        pltpu.SemaphoreType.DMA,
        pltpu.SemaphoreType.DMA,
        pltpu.SemaphoreType.DMA,
        pltpu.SemaphoreType.DMA,
        pltpu.SemaphoreType.DMA,
        pltpu.SemaphoreType.DMA,
        pltpu.SemaphoreType.DMA,
        pltpu.SemaphoreType.DMA,
        ],
    )(_sc_body)
    return _sc_kernel_cache


BM = 512


def _score_body(s13_ref, s1_ref, distr_ref, ax_ref, ay_ref, b1_ref,
                xd_ref, yd_ref, bd_ref, out_ref):
    s1 = s1_ref[...]
    dt = distr_ref[...]
    dsc = lax.dot_general(s1, dt, (((1,), (1,)), ((), ())),
                          preferred_element_type=jnp.float32)
    dx = xd_ref[...] - ax_ref[...]
    dy = yd_ref[...] - ay_ref[...]
    dis2 = dx * dx + dy * dy + jnp.where(bd_ref[...] != b1_ref[...], 9, 0)
    dsc = jnp.where(dis2 < 9, jnp.float32(0), dsc)
    out_ref[...] = jnp.concatenate([s13_ref[...][:, :1 + NN], dsc], axis=1)


def _run_scores(s13, s1, distr, ax, ay, b1, xd, yd, bd):
    grid = (N // BM,)
    return pl.pallas_call(
        _score_body,
        grid=grid,
        in_specs=[
            pl.BlockSpec((BM, 16), lambda i: (i, 0)),
            pl.BlockSpec((BM, D), lambda i: (i, 0)),
            pl.BlockSpec((N, D), lambda i: (0, 0)),
            pl.BlockSpec((BM, 1), lambda i: (i, 0)),
            pl.BlockSpec((BM, 1), lambda i: (i, 0)),
            pl.BlockSpec((BM, 1), lambda i: (i, 0)),
            pl.BlockSpec((1, N), lambda i: (0, 0)),
            pl.BlockSpec((1, N), lambda i: (0, 0)),
            pl.BlockSpec((1, N), lambda i: (0, 0)),
        ],
        out_specs=pl.BlockSpec((BM, 1 + NN + N), lambda i: (i, 0)),
        out_shape=jax.ShapeDtypeStruct((N, 1 + NN + N), jnp.float32),
    )(s13, s1, distr, ax, ay, b1, xd, yd, bd)


def kernel(des1, det1, qlt1, des2, det2, qlt2, aflow):
    des1v = des1.transpose(0, 2, 3, 1).reshape(B * HW, D)
    des2v = des2.transpose(0, 2, 3, 1).reshape(B * HW, D)
    bbase = jnp.repeat(jnp.arange(B, dtype=jnp.float32) * HW, HW)
    aux = jnp.concatenate(
        [aflow.transpose(0, 2, 3, 1).reshape(B * HW, 2),
         qlt1.reshape(B * HW, 1), qlt2.reshape(B * HW, 1),
         bbase[:, None], jnp.zeros((B * HW, 11), jnp.float32)], axis=1)
    ptab = jnp.asarray(np.stack([_alldx, _alldy]))

    samp = _run_sample(det1, det2)
    off1 = samp[0, :N]
    off2 = samp[0, N:]
    xd = samp[2, N:][None, :]
    yd = samp[1, N:][None, :]

    nall, psc, qlt, msk, ax, ay, s1, distr = _get_sc_kernel()(
        des1v, des2v, aux, off1, off2, ptab)

    b1 = jnp.repeat(jnp.arange(B, dtype=jnp.int32), NPC)
    s13 = jnp.concatenate(
        [psc[:, None], nall[:, P:P + NN],
         jnp.zeros((N, 3), jnp.float32)], axis=1)
    scores = _run_scores(s13, s1, distr, ax[:, None], ay[:, None],
                         b1[:, None], xd, yd, bd=b1[None, :])

    labels = jnp.zeros(scores.shape, dtype=bool).at[:, :1].set(True)
    mask = msk.astype(bool).reshape(B, NPC)
    return scores, labels, mask, qlt[:, None]

# --- scband reference (transcript-rebuilt; emitter-appended) ---
"""Pipeline reference for scband-detection-sampler-46385646797219 (READ-ONLY COPY).

The authoritative reference and input builder live on the scoring server;
editing this copy changes nothing except your own understanding.
"""

import jax
import jax.numpy as jnp
import numpy as np

POS_R = 3
NEG_MIN_R = 7
NEG_MAX_R = 8
NEG_STEP = 2
CELL_D = 8
BORDER = 16
MAX_NEG_B = 8

_pos_np = np.array([(i, j) for i in range(-POS_R, POS_R + 1) for j in range(-POS_R, POS_R + 1) if i * i + j * j <= POS_R * POS_R], dtype=np.int32).reshape(-1, 2).T
_neg_np = np.array([(i, j) for i in range(-NEG_MAX_R, NEG_MAX_R + 1, NEG_STEP) for j in range(-NEG_MAX_R, NEG_MAX_R + 1, NEG_STEP) if NEG_MIN_R ** 2 <= i * i + j * j <= NEG_MAX_R ** 2], dtype=np.int32).reshape(-1, 2).T


def pixel_unshuffle(x, r):
    # torch F.pixel_unshuffle: out[..., c*r*r + i*r + j, h, w] = in[..., c, h*r+i, w*r+j]
    lead = x.shape[:-3]
    C, H, W = x.shape[-3:]
    nl = len(lead)
    x = x.reshape(lead + (C, H // r, r, W // r, r))
    perm = tuple(range(nl)) + (nl, nl + 2, nl + 4, nl + 1, nl + 3)
    x = jnp.transpose(x, perm)
    return x.reshape(lead + (C * r * r, H // r, W // r))


def unit_xy(W, H):
    # unit_aflow(W, H): (H, W, 2) grid with last dim (x, y); permuted to (2, H, W)
    g = np.stack(np.meshgrid(np.arange(W), np.arange(H)), axis=2).astype(np.int32)
    return jnp.asarray(np.transpose(g, (2, 0, 1)))


def _sample(det, uxy, max_b=None):
    B, _, H, W = det.shape
    if max_b is not None:
        B = min(max_b, B)
    t = BORDER
    d_det = pixel_unshuffle(det[:B, :, t:H - t, t:W - t], CELL_D)
    idxs = jnp.argmax(d_det, axis=1)[:, None]  # [B,1,h,w]
    ua = jnp.broadcast_to(uxy[None, :, None, t:H - t, t:W - t], (B, 2, 1, H - 2 * t, W - 2 * t))
    d_xy = pixel_unshuffle(ua, CELL_D)  # [B,2,cd*cd,h,w]
    dI = jnp.broadcast_to(idxs[:, None, :, :, :], (B, 2, 1) + idxs.shape[2:])
    s_xy = jnp.take_along_axis(d_xy, dI, axis=2)[:, :, 0]  # [B,2,h,w]
    x = s_xy[:, 0].reshape(-1)
    y = s_xy[:, 1].reshape(-1)
    n = x.shape[0] // B
    b = jnp.broadcast_to(jnp.arange(B)[:, None], (B, n)).reshape(-1)
    return b, x, y, n


def _forward(des1, det1, qlt1, des2, det2, qlt2, aflow):
    pos_offsets = jnp.asarray(_pos_np)  # [2, 29]
    neg_offsets = jnp.asarray(_neg_np)  # [2, 12]
    B, _, H, W = aflow.shape
    uxy = unit_xy(W, H)
    b, y1, x1, n = _sample(det1, uxy)
    s_des1 = des1[b, :, y1, x1]  # [N, D]
    xy2 = jnp.transpose((aflow[b, :, y1, x1] + 0.5).astype(jnp.int32))  # [2, N]
    mask = ((0 <= xy2[0]) & (0 <= xy2[1]) & (xy2[0] < W) & (xy2[1] < H)).reshape(B, n)

    def clamp(xy):
        return jnp.stack([jnp.clip(xy[0], 0, W - 1), jnp.clip(xy[1], 0, H - 1)], axis=0)

    xy2p = clamp(xy2[:, None, :] + pos_offsets[:, :, None])  # [2, P, N]
    pscores = jnp.sum(s_des1[None, :, :] * des2[b, :, xy2p[1], xy2p[0]], axis=-1).T  # [N, P]
    pos = jnp.argmax(pscores, axis=1)
    psc = jnp.max(pscores, axis=1, keepdims=True)  # [N, 1]
    sel_xy2 = clamp(xy2 + pos_offsets[:, pos])  # [2, N]
    qlt = (qlt1[b, :, y1, x1] + qlt2[b, :, sel_xy2[1], sel_xy2[0]]) / 2  # [N, 1]
    xy2n = clamp(xy2[:, None, :] + neg_offsets[:, :, None])  # [2, Nn, N]
    nscores = jnp.sum(s_des1[None, :, :] * des2[b, :, xy2n[1], xy2n[0]], axis=-1).T  # [N, Nn]
    bd, yd, xd, _ = _sample(det2, uxy, max_b=MAX_NEG_B)
    distr = des2[bd, :, yd, xd]  # [Nd, D]
    dscores = s_des1 @ distr.T  # [N, Nd]
    dis2 = (xd[None, :] - xy2[0][:, None]) ** 2 + (yd[None, :] - xy2[1][:, None]) ** 2
    dis2 = dis2 + (bd[None, :] != b[:, None]).astype(dis2.dtype) * (POS_R ** 2)
    dscores = jnp.where(dis2 < POS_R ** 2, jnp.zeros((), dscores.dtype), dscores)
    scores = jnp.concatenate([psc, nscores, dscores], axis=1)
    labels = jnp.zeros(scores.shape, dtype=bool).at[:, :psc.shape[1]].set(True)
    return scores, labels, mask, qlt


def setup_inputs(seed: int = 0):
    key = jax.random.key(seed)
    ks = jax.random.split(key, 7)
    B, D, H, W = 8, 128, 224, 224
    return {
        "des1": jax.random.normal(ks[0], (B, D, H, W), jnp.float32),
        "det1": jax.random.uniform(ks[1], (B, 1, H, W), jnp.float32),
        "qlt1": jax.random.uniform(ks[2], (B, 1, H, W), jnp.float32),
        "des2": jax.random.normal(ks[3], (B, D, H, W), jnp.float32),
        "det2": jax.random.uniform(ks[4], (B, 1, H, W), jnp.float32),
        "qlt2": jax.random.uniform(ks[5], (B, 1, H, W), jnp.float32),
        "aflow": jax.random.uniform(ks[6], (B, 2, H, W), jnp.float32, minval=-12.0, maxval=236.0),
    }


def reference(des1, det1, qlt1, des2, det2, qlt2, aflow):
    return _forward(des1, det1, qlt1, des2, det2, qlt2, aflow)

if __name__ == "__main__":
    import jax
    _d = setup_inputs()
    print(jax.jit(kernel)(*tuple(_d.values())))

</pallas_src>

<mosaic_0001>
#map = affine_map<(d0, d1) -> (0, 0)>
#map1 = affine_map<(d0, d1) -> (0)>
module attributes {stable_mosaic.version = 14 : i64} {
  func.func @_sc_body(%arg0: i32, %arg1: i32, %arg2: memref<401408x128xf32, #tpu.memory_space<hbm>>, %arg3: memref<401408x128xf32, #tpu.memory_space<hbm>>, %arg4: memref<401408x16xf32, #tpu.memory_space<hbm>>, %arg5: memref<4608xi32, #tpu.memory_space<hbm>>, %arg6: memref<4608xi32, #tpu.memory_space<hbm>>, %arg7: memref<2x48xi32, #tpu.memory_space<hbm>>, %arg8: memref<4608x48xf32, #tpu.memory_space<hbm>>, %arg9: memref<4608xf32, #tpu.memory_space<hbm>>, %arg10: memref<4608xf32, #tpu.memory_space<hbm>>, %arg11: memref<4608xi32, #tpu.memory_space<hbm>>, %arg12: memref<4608xi32, #tpu.memory_space<hbm>>, %arg13: memref<4608xi32, #tpu.memory_space<hbm>>, %arg14: memref<4608x128xf32, #tpu.memory_space<hbm>>, %arg15: memref<4608x128xf32, #tpu.memory_space<hbm>>, %arg16: memref<48xi32, #tpu.memory_space<vmem>>, %arg17: memref<48xi32, #tpu.memory_space<vmem>>, %arg18: memref<48x128xf32, #tpu.memory_space<vmem>>, %arg19: memref<48x16xf32, #tpu.memory_space<vmem>>, %arg20: memref<48x48xi32, #tpu.memory_space<vmem>>, %arg21: memref<8x48x128xf32, #tpu.memory_space<vmem>>, %arg22: memref<48x48xf32, #tpu.memory_space<vmem>>, %arg23: memref<48xi32, #tpu.memory_space<vmem>>, %arg24: memref<48xi32, #tpu.memory_space<vmem>>, %arg25: memref<48xi32, #tpu.memory_space<vmem>>, %arg26: memref<48xi32, #tpu.memory_space<vmem>>, %arg27: memref<48x16xf32, #tpu.memory_space<vmem>>, %arg28: memref<48xf32, #tpu.memory_space<vmem>>, %arg29: memref<48xf32, #tpu.memory_space<vmem>>, %arg30: memref<48xi32, #tpu.memory_space<vmem>>, %arg31: memref<48xi32, #tpu.memory_space<vmem>>, %arg32: memref<48xi32, #tpu.memory_space<vmem>>, %arg33: memref<48x128xf32, #tpu.memory_space<vmem>>, %arg34: memref<!tpu.dma_semaphore, #tpu.memory_space<semaphore_mem>>, %arg35: memref<!tpu.dma_semaphore, #tpu.memory_space<semaphore_mem>>, %arg36: memref<!tpu.dma_semaphore, #tpu.memory_space<semaphore_mem>>, %arg37: memref<!tpu.dma_semaphore, #tpu.memory_space<semaphore_mem>>, %arg38: memref<!tpu.dma_semaphore, #tpu.memory_space<semaphore_mem>>, %arg39: memref<!tpu.dma_semaphore, #tpu.memory_space<semaphore_mem>>, %arg40: memref<!tpu.dma_semaphore, #tpu.memory_space<semaphore_mem>>, %arg41: memref<!tpu.dma_semaphore, #tpu.memory_space<semaphore_mem>>, %arg42: memref<!tpu.dma_semaphore, #tpu.memory_space<semaphore_mem>>) attributes {dimension_semantics = [#tpu.dimension_semantics<core_parallel>, #tpu.dimension_semantics<subcore_parallel>], iteration_bounds = array<i64: 2, 16>, scalar_prefetch = 0 : i64, scratch_operands = 27 : i64, tpu.core_type = #tpu.core_type<sc_vector_subcore>, window_params = [{transform_indices = #map}, {transform_indices = #map}, {transform_indices = #map}, {transform_indices = #map1}, {transform_indices = #map1}, {transform_indices = #map}, {transform_indices = #map}, {transform_indices = #map1}, {transform_indices = #map1}, {transform_indices = #map1}, {transform_indices = #map1}, {transform_indices = #map1}, {transform_indices = #map}, {transform_indices = #map}]} {
    %mul3A = arith.constant 2 : i32
    %mul3A_0 = arith.muli %arg1, %mul3A : i32
    %add3A = arith.addi %mul3A_0, %arg0 : i32
    %iota3A = tpu.iota {dimensions = array<i32: 0>} : vector<16xi32>
    %run_scoped3A = arith.constant 0 : i32
    "tpu.region"() ({
      %run_scoped3A_8 = tpu.sem_alloc : memref<!tpu.dma_semaphore, #tpu.memory_space<semaphore_mem>>
      %dma_start3A = arith.constant 0 : i32
      %dma_start3A_9 = tpu.memref_slice %arg7[%run_scoped3A, %dma_start3A] : memref<2x48xi32, #tpu.memory_space<hbm>> -> memref<1x48xi32, #tpu.memory_space<hbm>>
      %dma_start3A_10 = tpu.memref_squeeze %dma_start3A_9 : memref<1x48xi32, #tpu.memory_space<hbm>> -> memref<48xi32, #tpu.memory_space<hbm>>
      %dma_start3A_11 = arith.constant 0 : i32
      %dma_start3A_12 = tpu.memref_slice %arg7[%run_scoped3A, %dma_start3A_11] : memref<2x48xi32, #tpu.memory_space<hbm>> -> memref<1x48xi32, #tpu.memory_space<hbm>>
      %dma_start3A_13 = tpu.memref_squeeze %dma_start3A_12 : memref<1x48xi32, #tpu.memory_space<hbm>> -> memref<48xi32, #tpu.memory_space<hbm>>
      tpu.enqueue_dma source(%dma_start3A_13 : memref<48xi32, #tpu.memory_space<hbm>>) target(%arg31 : memref<48xi32, #tpu.memory_space<vmem>>) target_semaphore(%run_scoped3A_8 : memref<!tpu.dma_semaphore, #tpu.memory_space<semaphore_mem>>)
      %dma_wait3A = arith.constant 0 : i32
      %dma_wait3A_14 = tpu.memref_slice %arg7[%run_scoped3A, %dma_wait3A] : memref<2x48xi32, #tpu.memory_space<hbm>> -> memref<1x48xi32, #tpu.memory_space<hbm>>
      %dma_wait3A_15 = tpu.memref_squeeze %dma_wait3A_14 : memref<1x48xi32, #tpu.memory_space<hbm>> -> memref<48xi32, #tpu.memory_space<hbm>>
      %dma_wait3A_16 = arith.constant 0 : i32
      %dma_wait3A_17 = tpu.memref_slice %arg7[%run_scoped3A, %dma_wait3A_16] : memref<2x48xi32, #tpu.memory_space<hbm>> -> memref<1x48xi32, #tpu.memory_space<hbm>>
      %dma_wait3A_18 = tpu.memref_squeeze %dma_wait3A_17 : memref<1x48xi32, #tpu.memory_space<hbm>> -> memref<48xi32, #tpu.memory_space<hbm>>
      tpu.wait_dma2 semaphore(%run_scoped3A_8 : memref<!tpu.dma_semaphore, #tpu.memory_space<semaphore_mem>>) src(%dma_wait3A_18 : memref<48xi32, #tpu.memory_space<hbm>>) dst(%arg31 : memref<48xi32, #tpu.memory_space<vmem>>)
      tpu.yield
    }) : () -> ()
    %run_scoped3A_1 = arith.constant 1 : i32
    "tpu.region"() ({
      %run_scoped3A_8 = tpu.sem_alloc : memref<!tpu.dma_semaphore, #tpu.memory_space<semaphore_mem>>
      %dma_start3A = arith.constant 0 : i32
      %dma_start3A_9 = tpu.memref_slice %arg7[%run_scoped3A_1, %dma_start3A] : memref<2x48xi32, #tpu.memory_space<hbm>> -> memref<1x48xi32, #tpu.memory_space<hbm>>
      %dma_start3A_10 = tpu.memref_squeeze %dma_start3A_9 : memref<1x48xi32, #tpu.memory_space<hbm>> -> memref<48xi32, #tpu.memory_space<hbm>>
      %dma_start3A_11 = arith.constant 0 : i32
      %dma_start3A_12 = tpu.memref_slice %arg7[%run_scoped3A_1, %dma_start3A_11] : memref<2x48xi32, #tpu.memory_space<hbm>> -> memref<1x48xi32, #tpu.memory_space<hbm>>
      %dma_start3A_13 = tpu.memref_squeeze %dma_start3A_12 : memref<1x48xi32, #tpu.memory_space<hbm>> -> memref<48xi32, #tpu.memory_space<hbm>>
      tpu.enqueue_dma source(%dma_start3A_13 : memref<48xi32, #tpu.memory_space<hbm>>) target(%arg32 : memref<48xi32, #tpu.memory_space<vmem>>) target_semaphore(%run_scoped3A_8 : memref<!tpu.dma_semaphore, #tpu.memory_space<semaphore_mem>>)
      %dma_wait3A = arith.constant 0 : i32
      %dma_wait3A_14 = tpu.memref_slice %arg7[%run_scoped3A_1, %dma_wait3A] : memref<2x48xi32, #tpu.memory_space<hbm>> -> memref<1x48xi32, #tpu.memory_space<hbm>>
      %dma_wait3A_15 = tpu.memref_squeeze %dma_wait3A_14 : memref<1x48xi32, #tpu.memory_space<hbm>> -> memref<48xi32, #tpu.memory_space<hbm>>
      %dma_wait3A_16 = arith.constant 0 : i32
      %dma_wait3A_17 = tpu.memref_slice %arg7[%run_scoped3A_1, %dma_wait3A_16] : memref<2x48xi32, #tpu.memory_space<hbm>> -> memref<1x48xi32, #tpu.memory_space<hbm>>
      %dma_wait3A_18 = tpu.memref_squeeze %dma_wait3A_17 : memref<1x48xi32, #tpu.memory_space<hbm>> -> memref<48xi32, #tpu.memory_space<hbm>>
      tpu.wait_dma2 semaphore(%run_scoped3A_8 : memref<!tpu.dma_semaphore, #tpu.memory_space<semaphore_mem>>) src(%dma_wait3A_18 : memref<48xi32, #tpu.memory_space<hbm>>) dst(%arg32 : memref<48xi32, #tpu.memory_space<vmem>>)
      tpu.yield
    }) : () -> ()
    %scan3A = arith.constant 0 : i32
    %scan3A_2 = arith.constant 0 : i32
    %scan3A_3 = arith.constant 3 : i32
    %scan3A_4 = arith.addi %scan3A_2, %scan3A_3 : i32
    %scan3A_5 = arith.constant 1 : i32
    %scan3A_6 = scf.for %scan3A_8 = %scan3A_2 to %scan3A_4 step %scan3A_5 iter_args(%scan3A_9 = %scan3A) -> (i32)  : i32 {
      %mul3A_10 = arith.constant 144 : i32
      %mul3A_11 = arith.muli %add3A, %mul3A_10 : i32
      %mul3A_12 = arith.constant 48 : i32
      %mul3A_13 = arith.muli %scan3A_8, %mul3A_12 : i32
      %add3A_14 = arith.addi %mul3A_11, %mul3A_13 : i32
      "tpu.region"() ({
        %run_scoped3A_215 = tpu.sem_alloc : memref<!tpu.dma_semaphore, #tpu.memory_space<semaphore_mem>>
        %dma_start3A_216 = tpu.memref_slice %arg6[%add3A_14] : memref<4608xi32, #tpu.memory_space<hbm>> -> memref<48xi32, #tpu.memory_space<hbm>>
        %dma_start3A_217 = tpu.memref_slice %arg6[%add3A_14] : memref<4608xi32, #tpu.memory_space<hbm>> -> memref<48xi32, #tpu.memory_space<hbm>>
        tpu.enqueue_dma source(%dma_start3A_217 : memref<48xi32, #tpu.memory_space<hbm>>) target(%arg17 : memref<48xi32, #tpu.memory_space<vmem>>) target_semaphore(%run_scoped3A_215 : memref<!tpu.dma_semaphore, #tpu.memory_space<semaphore_mem>>)
        %dma_wait3A_218 = tpu.memref_slice %arg6[%add3A_14] : memref<4608xi32, #tpu.memory_space<hbm>> -> memref<48xi32, #tpu.memory_space<hbm>>
        %dma_wait3A_219 = tpu.memref_slice %arg6[%add3A_14] : memref<4608xi32, #tpu.memory_space<hbm>> -> memref<48xi32, #tpu.memory_space<hbm>>
        tpu.wait_dma2 semaphore(%run_scoped3A_215 : memref<!tpu.dma_semaphore, #tpu.memory_space<semaphore_mem>>) src(%dma_wait3A_219 : memref<48xi32, #tpu.memory_space<hbm>>) dst(%arg17 : memref<48xi32, #tpu.memory_space<vmem>>)
        tpu.yield
      }) : () -> ()
      %dma_start3A = arith.constant 0 : i32
      %dma_start3A_15 = arith.constant 0 : i32
      %dma_start3A_16 = tpu.memref_slice %arg3[%dma_start3A, %dma_start3A_15] : memref<401408x128xf32, #tpu.memory_space<hbm>> -> memref<401408x128xf32, #tpu.memory_space<hbm>>
      tpu.enqueue_indirect_dma source(%dma_start3A_16 : memref<401408x128xf32, #tpu.memory_space<hbm>>) target(%arg33 : memref<48x128xf32, #tpu.memory_space<vmem>>) offsets(%arg17 : memref<48xi32, #tpu.memory_space<vmem>>) semaphore(%arg34 : memref<!tpu.dma_semaphore, #tpu.memory_space<semaphore_mem>>)
      %dma_wait3A = arith.constant 0 : i32
      %dma_wait3A_17 = arith.constant 0 : i32
      %dma_wait3A_18 = tpu.memref_slice %arg3[%dma_wait3A, %dma_wait3A_17] : memref<401408x128xf32, #tpu.memory_space<hbm>> -> memref<401408x128xf32, #tpu.memory_space<hbm>>
      tpu.wait_indirect_dma semaphore(%arg34 : memref<!tpu.dma_semaphore, #tpu.memory_space<semaphore_mem>>) src(%dma_wait3A_18 : memref<401408x128xf32, #tpu.memory_space<hbm>>) dst(%arg33 : memref<48x128xf32, #tpu.memory_space<vmem>>)
      "tpu.region"() ({
        %run_scoped3A_215 = tpu.sem_alloc : memref<!tpu.dma_semaphore, #tpu.memory_space<semaphore_mem>>
        %dma_start3A_216 = arith.constant 0 : i32
        %dma_start3A_217 = tpu.memref_slice %arg15[%add3A_14, %dma_start3A_216] : memref<4608x128xf32, #tpu.memory_space<hbm>> -> memref<48x128xf32, #tpu.memory_space<hbm>>
        %dma_start3A_218 = arith.constant 0 : i32
        %dma_start3A_219 = tpu.memref_slice %arg15[%add3A_14, %dma_start3A_218] : memref<4608x128xf32, #tpu.memory_space<hbm>> -> memref<48x128xf32, #tpu.memory_space<hbm>>
        tpu.enqueue_dma source(%arg33 : memref<48x128xf32, #tpu.memory_space<vmem>>) target(%dma_start3A_219 : memref<48x128xf32, #tpu.memory_space<hbm>>) target_semaphore(%run_scoped3A_215 : memref<!tpu.dma_semaphore, #tpu.memory_space<semaphore_mem>>)
        %dma_wait3A_220 = arith.constant 0 : i32
        %dma_wait3A_221 = tpu.memref_slice %arg15[%add3A_14, %dma_wait3A_220] : memref<4608x128xf32, #tpu.memory_space<hbm>> -> memref<48x128xf32, #tpu.memory_space<hbm>>
        %dma_wait3A_222 = arith.constant 0 : i32
        %dma_wait3A_223 = tpu.memref_slice %arg15[%add3A_14, %dma_wait3A_222] : memref<4608x128xf32, #tpu.memory_space<hbm>> -> memref<48x128xf32, #tpu.memory_space<hbm>>
        tpu.wait_dma2 semaphore(%run_scoped3A_215 : memref<!tpu.dma_semaphore, #tpu.memory_space<semaphore_mem>>) src(%arg33 : memref<48x128xf32, #tpu.memory_space<vmem>>) dst(%dma_wait3A_223 : memref<48x128xf32, #tpu.memory_space<hbm>>)
        tpu.yield
      }) : () -> ()
      "tpu.region"() ({
        %run_scoped3A_215 = tpu.sem_alloc : memref<!tpu.dma_semaphore, #tpu.memory_space<semaphore_mem>>
        %dma_start3A_216 = tpu.memref_slice %arg5[%add3A_14] : memref<4608xi32, #tpu.memory_space<hbm>> -> memref<48xi32, #tpu.memory_space<hbm>>
        %dma_start3A_217 = tpu.memref_slice %arg5[%add3A_14] : memref<4608xi32, #tpu.memory_space<hbm>> -> memref<48xi32, #tpu.memory_space<hbm>>
        tpu.enqueue_dma source(%dma_start3A_217 : memref<48xi32, #tpu.memory_space<hbm>>) target(%arg16 : memref<48xi32, #tpu.memory_space<vmem>>) target_semaphore(%run_scoped3A_215 : memref<!tpu.dma_semaphore, #tpu.memory_space<semaphore_mem>>)
        %dma_wait3A_218 = tpu.memref_slice %arg5[%add3A_14] : memref<4608xi32, #tpu.memory_space<hbm>> -> memref<48xi32, #tpu.memory_space<hbm>>
        %dma_wait3A_219 = tpu.memref_slice %arg5[%add3A_14] : memref<4608xi32, #tpu.memory_space<hbm>> -> memref<48xi32, #tpu.memory_space<hbm>>
        tpu.wait_dma2 semaphore(%run_scoped3A_215 : memref<!tpu.dma_semaphore, #tpu.memory_space<semaphore_mem>>) src(%dma_wait3A_219 : memref<48xi32, #tpu.memory_space<hbm>>) dst(%arg16 : memref<48xi32, #tpu.memory_space<vmem>>)
        tpu.yield
      }) : () -> ()
      %dma_start3A_19 = arith.constant 0 : i32
      %dma_start3A_20 = arith.constant 0 : i32
      %dma_start3A_21 = tpu.memref_slice %arg2[%dma_start3A_19, %dma_start3A_20] : memref<401408x128xf32, #tpu.memory_space<hbm>> -> memref<401408x128xf32, #tpu.memory_space<hbm>>
      tpu.enqueue_indirect_dma source(%dma_start3A_21 : memref<401408x128xf32, #tpu.memory_space<hbm>>) target(%arg18 : memref<48x128xf32, #tpu.memory_space<vmem>>) offsets(%arg16 : memref<48xi32, #tpu.memory_space<vmem>>) semaphore(%arg34 : memref<!tpu.dma_semaphore, #tpu.memory_space<semaphore_mem>>)
      %dma_wait3A_22 = arith.constant 0 : i32
      %dma_wait3A_23 = arith.constant 0 : i32
      %dma_wait3A_24 = tpu.memref_slice %arg2[%dma_wait3A_22, %dma_wait3A_23] : memref<401408x128xf32, #tpu.memory_space<hbm>> -> memref<401408x128xf32, #tpu.memory_space<hbm>>
      tpu.wait_indirect_dma semaphore(%arg34 : memref<!tpu.dma_semaphore, #tpu.memory_space<semaphore_mem>>) src(%dma_wait3A_24 : memref<401408x128xf32, #tpu.memory_space<hbm>>) dst(%arg18 : memref<48x128xf32, #tpu.memory_space<vmem>>)
      "tpu.region"() ({
        %run_scoped3A_215 = tpu.sem_alloc : memref<!tpu.dma_semaphore, #tpu.memory_space<semaphore_mem>>
        %dma_start3A_216 = arith.constant 0 : i32
        %dma_start3A_217 = tpu.memref_slice %arg14[%add3A_14, %dma_start3A_216] : memref<4608x128xf32, #tpu.memory_space<hbm>> -> memref<48x128xf32, #tpu.memory_space<hbm>>
        %dma_start3A_218 = arith.constant 0 : i32
        %dma_start3A_219 = tpu.memref_slice %arg14[%add3A_14, %dma_start3A_218] : memref<4608x128xf32, #tpu.memory_space<hbm>> -> memref<48x128xf32, #tpu.memory_space<hbm>>
        tpu.enqueue_dma source(%arg18 : memref<48x128xf32, #tpu.memory_space<vmem>>) target(%dma_start3A_219 : memref<48x128xf32, #tpu.memory_space<hbm>>) target_semaphore(%run_scoped3A_215 : memref<!tpu.dma_semaphore, #tpu.memory_space<semaphore_mem>>)
        %dma_wait3A_220 = arith.constant 0 : i32
        %dma_wait3A_221 = tpu.memref_slice %arg14[%add3A_14, %dma_wait3A_220] : memref<4608x128xf32, #tpu.memory_space<hbm>> -> memref<48x128xf32, #tpu.memory_space<hbm>>
        %dma_wait3A_222 = arith.constant 0 : i32
        %dma_wait3A_223 = tpu.memref_slice %arg14[%add3A_14, %dma_wait3A_222] : memref<4608x128xf32, #tpu.memory_space<hbm>> -> memref<48x128xf32, #tpu.memory_space<hbm>>
        tpu.wait_dma2 semaphore(%run_scoped3A_215 : memref<!tpu.dma_semaphore, #tpu.memory_space<semaphore_mem>>) src(%arg18 : memref<48x128xf32, #tpu.memory_space<vmem>>) dst(%dma_wait3A_223 : memref<48x128xf32, #tpu.memory_space<hbm>>)
        tpu.yield
      }) : () -> ()
      %dma_start3A_25 = arith.constant 0 : i32
      %dma_start3A_26 = arith.constant 0 : i32
      %dma_start3A_27 = tpu.memref_slice %arg4[%dma_start3A_25, %dma_start3A_26] : memref<401408x16xf32, #tpu.memory_space<hbm>> -> memref<401408x16xf32, #tpu.memory_space<hbm>>
      tpu.enqueue_indirect_dma source(%dma_start3A_27 : memref<401408x16xf32, #tpu.memory_space<hbm>>) target(%arg19 : memref<48x16xf32, #tpu.memory_space<vmem>>) offsets(%arg16 : memref<48xi32, #tpu.memory_space<vmem>>) semaphore(%arg34 : memref<!tpu.dma_semaphore, #tpu.memory_space<semaphore_mem>>)
      %dma_wait3A_28 = arith.constant 0 : i32
      %dma_wait3A_29 = arith.constant 0 : i32
      %dma_wait3A_30 = tpu.memref_slice %arg4[%dma_wait3A_28, %dma_wait3A_29] : memref<401408x16xf32, #tpu.memory_space<hbm>> -> memref<401408x16xf32, #tpu.memory_space<hbm>>
      tpu.wait_indirect_dma semaphore(%arg34 : memref<!tpu.dma_semaphore, #tpu.memory_space<semaphore_mem>>) src(%dma_wait3A_30 : memref<401408x16xf32, #tpu.memory_space<hbm>>) dst(%arg19 : memref<48x16xf32, #tpu.memory_space<vmem>>)
      %scan3A_31 = arith.constant 0 : i32
      %scan3A_32 = arith.constant 0 : i32
      %scan3A_33 = arith.constant 48 : i32
      %scan3A_34 = arith.addi %scan3A_32, %scan3A_33 : i32
      %scan3A_35 = arith.constant 1 : i32
      %scan3A_36 = scf.for %scan3A_215 = %scan3A_32 to %scan3A_34 step %scan3A_35 iter_args(%scan3A_216 = %scan3A_31) -> (i32)  : i32 {
        %get3A = arith.index_cast %scan3A_215 : i32 to index
        %get3A_217 = arith.constant 0 : index
        %get3A_218 = tpu.vector_load %arg19[%get3A, %get3A_217] {strides = array<i32>} : memref<48x16xf32, #tpu.memory_space<vmem>>, vector<1x16xf32>,
        %get3A_219 = vector.shape_cast %get3A_218 : vector<1x16xf32> to vector<16xf32>
        %eq3A = arith.constant 0 : i32
        %eq3A_220 = vector.broadcast %eq3A : i32 to vector<16xi32>
        %eq3A_221 = arith.cmpi eq, %iota3A, %eq3A_220 : vector<16xi32>
        %broadcast_in_dim3A_222 = arith.constant 0.000000e+00 : f32
        %broadcast_in_dim3A_223 = vector.broadcast %broadcast_in_dim3A_222 : f32 to vector<16xf32>
        %select_n3A = arith.select %eq3A_221, %get3A_219, %broadcast_in_dim3A_223 : vector<16xi1>, vector<16xf32>
        %xor3A = arith.constant 8 : i32
        %xor3A_224 = vector.broadcast %xor3A : i32 to vector<16xi32>
        %xor3A_225 = arith.xori %iota3A, %xor3A_224 : vector<16xi32>
        %broadcast_in_dim3A_226 = vector.shape_cast %xor3A_225 : vector<16xi32> to vector<16x1xi32>
        %gather3A = vector.shape_cast %broadcast_in_dim3A_226 : vector<16x1xi32> to vector<16xi32>
        %gather3A_227 = tpu.dynamic_gather %select_n3A[%gather3A] in [0] : vector<16xf32>, vector<16xi32> -> vector<16xf32>
        %add3A_228 = arith.addf %select_n3A, %gather3A_227 : vector<16xf32>
        %xor3A_229 = arith.constant 4 : i32
        %xor3A_230 = vector.broadcast %xor3A_229 : i32 to vector<16xi32>
        %xor3A_231 = arith.xori %iota3A, %xor3A_230 : vector<16xi32>
        %broadcast_in_dim3A_232 = vector.shape_cast %xor3A_231 : vector<16xi32> to vector<16x1xi32>
        %gather3A_233 = vector.shape_cast %broadcast_in_dim3A_232 : vector<16x1xi32> to vector<16xi32>
        %gather3A_234 = tpu.dynamic_gather %add3A_228[%gather3A_233] in [0] : vector<16xf32>, vector<16xi32> -> vector<16xf32>
        %add3A_235 = arith.addf %add3A_228, %gather3A_234 : vector<16xf32>
        %xor3A_236 = arith.constant 2 : i32
        %xor3A_237 = vector.broadcast %xor3A_236 : i32 to vector<16xi32>
        %xor3A_238 = arith.xori %iota3A, %xor3A_237 : vector<16xi32>
        %broadcast_in_dim3A_239 = vector.shape_cast %xor3A_238 : vector<16xi32> to vector<16x1xi32>
        %gather3A_240 = vector.shape_cast %broadcast_in_dim3A_239 : vector<16x1xi32> to vector<16xi32>
        %gather3A_241 = tpu.dynamic_gather %add3A_235[%gather3A_240] in [0] : vector<16xf32>, vector<16xi32> -> vector<16xf32>
        %add3A_242 = arith.addf %add3A_235, %gather3A_241 : vector<16xf32>
        %xor3A_243 = arith.constant 1 : i32
        %xor3A_244 = vector.broadcast %xor3A_243 : i32 to vector<16xi32>
        %xor3A_245 = arith.xori %iota3A, %xor3A_244 : vector<16xi32>
        %broadcast_in_dim3A_246 = vector.shape_cast %xor3A_245 : vector<16xi32> to vector<16x1xi32>
        %gather3A_247 = vector.shape_cast %broadcast_in_dim3A_246 : vector<16x1xi32> to vector<16xi32>
        %gather3A_248 = tpu.dynamic_gather %add3A_242[%gather3A_247] in [0] : vector<16xf32>, vector<16xi32> -> vector<16xf32>
        %add3A_249 = arith.addf %add3A_242, %gather3A_248 : vector<16xf32>
        %add3A_250 = arith.constant 5.000000e-01 : f32
        %add3A_251 = vector.broadcast %add3A_250 : f32 to vector<16xf32>
        %add3A_252 = arith.addf %add3A_249, %add3A_251 : vector<16xf32>
        %convert_element_type3A = arith.fptosi %add3A_252 : vector<16xf32> to vector<16xi32>
        %eq3A_253 = arith.constant 1 : i32
        %eq3A_254 = vector.broadcast %eq3A_253 : i32 to vector<16xi32>
        %eq3A_255 = arith.cmpi eq, %iota3A, %eq3A_254 : vector<16xi32>
        %broadcast_in_dim3A_256 = arith.constant 0.000000e+00 : f32
        %broadcast_in_dim3A_257 = vector.broadcast %broadcast_in_dim3A_256 : f32 to vector<16xf32>
        %select_n3A_258 = arith.select %eq3A_255, %get3A_219, %broadcast_in_dim3A_257 : vector<16xi1>, vector<16xf32>
        %xor3A_259 = arith.constant 8 : i32
        %xor3A_260 = vector.broadcast %xor3A_259 : i32 to vector<16xi32>
        %xor3A_261 = arith.xori %iota3A, %xor3A_260 : vector<16xi32>
        %broadcast_in_dim3A_262 = vector.shape_cast %xor3A_261 : vector<16xi32> to vector<16x1xi32>
        %gather3A_263 = vector.shape_cast %broadcast_in_dim3A_262 : vector<16x1xi32> to vector<16xi32>
        %gather3A_264 = tpu.dynamic_gather %select_n3A_258[%gather3A_263] in [0] : vector<16xf32>, vector<16xi32> -> vector<16xf32>
        %add3A_265 = arith.addf %select_n3A_258, %gather3A_264 : vector<16xf32>
        %xor3A_266 = arith.constant 4 : i32
        %xor3A_267 = vector.broadcast %xor3A_266 : i32 to vector<16xi32>
        %xor3A_268 = arith.xori %iota3A, %xor3A_267 : vector<16xi32>
        %broadcast_in_dim3A_269 = vector.shape_cast %xor3A_268 : vector<16xi32> to vector<16x1xi32>
        %gather3A_270 = vector.shape_cast %broadcast_in_dim3A_269 : vector<16x1xi32> to vector<16xi32>
        %gather3A_271 = tpu.dynamic_gather %add3A_265[%gather3A_270] in [0] : vector<16xf32>, vector<16xi32> -> vector<16xf32>
        %add3A_272 = arith.addf %add3A_265, %gather3A_271 : vector<16xf32>
        %xor3A_273 = arith.constant 2 : i32
        %xor3A_274 = vector.broadcast %xor3A_273 : i32 to vector<16xi32>
        %xor3A_275 = arith.xori %iota3A, %xor3A_274 : vector<16xi32>
        %broadcast_in_dim3A_276 = vector.shape_cast %xor3A_275 : vector<16xi32> to vector<16x1xi32>
        %gather3A_277 = vector.shape_cast %broadcast_in_dim3A_276 : vector<16x1xi32> to vector<16xi32>
        %gather3A_278 = tpu.dynamic_gather %add3A_272[%gather3A_277] in [0] : vector<16xf32>, vector<16xi32> -> vector<16xf32>
        %add3A_279 = arith.addf %add3A_272, %gather3A_278 : vector<16xf32>
        %xor3A_280 = arith.constant 1 : i32
        %xor3A_281 = vector.broadcast %xor3A_280 : i32 to vector<16xi32>
        %xor3A_282 = arith.xori %iota3A, %xor3A_281 : vector<16xi32>
        %broadcast_in_dim3A_283 = vector.shape_cast %xor3A_282 : vector<16xi32> to vector<16x1xi32>
        %gather3A_284 = vector.shape_cast %broadcast_in_dim3A_283 : vector<16x1xi32> to vector<16xi32>
        %gather3A_285 = tpu.dynamic_gather %add3A_279[%gather3A_284] in [0] : vector<16xf32>, vector<16xi32> -> vector<16xf32>
        %add3A_286 = arith.addf %add3A_279, %gather3A_285 : vector<16xf32>
        %add3A_287 = arith.constant 5.000000e-01 : f32
        %add3A_288 = vector.broadcast %add3A_287 : f32 to vector<16xf32>
        %add3A_289 = arith.addf %add3A_286, %add3A_288 : vector<16xf32>
        %convert_element_type3A_290 = arith.fptosi %add3A_289 : vector<16xf32> to vector<16xi32>
        %eq3A_291 = arith.constant 4 : i32
        %eq3A_292 = vector.broadcast %eq3A_291 : i32 to vector<16xi32>
        %eq3A_293 = arith.cmpi eq, %iota3A, %eq3A_292 : vector<16xi32>
        %broadcast_in_dim3A_294 = arith.constant 0.000000e+00 : f32
        %broadcast_in_dim3A_295 = vector.broadcast %broadcast_in_dim3A_294 : f32 to vector<16xf32>
        %select_n3A_296 = arith.select %eq3A_293, %get3A_219, %broadcast_in_dim3A_295 : vector<16xi1>, vector<16xf32>
        %xor3A_297 = arith.constant 8 : i32
        %xor3A_298 = vector.broadcast %xor3A_297 : i32 to vector<16xi32>
        %xor3A_299 = arith.xori %iota3A, %xor3A_298 : vector<16xi32>
        %broadcast_in_dim3A_300 = vector.shape_cast %xor3A_299 : vector<16xi32> to vector<16x1xi32>
        %gather3A_301 = vector.shape_cast %broadcast_in_dim3A_300 : vector<16x1xi32> to vector<16xi32>
        %gather3A_302 = tpu.dynamic_gather %select_n3A_296[%gather3A_301] in [0] : vector<16xf32>, vector<16xi32> -> vector<16xf32>
        %add3A_303 = arith.addf %select_n3A_296, %gather3A_302 : vector<16xf32>
        %xor3A_304 = arith.constant 4 : i32
        %xor3A_305 = vector.broadcast %xor3A_304 : i32 to vector<16xi32>
        %xor3A_306 = arith.xori %iota3A, %xor3A_305 : vector<16xi32>
        %broadcast_in_dim3A_307 = vector.shape_cast %xor3A_306 : vector<16xi32> to vector<16x1xi32>
        %gather3A_308 = vector.shape_cast %broadcast_in_dim3A_307 : vector<16x1xi32> to vector<16xi32>
        %gather3A_309 = tpu.dynamic_gather %add3A_303[%gather3A_308] in [0] : vector<16xf32>, vector<16xi32> -> vector<16xf32>
        %add3A_310 = arith.addf %add3A_303, %gather3A_309 : vector<16xf32>
        %xor3A_311 = arith.constant 2 : i32
        %xor3A_312 = vector.broadcast %xor3A_311 : i32 to vector<16xi32>
        %xor3A_313 = arith.xori %iota3A, %xor3A_312 : vector<16xi32>
        %broadcast_in_dim3A_314 = vector.shape_cast %xor3A_313 : vector<16xi32> to vector<16x1xi32>
        %gather3A_315 = vector.shape_cast %broadcast_in_dim3A_314 : vector<16x1xi32> to vector<16xi32>
        %gather3A_316 = tpu.dynamic_gather %add3A_310[%gather3A_315] in [0] : vector<16xf32>, vector<16xi32> -> vector<16xf32>
        %add3A_317 = arith.addf %add3A_310, %gather3A_316 : vector<16xf32>
        %xor3A_318 = arith.constant 1 : i32
        %xor3A_319 = vector.broadcast %xor3A_318 : i32 to vector<16xi32>
        %xor3A_320 = arith.xori %iota3A, %xor3A_319 : vector<16xi32>
        %broadcast_in_dim3A_321 = vector.shape_cast %xor3A_320 : vector<16xi32> to vector<16x1xi32>
        %gather3A_322 = vector.shape_cast %broadcast_in_dim3A_321 : vector<16x1xi32> to vector<16xi32>
        %gather3A_323 = tpu.dynamic_gather %add3A_317[%gather3A_322] in [0] : vector<16xf32>, vector<16xi32> -> vector<16xf32>
        %add3A_324 = arith.addf %add3A_317, %gather3A_323 : vector<16xf32>
        %convert_element_type3A_325 = arith.fptosi %add3A_324 : vector<16xf32> to vector<16xi32>
        %get3A_326 = arith.constant 0 : index
        %get3A_327 = tpu.vector_load %arg31[%get3A_326] {strides = array<i32>} : memref<48xi32, #tpu.memory_space<vmem>>, vector<16xi32>,
        %get3A_328 = vector.shape_cast %get3A_327 : vector<16xi32> to vector<16xi32>
        %get3A_329 = arith.constant 0 : index
        %get3A_330 = tpu.vector_load %arg32[%get3A_329] {strides = array<i32>} : memref<48xi32, #tpu.memory_space<vmem>>, vector<16xi32>,
        %get3A_331 = vector.shape_cast %get3A_330 : vector<16xi32> to vector<16xi32>
        %add3A_332 = arith.addi %convert_element_type3A, %get3A_328 : vector<16xi32>
        %jit3A = arith.constant 0 : i32
        %jit3A_333 = arith.constant 223 : i32
        %max3A = vector.broadcast %jit3A : i32 to vector<16xi32>
        %max3A_334 = arith.maxsi %max3A, %add3A_332 : vector<16xi32>
        %min3A = vector.broadcast %jit3A_333 : i32 to vector<16xi32>
        %min3A_335 = arith.minsi %min3A, %max3A_334 : vector<16xi32>
        %add3A_336 = arith.addi %convert_element_type3A_290, %get3A_331 : vector<16xi32>
        %jit3A_337 = arith.constant 0 : i32
        %jit3A_338 = arith.constant 223 : i32
        %max3A_339 = vector.broadcast %jit3A_337 : i32 to vector<16xi32>
        %max3A_340 = arith.maxsi %max3A_339, %add3A_336 : vector<16xi32>
        %min3A_341 = vector.broadcast %jit3A_338 : i32 to vector<16xi32>
        %min3A_342 = arith.minsi %min3A_341, %max3A_340 : vector<16xi32>
        %mul3A_343 = arith.constant 224 : i32
        %mul3A_344 = vector.broadcast %mul3A_343 : i32 to vector<16xi32>
        %mul3A_345 = arith.muli %min3A_342, %mul3A_344 : vector<16xi32>
        %add3A_346 = arith.addi %convert_element_type3A_325, %mul3A_345 : vector<16xi32>
        %add3A_347 = arith.addi %add3A_346, %min3A_335 : vector<16xi32>
        %swap3A_348 = arith.index_cast %scan3A_215 : i32 to index
        %swap3A_349 = arith.constant 0 : index
        %swap3A_350 = tpu.vector_load %arg20[%swap3A_348, %swap3A_349] {strides = array<i32>} : memref<48x48xi32, #tpu.memory_space<vmem>>, vector<1x16xi32>,
        %swap3A_351 = vector.shape_cast %swap3A_350 : vector<1x16xi32> to vector<16xi32>
        %swap3A_352 = vector.shape_cast %add3A_347 : vector<16xi32> to vector<1x16xi32>
        tpu.vector_store %arg20[%swap3A_348, %swap3A_349], %swap3A_352 {strides = array<i32>} : memref<48x48xi32, #tpu.memory_space<vmem>>, vector<1x16xi32>,
        %get3A_353 = arith.constant 16 : index
        %get3A_354 = tpu.vector_load %arg31[%get3A_353] {strides = array<i32>} : memref<48xi32, #tpu.memory_space<vmem>>, vector<16xi32>,
        %get3A_355 = vector.shape_cast %get3A_354 : vector<16xi32> to vector<16xi32>
        %get3A_356 = arith.constant 16 : index
        %get3A_357 = tpu.vector_load %arg32[%get3A_356] {strides = array<i32>} : memref<48xi32, #tpu.memory_space<vmem>>, vector<16xi32>,
        %get3A_358 = vector.shape_cast %get3A_357 : vector<16xi32> to vector<16xi32>
        %add3A_359 = arith.addi %convert_element_type3A, %get3A_355 : vector<16xi32>
        %jit3A_360 = arith.constant 0 : i32
        %jit3A_361 = arith.constant 223 : i32
        %max3A_362 = vector.broadcast %jit3A_360 : i32 to vector<16xi32>
        %max3A_363 = arith.maxsi %max3A_362, %add3A_359 : vector<16xi32>
        %min3A_364 = vector.broadcast %jit3A_361 : i32 to vector<16xi32>
        %min3A_365 = arith.minsi %min3A_364, %max3A_363 : vector<16xi32>
        %add3A_366 = arith.addi %convert_element_type3A_290, %get3A_358 : vector<16xi32>
        %jit3A_367 = arith.constant 0 : i32
        %jit3A_368 = arith.constant 223 : i32
        %max3A_369 = vector.broadcast %jit3A_367 : i32 to vector<16xi32>
        %max3A_370 = arith.maxsi %max3A_369, %add3A_366 : vector<16xi32>
        %min3A_371 = vector.broadcast %jit3A_368 : i32 to vector<16xi32>
        %min3A_372 = arith.minsi %min3A_371, %max3A_370 : vector<16xi32>
        %mul3A_373 = arith.constant 224 : i32
        %mul3A_374 = vector.broadcast %mul3A_373 : i32 to vector<16xi32>
        %mul3A_375 = arith.muli %min3A_372, %mul3A_374 : vector<16xi32>
        %add3A_376 = arith.addi %convert_element_type3A_325, %mul3A_375 : vector<16xi32>
        %add3A_377 = arith.addi %add3A_376, %min3A_365 : vector<16xi32>
        %swap3A_378 = arith.index_cast %scan3A_215 : i32 to index
        %swap3A_379 = arith.constant 16 : index
        %swap3A_380 = tpu.vector_load %arg20[%swap3A_378, %swap3A_379] {strides = array<i32>} : memref<48x48xi32, #tpu.memory_space<vmem>>, vector<1x16xi32>,
        %swap3A_381 = vector.shape_cast %swap3A_380 : vector<1x16xi32> to vector<16xi32>
        %swap3A_382 = vector.shape_cast %add3A_377 : vector<16xi32> to vector<1x16xi32>
        tpu.vector_store %arg20[%swap3A_378, %swap3A_379], %swap3A_382 {strides = array<i32>} : memref<48x48xi32, #tpu.memory_space<vmem>>, vector<1x16xi32>,
        %get3A_383 = arith.constant 32 : index
        %get3A_384 = tpu.vector_load %arg31[%get3A_383] {strides = array<i32>} : memref<48xi32, #tpu.memory_space<vmem>>, vector<16xi32>,
        %get3A_385 = vector.shape_cast %get3A_384 : vector<16xi32> to vector<16xi32>
        %get3A_386 = arith.constant 32 : index
        %get3A_387 = tpu.vector_load %arg32[%get3A_386] {strides = array<i32>} : memref<48xi32, #tpu.memory_space<vmem>>, vector<16xi32>,
        %get3A_388 = vector.shape_cast %get3A_387 : vector<16xi32> to vector<16xi32>
        %add3A_389 = arith.addi %convert_element_type3A, %get3A_385 : vector<16xi32>
        %jit3A_390 = arith.constant 0 : i32
        %jit3A_391 = arith.constant 223 : i32
        %max3A_392 = vector.broadcast %jit3A_390 : i32 to vector<16xi32>
        %max3A_393 = arith.maxsi %max3A_392, %add3A_389 : vector<16xi32>
        %min3A_394 = vector.broadcast %jit3A_391 : i32 to vector<16xi32>
        %min3A_395 = arith.minsi %min3A_394, %max3A_393 : vector<16xi32>
        %add3A_396 = arith.addi %convert_element_type3A_290, %get3A_388 : vector<16xi32>
        %jit3A_397 = arith.constant 0 : i32
        %jit3A_398 = arith.constant 223 : i32
        %max3A_399 = vector.broadcast %jit3A_397 : i32 to vector<16xi32>
        %max3A_400 = arith.maxsi %max3A_399, %add3A_396 : vector<16xi32>
        %min3A_401 = vector.broadcast %jit3A_398 : i32 to vector<16xi32>
        %min3A_402 = arith.minsi %min3A_401, %max3A_400 : vector<16xi32>
        %mul3A_403 = arith.constant 224 : i32
        %mul3A_404 = vector.broadcast %mul3A_403 : i32 to vector<16xi32>
        %mul3A_405 = arith.muli %min3A_402, %mul3A_404 : vector<16xi32>
        %add3A_406 = arith.addi %convert_element_type3A_325, %mul3A_405 : vector<16xi32>
        %add3A_407 = arith.addi %add3A_406, %min3A_395 : vector<16xi32>
        %swap3A_408 = arith.index_cast %scan3A_215 : i32 to index
        %swap3A_409 = arith.constant 32 : index
        %swap3A_410 = tpu.vector_load %arg20[%swap3A_408, %swap3A_409] {strides = array<i32>} : memref<48x48xi32, #tpu.memory_space<vmem>>, vector<1x16xi32>,
        %swap3A_411 = vector.shape_cast %swap3A_410 : vector<1x16xi32> to vector<16xi32>
        %swap3A_412 = vector.shape_cast %add3A_407 : vector<16xi32> to vector<1x16xi32>
        tpu.vector_store %arg20[%swap3A_408, %swap3A_409], %swap3A_412 {strides = array<i32>} : memref<48x48xi32, #tpu.memory_space<vmem>>, vector<1x16xi32>,
        %scan3A_413 = arith.constant 0 : i32
        scf.yield %scan3A_413 : i32
      }
      %scan3A_37 = arith.constant 48 : i32
      %dma_start3A_38 = arith.constant 0 : i32
      %dma_start3A_39 = arith.constant 0 : i32
      %dma_start3A_40 = arith.constant 0 : i32
      %dma_start3A_41 = arith.constant 0 : i32
      %dma_start3A_42 = tpu.memref_slice %arg21[%dma_start3A_39, %dma_start3A_40, %dma_start3A_41] : memref<8x48x128xf32, #tpu.memory_space<vmem>> -> memref<1x48x128xf32, #tpu.memory_space<vmem>>
      %dma_start3A_43 = tpu.memref_squeeze %dma_start3A_42 : memref<1x48x128xf32, #tpu.memory_space<vmem>> -> memref<48x128xf32, #tpu.memory_space<vmem>>
      %dma_start3A_44 = arith.constant 0 : i32
      %dma_start3A_45 = tpu.memref_slice %arg20[%dma_start3A_38, %dma_start3A_44] : memref<48x48xi32, #tpu.memory_space<vmem>> -> memref<1x48xi32, #tpu.memory_space<vmem>>
      %dma_start3A_46 = tpu.memref_squeeze %dma_start3A_45 : memref<1x48xi32, #tpu.memory_space<vmem>> -> memref<48xi32, #tpu.memory_space<vmem>>
      %dma_start3A_47 = arith.constant 0 : i32
      %dma_start3A_48 = arith.constant 0 : i32
      %dma_start3A_49 = tpu.memref_slice %arg3[%dma_start3A_47, %dma_start3A_48] : memref<401408x128xf32, #tpu.memory_space<hbm>> -> memref<401408x128xf32, #tpu.memory_space<hbm>>
      tpu.enqueue_indirect_dma source(%dma_start3A_49 : memref<401408x128xf32, #tpu.memory_space<hbm>>) target(%dma_start3A_43 : memref<48x128xf32, #tpu.memory_space<vmem>>) offsets(%dma_start3A_46 : memref<48xi32, #tpu.memory_space<vmem>>) semaphore(%arg35 : memref<!tpu.dma_semaphore, #tpu.memory_space<semaphore_mem>>)
      %dma_start3A_50 = arith.constant 1 : i32
      %dma_start3A_51 = arith.constant 1 : i32
      %dma_start3A_52 = arith.constant 0 : i32
      %dma_start3A_53 = arith.constant 0 : i32
      %dma_start3A_54 = tpu.memref_slice %arg21[%dma_start3A_51, %dma_start3A_52, %dma_start3A_53] : memref<8x48x128xf32, #tpu.memory_space<vmem>> -> memref<1x48x128xf32, #tpu.memory_space<vmem>>
      %dma_start3A_55 = tpu.memref_squeeze %dma_start3A_54 : memref<1x48x128xf32, #tpu.memory_space<vmem>> -> memref<48x128xf32, #tpu.memory_space<vmem>>
      %dma_start3A_56 = arith.constant 0 : i32
      %dma_start3A_57 = tpu.memref_slice %arg20[%dma_start3A_50, %dma_start3A_56] : memref<48x48xi32, #tpu.memory_space<vmem>> -> memref<1x48xi32, #tpu.memory_space<vmem>>
      %dma_start3A_58 = tpu.memref_squeeze %dma_start3A_57 : memref<1x48xi32, #tpu.memory_space<vmem>> -> memref<48xi32, #tpu.memory_space<vmem>>
      %dma_start3A_59 = arith.constant 0 : i32
      %dma_start3A_60 = arith.constant 0 : i32
      %dma_start3A_61 = tpu.memref_slice %arg3[%dma_start3A_59, %dma_start3A_60] : memref<401408x128xf32, #tpu.memory_space<hbm>> -> memref<401408x128xf32, #tpu.memory_space<hbm>>
      tpu.enqueue_indirect_dma source(%dma_start3A_61 : memref<401408x128xf32, #tpu.memory_space<hbm>>) target(%dma_start3A_55 : memref<48x128xf32, #tpu.memory_space<vmem>>) offsets(%dma_start3A_58 : memref<48xi32, #tpu.memory_space<vmem>>) semaphore(%arg36 : memref<!tpu.dma_semaphore, #tpu.memory_space<semaphore_mem>>)
      %dma_start3A_62 = arith.constant 2 : i32
      %dma_start3A_63 = arith.constant 2 : i32
      %dma_start3A_64 = arith.constant 0 : i32
      %dma_start3A_65 = arith.constant 0 : i32
      %dma_start3A_66 = tpu.memref_slice %arg21[%dma_start3A_63, %dma_start3A_64, %dma_start3A_65] : memref<8x48x128xf32, #tpu.memory_space<vmem>> -> memref<1x48x128xf32, #tpu.memory_space<vmem>>
      %dma_start3A_67 = tpu.memref_squeeze %dma_start3A_66 : memref<1x48x128xf32, #tpu.memory_space<vmem>> -> memref<48x128xf32, #tpu.memory_space<vmem>>
      %dma_start3A_68 = arith.constant 0 : i32
      %dma_start3A_69 = tpu.memref_slice %arg20[%dma_start3A_62, %dma_start3A_68] : memref<48x48xi32, #tpu.memory_space<vmem>> -> memref<1x48xi32, #tpu.memory_space<vmem>>
      %dma_start3A_70 = tpu.memref_squeeze %dma_start3A_69 : memref<1x48xi32, #tpu.memory_space<vmem>> -> memref<48xi32, #tpu.memory_space<vmem>>
      %dma_start3A_71 = arith.constant 0 : i32
      %dma_start3A_72 = arith.constant 0 : i32
      %dma_start3A_73 = tpu.memref_slice %arg3[%dma_start3A_71, %dma_start3A_72] : memref<401408x128xf32, #tpu.memory_space<hbm>> -> memref<401408x128xf32, #tpu.memory_space<hbm>>
      tpu.enqueue_indirect_dma source(%dma_start3A_73 : memref<401408x128xf32, #tpu.memory_space<hbm>>) target(%dma_start3A_67 : memref<48x128xf32, #tpu.memory_space<vmem>>) offsets(%dma_start3A_70 : memref<48xi32, #tpu.memory_space<vmem>>) semaphore(%arg37 : memref<!tpu.dma_semaphore, #tpu.memory_space<semaphore_mem>>)
      %dma_start3A_74 = arith.constant 3 : i32
      %dma_start3A_75 = arith.constant 3 : i32
      %dma_start3A_76 = arith.constant 0 : i32
      %dma_start3A_77 = arith.constant 0 : i32
      %dma_start3A_78 = tpu.memref_slice %arg21[%dma_start3A_75, %dma_start3A_76, %dma_start3A_77] : memref<8x48x128xf32, #tpu.memory_space<vmem>> -> memref<1x48x128xf32, #tpu.memory_space<vmem>>
      %dma_start3A_79 = tpu.memref_squeeze %dma_start3A_78 : memref<1x48x128xf32, #tpu.memory_space<vmem>> -> memref<48x128xf32, #tpu.memory_space<vmem>>
      %dma_start3A_80 = arith.constant 0 : i32
      %dma_start3A_81 = tpu.memref_slice %arg20[%dma_start3A_74, %dma_start3A_80] : memref<48x48xi32, #tpu.memory_space<vmem>> -> memref<1x48xi32, #tpu.memory_space<vmem>>
      %dma_start3A_82 = tpu.memref_squeeze %dma_start3A_81 : memref<1x48xi32, #tpu.memory_space<vmem>> -> memref<48xi32, #tpu.memory_space<vmem>>
      %dma_start3A_83 = arith.constant 0 : i32
      %dma_start3A_84 = arith.constant 0 : i32
      %dma_start3A_85 = tpu.memref_slice %arg3[%dma_start3A_83, %dma_start3A_84] : memref<401408x128xf32, #tpu.memory_space<hbm>> -> memref<401408x128xf32, #tpu.memory_space<hbm>>
      tpu.enqueue_indirect_dma source(%dma_start3A_85 : memref<401408x128xf32, #tpu.memory_space<hbm>>) target(%dma_start3A_79 : memref<48x128xf32, #tpu.memory_space<vmem>>) offsets(%dma_start3A_82 : memref<48xi32, #tpu.memory_space<vmem>>) semaphore(%arg38 : memref<!tpu.dma_semaphore, #tpu.memory_space<semaphore_mem>>)
      %dma_start3A_86 = arith.constant 4 : i32
      %dma_start3A_87 = arith.constant 4 : i32
      %dma_start3A_88 = arith.constant 0 : i32
      %dma_start3A_89 = arith.constant 0 : i32
      %dma_start3A_90 = tpu.memref_slice %arg21[%dma_start3A_87, %dma_start3A_88, %dma_start3A_89] : memref<8x48x128xf32, #tpu.memory_space<vmem>> -> memref<1x48x128xf32, #tpu.memory_space<vmem>>
      %dma_start3A_91 = tpu.memref_squeeze %dma_start3A_90 : memref<1x48x128xf32, #tpu.memory_space<vmem>> -> memref<48x128xf32, #tpu.memory_space<vmem>>
      %dma_start3A_92 = arith.constant 0 : i32
      %dma_start3A_93 = tpu.memref_slice %arg20[%dma_start3A_86, %dma_start3A_92] : memref<48x48xi32, #tpu.memory_space<vmem>> -> memref<1x48xi32, #tpu.memory_space<vmem>>
      %dma_start3A_94 = tpu.memref_squeeze %dma_start3A_93 : memref<1x48xi32, #tpu.memory_space<vmem>> -> memref<48xi32, #tpu.memory_space<vmem>>
      %dma_start3A_95 = arith.constant 0 : i32
      %dma_start3A_96 = arith.constant 0 : i32
      %dma_start3A_97 = tpu.memref_slice %arg3[%dma_start3A_95, %dma_start3A_96] : memref<401408x128xf32, #tpu.memory_space<hbm>> -> memref<401408x128xf32, #tpu.memory_space<hbm>>
      tpu.enqueue_indirect_dma source(%dma_start3A_97 : memref<401408x128xf32, #tpu.memory_space<hbm>>) target(%dma_start3A_91 : memref<48x128xf32, #tpu.memory_space<vmem>>) offsets(%dma_start3A_94 : memref<48xi32, #tpu.memory_space<vmem>>) semaphore(%arg39 : memref<!tpu.dma_semaphore, #tpu.memory_space<semaphore_mem>>)
      %dma_start3A_98 = arith.constant 5 : i32
      %dma_start3A_99 = arith.constant 5 : i32
      %dma_start3A_100 = arith.constant 0 : i32
      %dma_start3A_101 = arith.constant 0 : i32
      %dma_start3A_102 = tpu.memref_slice %arg21[%dma_start3A_99, %dma_start3A_100, %dma_start3A_101] : memref<8x48x128xf32, #tpu.memory_space<vmem>> -> memref<1x48x128xf32, #tpu.memory_space<vmem>>
      %dma_start3A_103 = tpu.memref_squeeze %dma_start3A_102 : memref<1x48x128xf32, #tpu.memory_space<vmem>> -> memref<48x128xf32, #tpu.memory_space<vmem>>
      %dma_start3A_104 = arith.constant 0 : i32
      %dma_start3A_105 = tpu.memref_slice %arg20[%dma_start3A_98, %dma_start3A_104] : memref<48x48xi32, #tpu.memory_space<vmem>> -> memref<1x48xi32, #tpu.memory_space<vmem>>
      %dma_start3A_106 = tpu.memref_squeeze %dma_start3A_105 : memref<1x48xi32, #tpu.memory_space<vmem>> -> memref<48xi32, #tpu.memory_space<vmem>>
      %dma_start3A_107 = arith.constant 0 : i32
      %dma_start3A_108 = arith.constant 0 : i32
      %dma_start3A_109 = tpu.memref_slice %arg3[%dma_start3A_107, %dma_start3A_108] : memref<401408x128xf32, #tpu.memory_space<hbm>> -> memref<401408x128xf32, #tpu.memory_space<hbm>>
      tpu.enqueue_indirect_dma source(%dma_start3A_109 : memref<401408x128xf32, #tpu.memory_space<hbm>>) target(%dma_start3A_103 : memref<48x128xf32, #tpu.memory_space<vmem>>) offsets(%dma_start3A_106 : memref<48xi32, #tpu.memory_space<vmem>>) semaphore(%arg40 : memref<!tpu.dma_semaphore, #tpu.memory_space<semaphore_mem>>)
      %dma_start3A_110 = arith.constant 6 : i32
      %dma_start3A_111 = arith.constant 6 : i32
      %dma_start3A_112 = arith.constant 0 : i32
      %dma_start3A_113 = arith.constant 0 : i32
      %dma_start3A_114 = tpu.memref_slice %arg21[%dma_start3A_111, %dma_start3A_112, %dma_start3A_113] : memref<8x48x128xf32, #tpu.memory_space<vmem>> -> memref<1x48x128xf32, #tpu.memory_space<vmem>>
      %dma_start3A_115 = tpu.memref_squeeze %dma_start3A_114 : memref<1x48x128xf32, #tpu.memory_space<vmem>> -> memref<48x128xf32, #tpu.memory_space<vmem>>
      %dma_start3A_116 = arith.constant 0 : i32
      %dma_start3A_117 = tpu.memref_slice %arg20[%dma_start3A_110, %dma_start3A_116] : memref<48x48xi32, #tpu.memory_space<vmem>> -> memref<1x48xi32, #tpu.memory_space<vmem>>
      %dma_start3A_118 = tpu.memref_squeeze %dma_start3A_117 : memref<1x48xi32, #tpu.memory_space<vmem>> -> memref<48xi32, #tpu.memory_space<vmem>>
      %dma_start3A_119 = arith.constant 0 : i32
      %dma_start3A_120 = arith.constant 0 : i32
      %dma_start3A_121 = tpu.memref_slice %arg3[%dma_start3A_119, %dma_start3A_120] : memref<401408x128xf32, #tpu.memory_space<hbm>> -> memref<401408x128xf32, #tpu.memory_space<hbm>>
      tpu.enqueue_indirect_dma source(%dma_start3A_121 : memref<401408x128xf32, #tpu.memory_space<hbm>>) target(%dma_start3A_115 : memref<48x128xf32, #tpu.memory_space<vmem>>) offsets(%dma_start3A_118 : memref<48xi32, #tpu.memory_space<vmem>>) semaphore(%arg41 : memref<!tpu.dma_semaphore, #tpu.memory_space<semaphore_mem>>)
      %broadcast_in_dim3A = arith.constant 0 : i32
      %broadcast_in_dim3A_122 = vector.broadcast %broadcast_in_dim3A : i32 to vector<16xi32>
      %broadcast_in_dim3A_123 = arith.constant 0.000000e+00 : f32
      %broadcast_in_dim3A_124 = vector.broadcast %broadcast_in_dim3A_123 : f32 to vector<16xf32>
      %scan3A_125 = arith.constant 0 : i32
      %scan3A_126 = arith.constant 48 : i32
      %scan3A_127 = arith.addi %scan3A_125, %scan3A_126 : i32
      %scan3A_128 = arith.constant 1 : i32
      %scan3A_129:21 = scf.for %scan3A_215 = %scan3A_125 to %scan3A_127 step %scan3A_128 iter_args(%scan3A_216 = %broadcast_in_dim3A_122, %scan3A_217 = %broadcast_in_dim3A_122, %scan3A_218 = %broadcast_in_dim3A_122, %scan3A_219 = %broadcast_in_dim3A_124, %scan3A_220 = %broadcast_in_dim3A_124, %scan3A_221 = %broadcast_in_dim3A_124, %scan3A_222 = %broadcast_in_dim3A_122, %scan3A_223 = %broadcast_in_dim3A_122, %scan3A_224 = %broadcast_in_dim3A_122, %scan3A_225 = %broadcast_in_dim3A_122, %scan3A_226 = %broadcast_in_dim3A_122, %scan3A_227 = %broadcast_in_dim3A_122, %scan3A_228 = %broadcast_in_dim3A_122, %scan3A_229 = %broadcast_in_dim3A_122, %scan3A_230 = %broadcast_in_dim3A_122, %scan3A_231 = %broadcast_in_dim3A_124, %scan3A_232 = %broadcast_in_dim3A_124, %scan3A_233 = %broadcast_in_dim3A_124, %scan3A_234 = %broadcast_in_dim3A_122, %scan3A_235 = %broadcast_in_dim3A_122, %scan3A_236 = %broadcast_in_dim3A_122) -> (vector<16xi32>, vector<16xi32>, vector<16xi32>, vector<16xf32>, vector<16xf32>, vector<16xf32>, vector<16xi32>, vector<16xi32>, vector<16xi32>, vector<16xi32>, vector<16xi32>, vector<16xi32>, vector<16xi32>, vector<16xi32>, vector<16xi32>, vector<16xf32>, vector<16xf32>, vector<16xf32>, vector<16xi32>, vector<16xi32>, vector<16xi32>)  : i32 {
        %get3A = arith.index_cast %scan3A_215 : i32 to index
        %get3A_237 = arith.constant 0 : index
        %get3A_238 = tpu.vector_load %arg19[%get3A, %get3A_237] {strides = array<i32>} : memref<48x16xf32, #tpu.memory_space<vmem>>, vector<1x16xf32>,
        %get3A_239 = vector.shape_cast %get3A_238 : vector<1x16xf32> to vector<16xf32>
        %eq3A = arith.constant 0 : i32
        %eq3A_240 = vector.broadcast %eq3A : i32 to vector<16xi32>
        %eq3A_241 = arith.cmpi eq, %iota3A, %eq3A_240 : vector<16xi32>
        %broadcast_in_dim3A_242 = arith.constant 0.000000e+00 : f32
        %broadcast_in_dim3A_243 = vector.broadcast %broadcast_in_dim3A_242 : f32 to vector<16xf32>
        %select_n3A = arith.select %eq3A_241, %get3A_239, %broadcast_in_dim3A_243 : vector<16xi1>, vector<16xf32>
        %xor3A = arith.constant 8 : i32
        %xor3A_244 = vector.broadcast %xor3A : i32 to vector<16xi32>
        %xor3A_245 = arith.xori %iota3A, %xor3A_244 : vector<16xi32>
        %broadcast_in_dim3A_246 = vector.shape_cast %xor3A_245 : vector<16xi32> to vector<16x1xi32>
        %gather3A = vector.shape_cast %broadcast_in_dim3A_246 : vector<16x1xi32> to vector<16xi32>
        %gather3A_247 = tpu.dynamic_gather %select_n3A[%gather3A] in [0] : vector<16xf32>, vector<16xi32> -> vector<16xf32>
        %add3A_248 = arith.addf %select_n3A, %gather3A_247 : vector<16xf32>
        %xor3A_249 = arith.constant 4 : i32
        %xor3A_250 = vector.broadcast %xor3A_249 : i32 to vector<16xi32>
        %xor3A_251 = arith.xori %iota3A, %xor3A_250 : vector<16xi32>
        %broadcast_in_dim3A_252 = vector.shape_cast %xor3A_251 : vector<16xi32> to vector<16x1xi32>
        %gather3A_253 = vector.shape_cast %broadcast_in_dim3A_252 : vector<16x1xi32> to vector<16xi32>
        %gather3A_254 = tpu.dynamic_gather %add3A_248[%gather3A_253] in [0] : vector<16xf32>, vector<16xi32> -> vector<16xf32>
        %add3A_255 = arith.addf %add3A_248, %gather3A_254 : vector<16xf32>
        %xor3A_256 = arith.constant 2 : i32
        %xor3A_257 = vector.broadcast %xor3A_256 : i32 to vector<16xi32>
        %xor3A_258 = arith.xori %iota3A, %xor3A_257 : vector<16xi32>
        %broadcast_in_dim3A_259 = vector.shape_cast %xor3A_258 : vector<16xi32> to vector<16x1xi32>
        %gather3A_260 = vector.shape_cast %broadcast_in_dim3A_259 : vector<16x1xi32> to vector<16xi32>
        %gather3A_261 = tpu.dynamic_gather %add3A_255[%gather3A_260] in [0] : vector<16xf32>, vector<16xi32> -> vector<16xf32>
        %add3A_262 = arith.addf %add3A_255, %gather3A_261 : vector<16xf32>
        %xor3A_263 = arith.constant 1 : i32
        %xor3A_264 = vector.broadcast %xor3A_263 : i32 to vector<16xi32>
        %xor3A_265 = arith.xori %iota3A, %xor3A_264 : vector<16xi32>
        %broadcast_in_dim3A_266 = vector.shape_cast %xor3A_265 : vector<16xi32> to vector<16x1xi32>
        %gather3A_267 = vector.shape_cast %broadcast_in_dim3A_266 : vector<16x1xi32> to vector<16xi32>
        %gather3A_268 = tpu.dynamic_gather %add3A_262[%gather3A_267] in [0] : vector<16xf32>, vector<16xi32> -> vector<16xf32>
        %add3A_269 = arith.addf %add3A_262, %gather3A_268 : vector<16xf32>
        %add3A_270 = arith.constant 5.000000e-01 : f32
        %add3A_271 = vector.broadcast %add3A_270 : f32 to vector<16xf32>
        %add3A_272 = arith.addf %add3A_269, %add3A_271 : vector<16xf32>
        %convert_element_type3A = arith.fptosi %add3A_272 : vector<16xf32> to vector<16xi32>
        %eq3A_273 = arith.constant 1 : i32
        %eq3A_274 = vector.broadcast %eq3A_273 : i32 to vector<16xi32>
        %eq3A_275 = arith.cmpi eq, %iota3A, %eq3A_274 : vector<16xi32>
        %broadcast_in_dim3A_276 = arith.constant 0.000000e+00 : f32
        %broadcast_in_dim3A_277 = vector.broadcast %broadcast_in_dim3A_276 : f32 to vector<16xf32>
        %select_n3A_278 = arith.select %eq3A_275, %get3A_239, %broadcast_in_dim3A_277 : vector<16xi1>, vector<16xf32>
        %xor3A_279 = arith.constant 8 : i32
        %xor3A_280 = vector.broadcast %xor3A_279 : i32 to vector<16xi32>
        %xor3A_281 = arith.xori %iota3A, %xor3A_280 : vector<16xi32>
        %broadcast_in_dim3A_282 = vector.shape_cast %xor3A_281 : vector<16xi32> to vector<16x1xi32>
        %gather3A_283 = vector.shape_cast %broadcast_in_dim3A_282 : vector<16x1xi32> to vector<16xi32>
        %gather3A_284 = tpu.dynamic_gather %select_n3A_278[%gather3A_283] in [0] : vector<16xf32>, vector<16xi32> -> vector<16xf32>
        %add3A_285 = arith.addf %select_n3A_278, %gather3A_284 : vector<16xf32>
        %xor3A_286 = arith.constant 4 : i32
        %xor3A_287 = vector.broadcast %xor3A_286 : i32 to vector<16xi32>
        %xor3A_288 = arith.xori %iota3A, %xor3A_287 : vector<16xi32>
        %broadcast_in_dim3A_289 = vector.shape_cast %xor3A_288 : vector<16xi32> to vector<16x1xi32>
        %gather3A_290 = vector.shape_cast %broadcast_in_dim3A_289 : vector<16x1xi32> to vector<16xi32>
        %gather3A_291 = tpu.dynamic_gather %add3A_285[%gather3A_290] in [0] : vector<16xf32>, vector<16xi32> -> vector<16xf32>
        %add3A_292 = arith.addf %add3A_285, %gather3A_291 : vector<16xf32>
        %xor3A_293 = arith.constant 2 : i32
        %xor3A_294 = vector.broadcast %xor3A_293 : i32 to vector<16xi32>
        %xor3A_295 = arith.xori %iota3A, %xor3A_294 : vector<16xi32>
        %broadcast_in_dim3A_296 = vector.shape_cast %xor3A_295 : vector<16xi32> to vector<16x1xi32>
        %gather3A_297 = vector.shape_cast %broadcast_in_dim3A_296 : vector<16x1xi32> to vector<16xi32>
        %gather3A_298 = tpu.dynamic_gather %add3A_292[%gather3A_297] in [0] : vector<16xf32>, vector<16xi32> -> vector<16xf32>
        %add3A_299 = arith.addf %add3A_292, %gather3A_298 : vector<16xf32>
        %xor3A_300 = arith.constant 1 : i32
        %xor3A_301 = vector.broadcast %xor3A_300 : i32 to vector<16xi32>
        %xor3A_302 = arith.xori %iota3A, %xor3A_301 : vector<16xi32>
        %broadcast_in_dim3A_303 = vector.shape_cast %xor3A_302 : vector<16xi32> to vector<16x1xi32>
        %gather3A_304 = vector.shape_cast %broadcast_in_dim3A_303 : vector<16x1xi32> to vector<16xi32>
        %gather3A_305 = tpu.dynamic_gather %add3A_299[%gather3A_304] in [0] : vector<16xf32>, vector<16xi32> -> vector<16xf32>
        %add3A_306 = arith.addf %add3A_299, %gather3A_305 : vector<16xf32>
        %add3A_307 = arith.constant 5.000000e-01 : f32
        %add3A_308 = vector.broadcast %add3A_307 : f32 to vector<16xf32>
        %add3A_309 = arith.addf %add3A_306, %add3A_308 : vector<16xf32>
        %convert_element_type3A_310 = arith.fptosi %add3A_309 : vector<16xf32> to vector<16xi32>
        %eq3A_311 = arith.constant 2 : i32
        %eq3A_312 = vector.broadcast %eq3A_311 : i32 to vector<16xi32>
        %eq3A_313 = arith.cmpi eq, %iota3A, %eq3A_312 : vector<16xi32>
        %broadcast_in_dim3A_314 = arith.constant 0.000000e+00 : f32
        %broadcast_in_dim3A_315 = vector.broadcast %broadcast_in_dim3A_314 : f32 to vector<16xf32>
        %select_n3A_316 = arith.select %eq3A_313, %get3A_239, %broadcast_in_dim3A_315 : vector<16xi1>, vector<16xf32>
        %xor3A_317 = arith.constant 8 : i32
        %xor3A_318 = vector.broadcast %xor3A_317 : i32 to vector<16xi32>
        %xor3A_319 = arith.xori %iota3A, %xor3A_318 : vector<16xi32>
        %broadcast_in_dim3A_320 = vector.shape_cast %xor3A_319 : vector<16xi32> to vector<16x1xi32>
        %gather3A_321 = vector.shape_cast %broadcast_in_dim3A_320 : vector<16x1xi32> to vector<16xi32>
        %gather3A_322 = tpu.dynamic_gather %select_n3A_316[%gather3A_321] in [0] : vector<16xf32>, vector<16xi32> -> vector<16xf32>
        %add3A_323 = arith.addf %select_n3A_316, %gather3A_322 : vector<16xf32>
        %xor3A_324 = arith.constant 4 : i32
        %xor3A_325 = vector.broadcast %xor3A_324 : i32 to vector<16xi32>
        %xor3A_326 = arith.xori %iota3A, %xor3A_325 : vector<16xi32>
        %broadcast_in_dim3A_327 = vector.shape_cast %xor3A_326 : vector<16xi32> to vector<16x1xi32>
        %gather3A_328 = vector.shape_cast %broadcast_in_dim3A_327 : vector<16x1xi32> to vector<16xi32>
        %gather3A_329 = tpu.dynamic_gather %add3A_323[%gather3A_328] in [0] : vector<16xf32>, vector<16xi32> -> vector<16xf32>
        %add3A_330 = arith.addf %add3A_323, %gather3A_329 : vector<16xf32>
        %xor3A_331 = arith.constant 2 : i32
        %xor3A_332 = vector.broadcast %xor3A_331 : i32 to vector<16xi32>
        %xor3A_333 = arith.xori %iota3A, %xor3A_332 : vector<16xi32>
        %broadcast_in_dim3A_334 = vector.shape_cast %xor3A_333 : vector<16xi32> to vector<16x1xi32>
        %gather3A_335 = vector.shape_cast %broadcast_in_dim3A_334 : vector<16x1xi32> to vector<16xi32>
        %gather3A_336 = tpu.dynamic_gather %add3A_330[%gather3A_335] in [0] : vector<16xf32>, vector<16xi32> -> vector<16xf32>
        %add3A_337 = arith.addf %add3A_330, %gather3A_336 : vector<16xf32>
        %xor3A_338 = arith.constant 1 : i32
        %xor3A_339 = vector.broadcast %xor3A_338 : i32 to vector<16xi32>
        %xor3A_340 = arith.xori %iota3A, %xor3A_339 : vector<16xi32>
        %broadcast_in_dim3A_341 = vector.shape_cast %xor3A_340 : vector<16xi32> to vector<16x1xi32>
        %gather3A_342 = vector.shape_cast %broadcast_in_dim3A_341 : vector<16x1xi32> to vector<16xi32>
        %gather3A_343 = tpu.dynamic_gather %add3A_337[%gather3A_342] in [0] : vector<16xf32>, vector<16xi32> -> vector<16xf32>
        %add3A_344 = arith.addf %add3A_337, %gather3A_343 : vector<16xf32>
        %eq3A_345 = arith.constant 4 : i32
        %eq3A_346 = vector.broadcast %eq3A_345 : i32 to vector<16xi32>
        %eq3A_347 = arith.cmpi eq, %iota3A, %eq3A_346 : vector<16xi32>
        %broadcast_in_dim3A_348 = arith.constant 0.000000e+00 : f32
        %broadcast_in_dim3A_349 = vector.broadcast %broadcast_in_dim3A_348 : f32 to vector<16xf32>
        %select_n3A_350 = arith.select %eq3A_347, %get3A_239, %broadcast_in_dim3A_349 : vector<16xi1>, vector<16xf32>
        %xor3A_351 = arith.constant 8 : i32
        %xor3A_352 = vector.broadcast %xor3A_351 : i32 to vector<16xi32>
        %xor3A_353 = arith.xori %iota3A, %xor3A_352 : vector<16xi32>
        %broadcast_in_dim3A_354 = vector.shape_cast %xor3A_353 : vector<16xi32> to vector<16x1xi32>
        %gather3A_355 = vector.shape_cast %broadcast_in_dim3A_354 : vector<16x1xi32> to vector<16xi32>
        %gather3A_356 = tpu.dynamic_gather %select_n3A_350[%gather3A_355] in [0] : vector<16xf32>, vector<16xi32> -> vector<16xf32>
        %add3A_357 = arith.addf %select_n3A_350, %gather3A_356 : vector<16xf32>
        %xor3A_358 = arith.constant 4 : i32
        %xor3A_359 = vector.broadcast %xor3A_358 : i32 to vector<16xi32>
        %xor3A_360 = arith.xori %iota3A, %xor3A_359 : vector<16xi32>
        %broadcast_in_dim3A_361 = vector.shape_cast %xor3A_360 : vector<16xi32> to vector<16x1xi32>
        %gather3A_362 = vector.shape_cast %broadcast_in_dim3A_361 : vector<16x1xi32> to vector<16xi32>
        %gather3A_363 = tpu.dynamic_gather %add3A_357[%gather3A_362] in [0] : vector<16xf32>, vector<16xi32> -> vector<16xf32>
        %add3A_364 = arith.addf %add3A_357, %gather3A_363 : vector<16xf32>
        %xor3A_365 = arith.constant 2 : i32
        %xor3A_366 = vector.broadcast %xor3A_365 : i32 to vector<16xi32>
        %xor3A_367 = arith.xori %iota3A, %xor3A_366 : vector<16xi32>
        %broadcast_in_dim3A_368 = vector.shape_cast %xor3A_367 : vector<16xi32> to vector<16x1xi32>
        %gather3A_369 = vector.shape_cast %broadcast_in_dim3A_368 : vector<16x1xi32> to vector<16xi32>
        %gather3A_370 = tpu.dynamic_gather %add3A_364[%gather3A_369] in [0] : vector<16xf32>, vector<16xi32> -> vector<16xf32>
        %add3A_371 = arith.addf %add3A_364, %gather3A_370 : vector<16xf32>
        %xor3A_372 = arith.constant 1 : i32
        %xor3A_373 = vector.broadcast %xor3A_372 : i32 to vector<16xi32>
        %xor3A_374 = arith.xori %iota3A, %xor3A_373 : vector<16xi32>
        %broadcast_in_dim3A_375 = vector.shape_cast %xor3A_374 : vector<16xi32> to vector<16x1xi32>
        %gather3A_376 = vector.shape_cast %broadcast_in_dim3A_375 : vector<16x1xi32> to vector<16xi32>
        %gather3A_377 = tpu.dynamic_gather %add3A_371[%gather3A_376] in [0] : vector<16xf32>, vector<16xi32> -> vector<16xf32>
        %add3A_378 = arith.addf %add3A_371, %gather3A_377 : vector<16xf32>
        %convert_element_type3A_379 = arith.fptosi %add3A_378 : vector<16xf32> to vector<16xi32>
        %ge3A = arith.constant 0 : i32
        %ge3A_380 = vector.broadcast %ge3A : i32 to vector<16xi32>
        %ge3A_381 = arith.cmpi sge, %convert_element_type3A, %ge3A_380 : vector<16xi32>
        %jit3A = arith.constant 1 : i32
        %jit3A_382 = arith.constant 0 : i32
        %broadcast_in_dim3A_383 = vector.broadcast %jit3A : i32 to vector<16xi32>
        %broadcast_in_dim3A_384 = vector.broadcast %jit3A_382 : i32 to vector<16xi32>
        %select_n3A_385 = arith.select %ge3A_381, %broadcast_in_dim3A_383, %broadcast_in_dim3A_384 : vector<16xi1>, vector<16xi32>
        %ge3A_386 = arith.constant 0 : i32
        %ge3A_387 = vector.broadcast %ge3A_386 : i32 to vector<16xi32>
        %ge3A_388 = arith.cmpi sge, %convert_element_type3A_310, %ge3A_387 : vector<16xi32>
        %jit3A_389 = arith.constant 1 : i32
        %jit3A_390 = arith.constant 0 : i32
        %broadcast_in_dim3A_391 = vector.broadcast %jit3A_389 : i32 to vector<16xi32>
        %broadcast_in_dim3A_392 = vector.broadcast %jit3A_390 : i32 to vector<16xi32>
        %select_n3A_393 = arith.select %ge3A_388, %broadcast_in_dim3A_391, %broadcast_in_dim3A_392 : vector<16xi1>, vector<16xi32>
        %mul3A_394 = arith.muli %select_n3A_385, %select_n3A_393 : vector<16xi32>
        %lt3A = arith.constant 224 : i32
        %lt3A_395 = vector.broadcast %lt3A : i32 to vector<16xi32>
        %lt3A_396 = arith.cmpi slt, %convert_element_type3A, %lt3A_395 : vector<16xi32>
        %jit3A_397 = arith.constant 1 : i32
        %jit3A_398 = arith.constant 0 : i32
        %broadcast_in_dim3A_399 = vector.broadcast %jit3A_397 : i32 to vector<16xi32>
        %broadcast_in_dim3A_400 = vector.broadcast %jit3A_398 : i32 to vector<16xi32>
        %select_n3A_401 = arith.select %lt3A_396, %broadcast_in_dim3A_399, %broadcast_in_dim3A_400 : vector<16xi1>, vector<16xi32>
        %mul3A_402 = arith.muli %mul3A_394, %select_n3A_401 : vector<16xi32>
        %lt3A_403 = arith.constant 224 : i32
        %lt3A_404 = vector.broadcast %lt3A_403 : i32 to vector<16xi32>
        %lt3A_405 = arith.cmpi slt, %convert_element_type3A_310, %lt3A_404 : vector<16xi32>
        %jit3A_406 = arith.constant 1 : i32
        %jit3A_407 = arith.constant 0 : i32
        %broadcast_in_dim3A_408 = vector.broadcast %jit3A_406 : i32 to vector<16xi32>
        %broadcast_in_dim3A_409 = vector.broadcast %jit3A_407 : i32 to vector<16xi32>
        %select_n3A_410 = arith.select %lt3A_405, %broadcast_in_dim3A_408, %broadcast_in_dim3A_409 : vector<16xi1>, vector<16xi32>
        %mul3A_411 = arith.muli %mul3A_402, %select_n3A_410 : vector<16xi32>
        %add3A_412 = arith.constant 7 : i32
        %add3A_413 = arith.addi %scan3A_215, %add3A_412 : i32
        %lt3A_414 = arith.constant 48 : i32
        %lt3A_415 = arith.cmpi slt, %add3A_413, %lt3A_414 : i32
        %convert_element_type3A_416 = arith.extui %lt3A_415 : i1 to i32
        %cond3A = arith.constant 0 : i32
        %cond3A_417 = arith.cmpi ne, %convert_element_type3A_416, %cond3A : i32
        scf.if %cond3A_417 {
          %add3A_936 = arith.constant 7 : i32
          %add3A_937 = arith.addi %scan3A_215, %add3A_936 : i32
          %jit3A_938 = arith.constant 8 : i32
          %eq3A_939 = arith.constant 0 : i32
          %eq3A_940 = arith.cmpi eq, %jit3A_938, %eq3A_939 : i32
          %jit3A_941 = arith.constant 1 : i32
          %select_n3A_942 = arith.select %eq3A_940, %jit3A_941, %jit3A_938 : i32
          %rem3A_943 = arith.remsi %add3A_937, %select_n3A_942 : i32
          %ne3A_944 = arith.constant 0 : i32
          %ne3A_945 = arith.cmpi ne, %rem3A_943, %ne3A_944 : i32
          %lt3A_946 = arith.constant 0 : i32
          %lt3A_947 = arith.cmpi slt, %rem3A_943, %lt3A_946 : i32
          %lt3A_948 = arith.constant 0 : i32
          %lt3A_949 = arith.cmpi slt, %select_n3A_942, %lt3A_948 : i32
          %ne3A_950 = arith.xori %lt3A_947, %lt3A_949 : i1
          %and3A_951 = arith.andi %ne3A_950, %ne3A_945 : i1
          %add3A_952 = arith.addi %rem3A_943, %select_n3A_942 : i32
          %select_n3A_953 = arith.select %and3A_951, %add3A_952, %rem3A_943 : i32
          %eq3A_954 = arith.constant 0 : i32
          %eq3A_955 = arith.cmpi eq, %select_n3A_953, %eq3A_954 : i32
          %convert_element_type3A_956 = arith.extui %eq3A_955 : i1 to i32
          %cond3A_957 = arith.constant 0 : i32
          %cond3A_958 = arith.cmpi ne, %convert_element_type3A_956, %cond3A_957 : i32
          scf.if %cond3A_958 {
            %dma_start3A_1106 = arith.constant 0 : i32
            %dma_start3A_1107 = arith.constant 0 : i32
            %dma_start3A_1108 = arith.constant 0 : i32
            %dma_start3A_1109 = tpu.memref_slice %arg21[%dma_start3A_1106, %dma_start3A_1107, %dma_start3A_1108] : memref<8x48x128xf32, #tpu.memory_space<vmem>> -> memref<1x48x128xf32, #tpu.memory_space<vmem>>
            %dma_start3A_1110 = tpu.memref_squeeze %dma_start3A_1109 : memref<1x48x128xf32, #tpu.memory_space<vmem>> -> memref<48x128xf32, #tpu.memory_space<vmem>>
            %dma_start3A_1111 = arith.constant 0 : i32
            %dma_start3A_1112 = tpu.memref_slice %arg20[%add3A_937, %dma_start3A_1111] : memref<48x48xi32, #tpu.memory_space<vmem>> -> memref<1x48xi32, #tpu.memory_space<vmem>>
            %dma_start3A_1113 = tpu.memref_squeeze %dma_start3A_1112 : memref<1x48xi32, #tpu.memory_space<vmem>> -> memref<48xi32, #tpu.memory_space<vmem>>
            %dma_start3A_1114 = arith.constant 0 : i32
            %dma_start3A_1115 = arith.constant 0 : i32
            %dma_start3A_1116 = tpu.memref_slice %arg3[%dma_start3A_1114, %dma_start3A_1115] : memref<401408x128xf32, #tpu.memory_space<hbm>> -> memref<401408x128xf32, #tpu.memory_space<hbm>>
            tpu.enqueue_indirect_dma source(%dma_start3A_1116 : memref<401408x128xf32, #tpu.memory_space<hbm>>) target(%dma_start3A_1110 : memref<48x128xf32, #tpu.memory_space<vmem>>) offsets(%dma_start3A_1113 : memref<48xi32, #tpu.memory_space<vmem>>) semaphore(%arg35 : memref<!tpu.dma_semaphore, #tpu.memory_space<semaphore_mem>>)
          } else {
          }
          %jit3A_959 = arith.constant 8 : i32
          %eq3A_960 = arith.constant 0 : i32
          %eq3A_961 = arith.cmpi eq, %jit3A_959, %eq3A_960 : i32
          %jit3A_962 = arith.constant 1 : i32
          %select_n3A_963 = arith.select %eq3A_961, %jit3A_962, %jit3A_959 : i32
          %rem3A_964 = arith.remsi %add3A_937, %select_n3A_963 : i32
          %ne3A_965 = arith.constant 0 : i32
          %ne3A_966 = arith.cmpi ne, %rem3A_964, %ne3A_965 : i32
          %lt3A_967 = arith.constant 0 : i32
          %lt3A_968 = arith.cmpi slt, %rem3A_964, %lt3A_967 : i32
          %lt3A_969 = arith.constant 0 : i32
          %lt3A_970 = arith.cmpi slt, %select_n3A_963, %lt3A_969 : i32
          %ne3A_971 = arith.xori %lt3A_968, %lt3A_970 : i1
          %and3A_972 = arith.andi %ne3A_971, %ne3A_966 : i1
          %add3A_973 = arith.addi %rem3A_964, %select_n3A_963 : i32
          %select_n3A_974 = arith.select %and3A_972, %add3A_973, %rem3A_964 : i32
          %eq3A_975 = arith.constant 1 : i32
          %eq3A_976 = arith.cmpi eq, %select_n3A_974, %eq3A_975 : i32
          %convert_element_type3A_977 = arith.extui %eq3A_976 : i1 to i32
          %cond3A_978 = arith.constant 0 : i32
          %cond3A_979 = arith.cmpi ne, %convert_element_type3A_977, %cond3A_978 : i32
          scf.if %cond3A_979 {
            %dma_start3A_1106 = arith.constant 1 : i32
            %dma_start3A_1107 = arith.constant 0 : i32
            %dma_start3A_1108 = arith.constant 0 : i32
            %dma_start3A_1109 = tpu.memref_slice %arg21[%dma_start3A_1106, %dma_start3A_1107, %dma_start3A_1108] : memref<8x48x128xf32, #tpu.memory_space<vmem>> -> memref<1x48x128xf32, #tpu.memory_space<vmem>>
            %dma_start3A_1110 = tpu.memref_squeeze %dma_start3A_1109 : memref<1x48x128xf32, #tpu.memory_space<vmem>> -> memref<48x128xf32, #tpu.memory_space<vmem>>
            %dma_start3A_1111 = arith.constant 0 : i32
            %dma_start3A_1112 = tpu.memref_slice %arg20[%add3A_937, %dma_start3A_1111] : memref<48x48xi32, #tpu.memory_space<vmem>> -> memref<1x48xi32, #tpu.memory_space<vmem>>
            %dma_start3A_1113 = tpu.memref_squeeze %dma_start3A_1112 : memref<1x48xi32, #tpu.memory_space<vmem>> -> memref<48xi32, #tpu.memory_space<vmem>>
            %dma_start3A_1114 = arith.constant 0 : i32
            %dma_start3A_1115 = arith.constant 0 : i32
            %dma_start3A_1116 = tpu.memref_slice %arg3[%dma_start3A_1114, %dma_start3A_1115] : memref<401408x128xf32, #tpu.memory_space<hbm>> -> memref<401408x128xf32, #tpu.memory_space<hbm>>
            tpu.enqueue_indirect_dma source(%dma_start3A_1116 : memref<401408x128xf32, #tpu.memory_space<hbm>>) target(%dma_start3A_1110 : memref<48x128xf32, #tpu.memory_space<vmem>>) offsets(%dma_start3A_1113 : memref<48xi32, #tpu.memory_space<vmem>>) semaphore(%arg36 : memref<!tpu.dma_semaphore, #tpu.memory_space<semaphore_mem>>)
          } else {
          }
          %jit3A_980 = arith.constant 8 : i32
          %eq3A_981 = arith.constant 0 : i32
          %eq3A_982 = arith.cmpi eq, %jit3A_980, %eq3A_981 : i32
          %jit3A_983 = arith.constant 1 : i32
          %select_n3A_984 = arith.select %eq3A_982, %jit3A_983, %jit3A_980 : i32
          %rem3A_985 = arith.remsi %add3A_937, %select_n3A_984 : i32
          %ne3A_986 = arith.constant 0 : i32
          %ne3A_987 = arith.cmpi ne, %rem3A_985, %ne3A_986 : i32
          %lt3A_988 = arith.constant 0 : i32
          %lt3A_989 = arith.cmpi slt, %rem3A_985, %lt3A_988 : i32
          %lt3A_990 = arith.constant 0 : i32
          %lt3A_991 = arith.cmpi slt, %select_n3A_984, %lt3A_990 : i32
          %ne3A_992 = arith.xori %lt3A_989, %lt3A_991 : i1
          %and3A_993 = arith.andi %ne3A_992, %ne3A_987 : i1
          %add3A_994 = arith.addi %rem3A_985, %select_n3A_984 : i32
          %select_n3A_995 = arith.select %and3A_993, %add3A_994, %rem3A_985 : i32
          %eq3A_996 = arith.constant 2 : i32
          %eq3A_997 = arith.cmpi eq, %select_n3A_995, %eq3A_996 : i32
          %convert_element_type3A_998 = arith.extui %eq3A_997 : i1 to i32
          %cond3A_999 = arith.constant 0 : i32
          %cond3A_1000 = arith.cmpi ne, %convert_element_type3A_998, %cond3A_999 : i32
          scf.if %cond3A_1000 {
            %dma_start3A_1106 = arith.constant 2 : i32
            %dma_start3A_1107 = arith.constant 0 : i32
            %dma_start3A_1108 = arith.constant 0 : i32
            %dma_start3A_1109 = tpu.memref_slice %arg21[%dma_start3A_1106, %dma_start3A_1107, %dma_start3A_1108] : memref<8x48x128xf32, #tpu.memory_space<vmem>> -> memref<1x48x128xf32, #tpu.memory_space<vmem>>
            %dma_start3A_1110 = tpu.memref_squeeze %dma_start3A_1109 : memref<1x48x128xf32, #tpu.memory_space<vmem>> -> memref<48x128xf32, #tpu.memory_space<vmem>>
            %dma_start3A_1111 = arith.constant 0 : i32
            %dma_start3A_1112 = tpu.memref_slice %arg20[%add3A_937, %dma_start3A_1111] : memref<48x48xi32, #tpu.memory_space<vmem>> -> memref<1x48xi32, #tpu.memory_space<vmem>>
            %dma_start3A_1113 = tpu.memref_squeeze %dma_start3A_1112 : memref<1x48xi32, #tpu.memory_space<vmem>> -> memref<48xi32, #tpu.memory_space<vmem>>
            %dma_start3A_1114 = arith.constant 0 : i32
            %dma_start3A_1115 = arith.constant 0 : i32
            %dma_start3A_1116 = tpu.memref_slice %arg3[%dma_start3A_1114, %dma_start3A_1115] : memref<401408x128xf32, #tpu.memory_space<hbm>> -> memref<401408x128xf32, #tpu.memory_space<hbm>>
            tpu.enqueue_indirect_dma source(%dma_start3A_1116 : memref<401408x128xf32, #tpu.memory_space<hbm>>) target(%dma_start3A_1110 : memref<48x128xf32, #tpu.memory_space<vmem>>) offsets(%dma_start3A_1113 : memref<48xi32, #tpu.memory_space<vmem>>) semaphore(%arg37 : memref<!tpu.dma_semaphore, #tpu.memory_space<semaphore_mem>>)
          } else {
          }
          %jit3A_1001 = arith.constant 8 : i32
          %eq3A_1002 = arith.constant 0 : i32
          %eq3A_1003 = arith.cmpi eq, %jit3A_1001, %eq3A_1002 : i32
          %jit3A_1004 = arith.constant 1 : i32
          %select_n3A_1005 = arith.select %eq3A_1003, %jit3A_1004, %jit3A_1001 : i32
          %rem3A_1006 = arith.remsi %add3A_937, %select_n3A_1005 : i32
          %ne3A_1007 = arith.constant 0 : i32
          %ne3A_1008 = arith.cmpi ne, %rem3A_1006, %ne3A_1007 : i32
          %lt3A_1009 = arith.constant 0 : i32
          %lt3A_1010 = arith.cmpi slt, %rem3A_1006, %lt3A_1009 : i32
          %lt3A_1011 = arith.constant 0 : i32
          %lt3A_1012 = arith.cmpi slt, %select_n3A_1005, %lt3A_1011 : i32
          %ne3A_1013 = arith.xori %lt3A_1010, %lt3A_1012 : i1
          %and3A_1014 = arith.andi %ne3A_1013, %ne3A_1008 : i1
          %add3A_1015 = arith.addi %rem3A_1006, %select_n3A_1005 : i32
          %select_n3A_1016 = arith.select %and3A_1014, %add3A_1015, %rem3A_1006 : i32
          %eq3A_1017 = arith.constant 3 : i32
          %eq3A_1018 = arith.cmpi eq, %select_n3A_1016, %eq3A_1017 : i32
          %convert_element_type3A_1019 = arith.extui %eq3A_1018 : i1 to i32
          %cond3A_1020 = arith.constant 0 : i32
          %cond3A_1021 = arith.cmpi ne, %convert_element_type3A_1019, %cond3A_1020 : i32
          scf.if %cond3A_1021 {
            %dma_start3A_1106 = arith.constant 3 : i32
            %dma_start3A_1107 = arith.constant 0 : i32
            %dma_start3A_1108 = arith.constant 0 : i32
            %dma_start3A_1109 = tpu.memref_slice %arg21[%dma_start3A_1106, %dma_start3A_1107, %dma_start3A_1108] : memref<8x48x128xf32, #tpu.memory_space<vmem>> -> memref<1x48x128xf32, #tpu.memory_space<vmem>>
            %dma_start3A_1110 = tpu.memref_squeeze %dma_start3A_1109 : memref<1x48x128xf32, #tpu.memory_space<vmem>> -> memref<48x128xf32, #tpu.memory_space<vmem>>
            %dma_start3A_1111 = arith.constant 0 : i32
            %dma_start3A_1112 = tpu.memref_slice %arg20[%add3A_937, %dma_start3A_1111] : memref<48x48xi32, #tpu.memory_space<vmem>> -> memref<1x48xi32, #tpu.memory_space<vmem>>
            %dma_start3A_1113 = tpu.memref_squeeze %dma_start3A_1112 : memref<1x48xi32, #tpu.memory_space<vmem>> -> memref<48xi32, #tpu.memory_space<vmem>>
            %dma_start3A_1114 = arith.constant 0 : i32
            %dma_start3A_1115 = arith.constant 0 : i32
            %dma_start3A_1116 = tpu.memref_slice %arg3[%dma_start3A_1114, %dma_start3A_1115] : memref<401408x128xf32, #tpu.memory_space<hbm>> -> memref<401408x128xf32, #tpu.memory_space<hbm>>
            tpu.enqueue_indirect_dma source(%dma_start3A_1116 : memref<401408x128xf32, #tpu.memory_space<hbm>>) target(%dma_start3A_1110 : memref<48x128xf32, #tpu.memory_space<vmem>>) offsets(%dma_start3A_1113 : memref<48xi32, #tpu.memory_space<vmem>>) semaphore(%arg38 : memref<!tpu.dma_semaphore, #tpu.memory_space<semaphore_mem>>)
          } else {
          }
          %jit3A_1022 = arith.constant 8 : i32
          %eq3A_1023 = arith.constant 0 : i32
          %eq3A_1024 = arith.cmpi eq, %jit3A_1022, %eq3A_1023 : i32
          %jit3A_1025 = arith.constant 1 : i32
          %select_n3A_1026 = arith.select %eq3A_1024, %jit3A_1025, %jit3A_1022 : i32
          %rem3A_1027 = arith.remsi %add3A_937, %select_n3A_1026 : i32
          %ne3A_1028 = arith.constant 0 : i32
          %ne3A_1029 = arith.cmpi ne, %rem3A_1027, %ne3A_1028 : i32
          %lt3A_1030 = arith.constant 0 : i32
          %lt3A_1031 = arith.cmpi slt, %rem3A_1027, %lt3A_1030 : i32
          %lt3A_1032 = arith.constant 0 : i32
          %lt3A_1033 = arith.cmpi slt, %select_n3A_1026, %lt3A_1032 : i32
          %ne3A_1034 = arith.xori %lt3A_1031, %lt3A_1033 : i1
          %and3A_1035 = arith.andi %ne3A_1034, %ne3A_1029 : i1
          %add3A_1036 = arith.addi %rem3A_1027, %select_n3A_1026 : i32
          %select_n3A_1037 = arith.select %and3A_1035, %add3A_1036, %rem3A_1027 : i32
          %eq3A_1038 = arith.constant 4 : i32
          %eq3A_1039 = arith.cmpi eq, %select_n3A_1037, %eq3A_1038 : i32
          %convert_element_type3A_1040 = arith.extui %eq3A_1039 : i1 to i32
          %cond3A_1041 = arith.constant 0 : i32
          %cond3A_1042 = arith.cmpi ne, %convert_element_type3A_1040, %cond3A_1041 : i32
          scf.if %cond3A_1042 {
            %dma_start3A_1106 = arith.constant 4 : i32
            %dma_start3A_1107 = arith.constant 0 : i32
            %dma_start3A_1108 = arith.constant 0 : i32
            %dma_start3A_1109 = tpu.memref_slice %arg21[%dma_start3A_1106, %dma_start3A_1107, %dma_start3A_1108] : memref<8x48x128xf32, #tpu.memory_space<vmem>> -> memref<1x48x128xf32, #tpu.memory_space<vmem>>
            %dma_start3A_1110 = tpu.memref_squeeze %dma_start3A_1109 : memref<1x48x128xf32, #tpu.memory_space<vmem>> -> memref<48x128xf32, #tpu.memory_space<vmem>>
            %dma_start3A_1111 = arith.constant 0 : i32
            %dma_start3A_1112 = tpu.memref_slice %arg20[%add3A_937, %dma_start3A_1111] : memref<48x48xi32, #tpu.memory_space<vmem>> -> memref<1x48xi32, #tpu.memory_space<vmem>>
            %dma_start3A_1113 = tpu.memref_squeeze %dma_start3A_1112 : memref<1x48xi32, #tpu.memory_space<vmem>> -> memref<48xi32, #tpu.memory_space<vmem>>
            %dma_start3A_1114 = arith.constant 0 : i32
            %dma_start3A_1115 = arith.constant 0 : i32
            %dma_start3A_1116 = tpu.memref_slice %arg3[%dma_start3A_1114, %dma_start3A_1115] : memref<401408x128xf32, #tpu.memory_space<hbm>> -> memref<401408x128xf32, #tpu.memory_space<hbm>>
            tpu.enqueue_indirect_dma source(%dma_start3A_1116 : memref<401408x128xf32, #tpu.memory_space<hbm>>) target(%dma_start3A_1110 : memref<48x128xf32, #tpu.memory_space<vmem>>) offsets(%dma_start3A_1113 : memref<48xi32, #tpu.memory_space<vmem>>) semaphore(%arg39 : memref<!tpu.dma_semaphore, #tpu.memory_space<semaphore_mem>>)
          } else {
          }
          %jit3A_1043 = arith.constant 8 : i32
          %eq3A_1044 = arith.constant 0 : i32
          %eq3A_1045 = arith.cmpi eq, %jit3A_1043, %eq3A_1044 : i32
          %jit3A_1046 = arith.constant 1 : i32
          %select_n3A_1047 = arith.select %eq3A_1045, %jit3A_1046, %jit3A_1043 : i32
          %rem3A_1048 = arith.remsi %add3A_937, %select_n3A_1047 : i32
          %ne3A_1049 = arith.constant 0 : i32
          %ne3A_1050 = arith.cmpi ne, %rem3A_1048, %ne3A_1049 : i32
          %lt3A_1051 = arith.constant 0 : i32
          %lt3A_1052 = arith.cmpi slt, %rem3A_1048, %lt3A_1051 : i32
          %lt3A_1053 = arith.constant 0 : i32
          %lt3A_1054 = arith.cmpi slt, %select_n3A_1047, %lt3A_1053 : i32
          %ne3A_1055 = arith.xori %lt3A_1052, %lt3A_1054 : i1
          %and3A_1056 = arith.andi %ne3A_1055, %ne3A_1050 : i1
          %add3A_1057 = arith.addi %rem3A_1048, %select_n3A_1047 : i32
          %select_n3A_1058 = arith.select %and3A_1056, %add3A_1057, %rem3A_1048 : i32
          %eq3A_1059 = arith.constant 5 : i32
          %eq3A_1060 = arith.cmpi eq, %select_n3A_1058, %eq3A_1059 : i32
          %convert_element_type3A_1061 = arith.extui %eq3A_1060 : i1 to i32
          %cond3A_1062 = arith.constant 0 : i32
          %cond3A_1063 = arith.cmpi ne, %convert_element_type3A_1061, %cond3A_1062 : i32
          scf.if %cond3A_1063 {
            %dma_start3A_1106 = arith.constant 5 : i32
            %dma_start3A_1107 = arith.constant 0 : i32
            %dma_start3A_1108 = arith.constant 0 : i32
            %dma_start3A_1109 = tpu.memref_slice %arg21[%dma_start3A_1106, %dma_start3A_1107, %dma_start3A_1108] : memref<8x48x128xf32, #tpu.memory_space<vmem>> -> memref<1x48x128xf32, #tpu.memory_space<vmem>>
            %dma_start3A_1110 = tpu.memref_squeeze %dma_start3A_1109 : memref<1x48x128xf32, #tpu.memory_space<vmem>> -> memref<48x128xf32, #tpu.memory_space<vmem>>
            %dma_start3A_1111 = arith.constant 0 : i32
            %dma_start3A_1112 = tpu.memref_slice %arg20[%add3A_937, %dma_start3A_1111] : memref<48x48xi32, #tpu.memory_space<vmem>> -> memref<1x48xi32, #tpu.memory_space<vmem>>
            %dma_start3A_1113 = tpu.memref_squeeze %dma_start3A_1112 : memref<1x48xi32, #tpu.memory_space<vmem>> -> memref<48xi32, #tpu.memory_space<vmem>>
            %dma_start3A_1114 = arith.constant 0 : i32
            %dma_start3A_1115 = arith.constant 0 : i32
            %dma_start3A_1116 = tpu.memref_slice %arg3[%dma_start3A_1114, %dma_start3A_1115] : memref<401408x128xf32, #tpu.memory_space<hbm>> -> memref<401408x128xf32, #tpu.memory_space<hbm>>
            tpu.enqueue_indirect_dma source(%dma_start3A_1116 : memref<401408x128xf32, #tpu.memory_space<hbm>>) target(%dma_start3A_1110 : memref<48x128xf32, #tpu.memory_space<vmem>>) offsets(%dma_start3A_1113 : memref<48xi32, #tpu.memory_space<vmem>>) semaphore(%arg40 : memref<!tpu.dma_semaphore, #tpu.memory_space<semaphore_mem>>)
          } else {
          }
          %jit3A_1064 = arith.constant 8 : i32
          %eq3A_1065 = arith.constant 0 : i32
          %eq3A_1066 = arith.cmpi eq, %jit3A_1064, %eq3A_1065 : i32
          %jit3A_1067 = arith.constant 1 : i32
          %select_n3A_1068 = arith.select %eq3A_1066, %jit3A_1067, %jit3A_1064 : i32
          %rem3A_1069 = arith.remsi %add3A_937, %select_n3A_1068 : i32
          %ne3A_1070 = arith.constant 0 : i32
          %ne3A_1071 = arith.cmpi ne, %rem3A_1069, %ne3A_1070 : i32
          %lt3A_1072 = arith.constant 0 : i32
          %lt3A_1073 = arith.cmpi slt, %rem3A_1069, %lt3A_1072 : i32
          %lt3A_1074 = arith.constant 0 : i32
          %lt3A_1075 = arith.cmpi slt, %select_n3A_1068, %lt3A_1074 : i32
          %ne3A_1076 = arith.xori %lt3A_1073, %lt3A_1075 : i1
          %and3A_1077 = arith.andi %ne3A_1076, %ne3A_1071 : i1
          %add3A_1078 = arith.addi %rem3A_1069, %select_n3A_1068 : i32
          %select_n3A_1079 = arith.select %and3A_1077, %add3A_1078, %rem3A_1069 : i32
          %eq3A_1080 = arith.constant 6 : i32
          %eq3A_1081 = arith.cmpi eq, %select_n3A_1079, %eq3A_1080 : i32
          %convert_element_type3A_1082 = arith.extui %eq3A_1081 : i1 to i32
          %cond3A_1083 = arith.constant 0 : i32
          %cond3A_1084 = arith.cmpi ne, %convert_element_type3A_1082, %cond3A_1083 : i32
          scf.if %cond3A_1084 {
            %dma_start3A_1106 = arith.constant 6 : i32
            %dma_start3A_1107 = arith.constant 0 : i32
            %dma_start3A_1108 = arith.constant 0 : i32
            %dma_start3A_1109 = tpu.memref_slice %arg21[%dma_start3A_1106, %dma_start3A_1107, %dma_start3A_1108] : memref<8x48x128xf32, #tpu.memory_space<vmem>> -> memref<1x48x128xf32, #tpu.memory_space<vmem>>
            %dma_start3A_1110 = tpu.memref_squeeze %dma_start3A_1109 : memref<1x48x128xf32, #tpu.memory_space<vmem>> -> memref<48x128xf32, #tpu.memory_space<vmem>>
            %dma_start3A_1111 = arith.constant 0 : i32
            %dma_start3A_1112 = tpu.memref_slice %arg20[%add3A_937, %dma_start3A_1111] : memref<48x48xi32, #tpu.memory_space<vmem>> -> memref<1x48xi32, #tpu.memory_space<vmem>>
            %dma_start3A_1113 = tpu.memref_squeeze %dma_start3A_1112 : memref<1x48xi32, #tpu.memory_space<vmem>> -> memref<48xi32, #tpu.memory_space<vmem>>
            %dma_start3A_1114 = arith.constant 0 : i32
            %dma_start3A_1115 = arith.constant 0 : i32
            %dma_start3A_1116 = tpu.memref_slice %arg3[%dma_start3A_1114, %dma_start3A_1115] : memref<401408x128xf32, #tpu.memory_space<hbm>> -> memref<401408x128xf32, #tpu.memory_space<hbm>>
            tpu.enqueue_indirect_dma source(%dma_start3A_1116 : memref<401408x128xf32, #tpu.memory_space<hbm>>) target(%dma_start3A_1110 : memref<48x128xf32, #tpu.memory_space<vmem>>) offsets(%dma_start3A_1113 : memref<48xi32, #tpu.memory_space<vmem>>) semaphore(%arg41 : memref<!tpu.dma_semaphore, #tpu.memory_space<semaphore_mem>>)
          } else {
          }
          %jit3A_1085 = arith.constant 8 : i32
          %eq3A_1086 = arith.constant 0 : i32
          %eq3A_1087 = arith.cmpi eq, %jit3A_1085, %eq3A_1086 : i32
          %jit3A_1088 = arith.constant 1 : i32
          %select_n3A_1089 = arith.select %eq3A_1087, %jit3A_1088, %jit3A_1085 : i32
          %rem3A_1090 = arith.remsi %add3A_937, %select_n3A_1089 : i32
          %ne3A_1091 = arith.constant 0 : i32
          %ne3A_1092 = arith.cmpi ne, %rem3A_1090, %ne3A_1091 : i32
          %lt3A_1093 = arith.constant 0 : i32
          %lt3A_1094 = arith.cmpi slt, %rem3A_1090, %lt3A_1093 : i32
          %lt3A_1095 = arith.constant 0 : i32
          %lt3A_1096 = arith.cmpi slt, %select_n3A_1089, %lt3A_1095 : i32
          %ne3A_1097 = arith.xori %lt3A_1094, %lt3A_1096 : i1
          %and3A_1098 = arith.andi %ne3A_1097, %ne3A_1092 : i1
          %add3A_1099 = arith.addi %rem3A_1090, %select_n3A_1089 : i32
          %select_n3A_1100 = arith.select %and3A_1098, %add3A_1099, %rem3A_1090 : i32
          %eq3A_1101 = arith.constant 7 : i32
          %eq3A_1102 = arith.cmpi eq, %select_n3A_1100, %eq3A_1101 : i32
          %convert_element_type3A_1103 = arith.extui %eq3A_1102 : i1 to i32
          %cond3A_1104 = arith.constant 0 : i32
          %cond3A_1105 = arith.cmpi ne, %convert_element_type3A_1103, %cond3A_1104 : i32
          scf.if %cond3A_1105 {
            %dma_start3A_1106 = arith.constant 7 : i32
            %dma_start3A_1107 = arith.constant 0 : i32
            %dma_start3A_1108 = arith.constant 0 : i32
            %dma_start3A_1109 = tpu.memref_slice %arg21[%dma_start3A_1106, %dma_start3A_1107, %dma_start3A_1108] : memref<8x48x128xf32, #tpu.memory_space<vmem>> -> memref<1x48x128xf32, #tpu.memory_space<vmem>>
            %dma_start3A_1110 = tpu.memref_squeeze %dma_start3A_1109 : memref<1x48x128xf32, #tpu.memory_space<vmem>> -> memref<48x128xf32, #tpu.memory_space<vmem>>
            %dma_start3A_1111 = arith.constant 0 : i32
            %dma_start3A_1112 = tpu.memref_slice %arg20[%add3A_937, %dma_start3A_1111] : memref<48x48xi32, #tpu.memory_space<vmem>> -> memref<1x48xi32, #tpu.memory_space<vmem>>
            %dma_start3A_1113 = tpu.memref_squeeze %dma_start3A_1112 : memref<1x48xi32, #tpu.memory_space<vmem>> -> memref<48xi32, #tpu.memory_space<vmem>>
            %dma_start3A_1114 = arith.constant 0 : i32
            %dma_start3A_1115 = arith.constant 0 : i32
            %dma_start3A_1116 = tpu.memref_slice %arg3[%dma_start3A_1114, %dma_start3A_1115] : memref<401408x128xf32, #tpu.memory_space<hbm>> -> memref<401408x128xf32, #tpu.memory_space<hbm>>
            tpu.enqueue_indirect_dma source(%dma_start3A_1116 : memref<401408x128xf32, #tpu.memory_space<hbm>>) target(%dma_start3A_1110 : memref<48x128xf32, #tpu.memory_space<vmem>>) offsets(%dma_start3A_1113 : memref<48xi32, #tpu.memory_space<vmem>>) semaphore(%arg42 : memref<!tpu.dma_semaphore, #tpu.memory_space<semaphore_mem>>)
          } else {
          }
        } else {
        }
        %jit3A_418 = arith.constant 8 : i32
        %eq3A_419 = arith.constant 0 : i32
        %eq3A_420 = arith.cmpi eq, %jit3A_418, %eq3A_419 : i32
        %jit3A_421 = arith.constant 1 : i32
        %select_n3A_422 = arith.select %eq3A_420, %jit3A_421, %jit3A_418 : i32
        %rem3A = arith.remsi %scan3A_215, %select_n3A_422 : i32
        %ne3A = arith.constant 0 : i32
        %ne3A_423 = arith.cmpi ne, %rem3A, %ne3A : i32
        %lt3A_424 = arith.constant 0 : i32
        %lt3A_425 = arith.cmpi slt, %rem3A, %lt3A_424 : i32
        %lt3A_426 = arith.constant 0 : i32
        %lt3A_427 = arith.cmpi slt, %select_n3A_422, %lt3A_426 : i32
        %ne3A_428 = arith.xori %lt3A_425, %lt3A_427 : i1
        %and3A = arith.andi %ne3A_428, %ne3A_423 : i1
        %add3A_429 = arith.addi %rem3A, %select_n3A_422 : i32
        %select_n3A_430 = arith.select %and3A, %add3A_429, %rem3A : i32
        %eq3A_431 = arith.constant 0 : i32
        %eq3A_432 = arith.cmpi eq, %select_n3A_430, %eq3A_431 : i32
        %convert_element_type3A_433 = arith.extui %eq3A_432 : i1 to i32
        %cond3A_434 = arith.constant 0 : i32
        %cond3A_435 = arith.cmpi ne, %convert_element_type3A_433, %cond3A_434 : i32
        scf.if %cond3A_435 {
          %dma_wait3A_936 = arith.constant 0 : i32
          %dma_wait3A_937 = arith.constant 0 : i32
          %dma_wait3A_938 = arith.constant 0 : i32
          %dma_wait3A_939 = tpu.memref_slice %arg21[%dma_wait3A_936, %dma_wait3A_937, %dma_wait3A_938] : memref<8x48x128xf32, #tpu.memory_space<vmem>> -> memref<1x48x128xf32, #tpu.memory_space<vmem>>
          %dma_wait3A_940 = tpu.memref_squeeze %dma_wait3A_939 : memref<1x48x128xf32, #tpu.memory_space<vmem>> -> memref<48x128xf32, #tpu.memory_space<vmem>>
          %dma_wait3A_941 = arith.constant 0 : i32
          %dma_wait3A_942 = arith.constant 0 : i32
          %dma_wait3A_943 = tpu.memref_slice %arg3[%dma_wait3A_941, %dma_wait3A_942] : memref<401408x128xf32, #tpu.memory_space<hbm>> -> memref<48x128xf32, #tpu.memory_space<hbm>>
          %dma_wait3A_944 = arith.constant 0 : i32
          %dma_wait3A_945 = arith.constant 0 : i32
          %dma_wait3A_946 = tpu.memref_slice %arg21[%dma_wait3A_936, %dma_wait3A_944, %dma_wait3A_945] : memref<8x48x128xf32, #tpu.memory_space<vmem>> -> memref<1x48x128xf32, #tpu.memory_space<vmem>>
          %dma_wait3A_947 = tpu.memref_squeeze %dma_wait3A_946 : memref<1x48x128xf32, #tpu.memory_space<vmem>> -> memref<48x128xf32, #tpu.memory_space<vmem>>
          %dma_wait3A_948 = arith.constant 0 : i32
          %dma_wait3A_949 = arith.constant 0 : i32
          %dma_wait3A_950 = tpu.memref_slice %arg3[%dma_wait3A_948, %dma_wait3A_949] : memref<401408x128xf32, #tpu.memory_space<hbm>> -> memref<48x128xf32, #tpu.memory_space<hbm>>
          tpu.wait_dma2 semaphore(%arg35 : memref<!tpu.dma_semaphore, #tpu.memory_space<semaphore_mem>>) src(%dma_wait3A_950 : memref<48x128xf32, #tpu.memory_space<hbm>>) dst(%dma_wait3A_947 : memref<48x128xf32, #tpu.memory_space<vmem>>)
        } else {
        }
        %jit3A_436 = arith.constant 8 : i32
        %eq3A_437 = arith.constant 0 : i32
        %eq3A_438 = arith.cmpi eq, %jit3A_436, %eq3A_437 : i32
        %jit3A_439 = arith.constant 1 : i32
        %select_n3A_440 = arith.select %eq3A_438, %jit3A_439, %jit3A_436 : i32
        %rem3A_441 = arith.remsi %scan3A_215, %select_n3A_440 : i32
        %ne3A_442 = arith.constant 0 : i32
        %ne3A_443 = arith.cmpi ne, %rem3A_441, %ne3A_442 : i32
        %lt3A_444 = arith.constant 0 : i32
        %lt3A_445 = arith.cmpi slt, %rem3A_441, %lt3A_444 : i32
        %lt3A_446 = arith.constant 0 : i32
        %lt3A_447 = arith.cmpi slt, %select_n3A_440, %lt3A_446 : i32
        %ne3A_448 = arith.xori %lt3A_445, %lt3A_447 : i1
        %and3A_449 = arith.andi %ne3A_448, %ne3A_443 : i1
        %add3A_450 = arith.addi %rem3A_441, %select_n3A_440 : i32
        %select_n3A_451 = arith.select %and3A_449, %add3A_450, %rem3A_441 : i32
        %eq3A_452 = arith.constant 1 : i32
        %eq3A_453 = arith.cmpi eq, %select_n3A_451, %eq3A_452 : i32
        %convert_element_type3A_454 = arith.extui %eq3A_453 : i1 to i32
        %cond3A_455 = arith.constant 0 : i32
        %cond3A_456 = arith.cmpi ne, %convert_element_type3A_454, %cond3A_455 : i32
        scf.if %cond3A_456 {
          %dma_wait3A_936 = arith.constant 1 : i32
          %dma_wait3A_937 = arith.constant 0 : i32
          %dma_wait3A_938 = arith.constant 0 : i32
          %dma_wait3A_939 = tpu.memref_slice %arg21[%dma_wait3A_936, %dma_wait3A_937, %dma_wait3A_938] : memref<8x48x128xf32, #tpu.memory_space<vmem>> -> memref<1x48x128xf32, #tpu.memory_space<vmem>>
          %dma_wait3A_940 = tpu.memref_squeeze %dma_wait3A_939 : memref<1x48x128xf32, #tpu.memory_space<vmem>> -> memref<48x128xf32, #tpu.memory_space<vmem>>
          %dma_wait3A_941 = arith.constant 0 : i32
          %dma_wait3A_942 = arith.constant 0 : i32
          %dma_wait3A_943 = tpu.memref_slice %arg3[%dma_wait3A_941, %dma_wait3A_942] : memref<401408x128xf32, #tpu.memory_space<hbm>> -> memref<48x128xf32, #tpu.memory_space<hbm>>
          %dma_wait3A_944 = arith.constant 0 : i32
          %dma_wait3A_945 = arith.constant 0 : i32
          %dma_wait3A_946 = tpu.memref_slice %arg21[%dma_wait3A_936, %dma_wait3A_944, %dma_wait3A_945] : memref<8x48x128xf32, #tpu.memory_space<vmem>> -> memref<1x48x128xf32, #tpu.memory_space<vmem>>
          %dma_wait3A_947 = tpu.memref_squeeze %dma_wait3A_946 : memref<1x48x128xf32, #tpu.memory_space<vmem>> -> memref<48x128xf32, #tpu.memory_space<vmem>>
          %dma_wait3A_948 = arith.constant 0 : i32
          %dma_wait3A_949 = arith.constant 0 : i32
          %dma_wait3A_950 = tpu.memref_slice %arg3[%dma_wait3A_948, %dma_wait3A_949] : memref<401408x128xf32, #tpu.memory_space<hbm>> -> memref<48x128xf32, #tpu.memory_space<hbm>>
          tpu.wait_dma2 semaphore(%arg36 : memref<!tpu.dma_semaphore, #tpu.memory_space<semaphore_mem>>) src(%dma_wait3A_950 : memref<48x128xf32, #tpu.memory_space<hbm>>) dst(%dma_wait3A_947 : memref<48x128xf32, #tpu.memory_space<vmem>>)
        } else {
        }
        %jit3A_457 = arith.constant 8 : i32
        %eq3A_458 = arith.constant 0 : i32
        %eq3A_459 = arith.cmpi eq, %jit3A_457, %eq3A_458 : i32
        %jit3A_460 = arith.constant 1 : i32
        %select_n3A_461 = arith.select %eq3A_459, %jit3A_460, %jit3A_457 : i32
        %rem3A_462 = arith.remsi %scan3A_215, %select_n3A_461 : i32
        %ne3A_463 = arith.constant 0 : i32
        %ne3A_464 = arith.cmpi ne, %rem3A_462, %ne3A_463 : i32
        %lt3A_465 = arith.constant 0 : i32
        %lt3A_466 = arith.cmpi slt, %rem3A_462, %lt3A_465 : i32
        %lt3A_467 = arith.constant 0 : i32
        %lt3A_468 = arith.cmpi slt, %select_n3A_461, %lt3A_467 : i32
        %ne3A_469 = arith.xori %lt3A_466, %lt3A_468 : i1
        %and3A_470 = arith.andi %ne3A_469, %ne3A_464 : i1
        %add3A_471 = arith.addi %rem3A_462, %select_n3A_461 : i32
        %select_n3A_472 = arith.select %and3A_470, %add3A_471, %rem3A_462 : i32
        %eq3A_473 = arith.constant 2 : i32
        %eq3A_474 = arith.cmpi eq, %select_n3A_472, %eq3A_473 : i32
        %convert_element_type3A_475 = arith.extui %eq3A_474 : i1 to i32
        %cond3A_476 = arith.constant 0 : i32
        %cond3A_477 = arith.cmpi ne, %convert_element_type3A_475, %cond3A_476 : i32
        scf.if %cond3A_477 {
          %dma_wait3A_936 = arith.constant 2 : i32
          %dma_wait3A_937 = arith.constant 0 : i32
          %dma_wait3A_938 = arith.constant 0 : i32
          %dma_wait3A_939 = tpu.memref_slice %arg21[%dma_wait3A_936, %dma_wait3A_937, %dma_wait3A_938] : memref<8x48x128xf32, #tpu.memory_space<vmem>> -> memref<1x48x128xf32, #tpu.memory_space<vmem>>
          %dma_wait3A_940 = tpu.memref_squeeze %dma_wait3A_939 : memref<1x48x128xf32, #tpu.memory_space<vmem>> -> memref<48x128xf32, #tpu.memory_space<vmem>>
          %dma_wait3A_941 = arith.constant 0 : i32
          %dma_wait3A_942 = arith.constant 0 : i32
          %dma_wait3A_943 = tpu.memref_slice %arg3[%dma_wait3A_941, %dma_wait3A_942] : memref<401408x128xf32, #tpu.memory_space<hbm>> -> memref<48x128xf32, #tpu.memory_space<hbm>>
          %dma_wait3A_944 = arith.constant 0 : i32
          %dma_wait3A_945 = arith.constant 0 : i32
          %dma_wait3A_946 = tpu.memref_slice %arg21[%dma_wait3A_936, %dma_wait3A_944, %dma_wait3A_945] : memref<8x48x128xf32, #tpu.memory_space<vmem>> -> memref<1x48x128xf32, #tpu.memory_space<vmem>>
          %dma_wait3A_947 = tpu.memref_squeeze %dma_wait3A_946 : memref<1x48x128xf32, #tpu.memory_space<vmem>> -> memref<48x128xf32, #tpu.memory_space<vmem>>
          %dma_wait3A_948 = arith.constant 0 : i32
          %dma_wait3A_949 = arith.constant 0 : i32
          %dma_wait3A_950 = tpu.memref_slice %arg3[%dma_wait3A_948, %dma_wait3A_949] : memref<401408x128xf32, #tpu.memory_space<hbm>> -> memref<48x128xf32, #tpu.memory_space<hbm>>
          tpu.wait_dma2 semaphore(%arg37 : memref<!tpu.dma_semaphore, #tpu.memory_space<semaphore_mem>>) src(%dma_wait3A_950 : memref<48x128xf32, #tpu.memory_space<hbm>>) dst(%dma_wait3A_947 : memref<48x128xf32, #tpu.memory_space<vmem>>)
        } else {
        }
        %jit3A_478 = arith.constant 8 : i32
        %eq3A_479 = arith.constant 0 : i32
        %eq3A_480 = arith.cmpi eq, %jit3A_478, %eq3A_479 : i32
        %jit3A_481 = arith.constant 1 : i32
        %select_n3A_482 = arith.select %eq3A_480, %jit3A_481, %jit3A_478 : i32
        %rem3A_483 = arith.remsi %scan3A_215, %select_n3A_482 : i32
        %ne3A_484 = arith.constant 0 : i32
        %ne3A_485 = arith.cmpi ne, %rem3A_483, %ne3A_484 : i32
        %lt3A_486 = arith.constant 0 : i32
        %lt3A_487 = arith.cmpi slt, %rem3A_483, %lt3A_486 : i32
        %lt3A_488 = arith.constant 0 : i32
        %lt3A_489 = arith.cmpi slt, %select_n3A_482, %lt3A_488 : i32
        %ne3A_490 = arith.xori %lt3A_487, %lt3A_489 : i1
        %and3A_491 = arith.andi %ne3A_490, %ne3A_485 : i1
        %add3A_492 = arith.addi %rem3A_483, %select_n3A_482 : i32
        %select_n3A_493 = arith.select %and3A_491, %add3A_492, %rem3A_483 : i32
        %eq3A_494 = arith.constant 3 : i32
        %eq3A_495 = arith.cmpi eq, %select_n3A_493, %eq3A_494 : i32
        %convert_element_type3A_496 = arith.extui %eq3A_495 : i1 to i32
        %cond3A_497 = arith.constant 0 : i32
        %cond3A_498 = arith.cmpi ne, %convert_element_type3A_496, %cond3A_497 : i32
        scf.if %cond3A_498 {
          %dma_wait3A_936 = arith.constant 3 : i32
          %dma_wait3A_937 = arith.constant 0 : i32
          %dma_wait3A_938 = arith.constant 0 : i32
          %dma_wait3A_939 = tpu.memref_slice %arg21[%dma_wait3A_936, %dma_wait3A_937, %dma_wait3A_938] : memref<8x48x128xf32, #tpu.memory_space<vmem>> -> memref<1x48x128xf32, #tpu.memory_space<vmem>>
          %dma_wait3A_940 = tpu.memref_squeeze %dma_wait3A_939 : memref<1x48x128xf32, #tpu.memory_space<vmem>> -> memref<48x128xf32, #tpu.memory_space<vmem>>
          %dma_wait3A_941 = arith.constant 0 : i32
          %dma_wait3A_942 = arith.constant 0 : i32
          %dma_wait3A_943 = tpu.memref_slice %arg3[%dma_wait3A_941, %dma_wait3A_942] : memref<401408x128xf32, #tpu.memory_space<hbm>> -> memref<48x128xf32, #tpu.memory_space<hbm>>
          %dma_wait3A_944 = arith.constant 0 : i32
          %dma_wait3A_945 = arith.constant 0 : i32
          %dma_wait3A_946 = tpu.memref_slice %arg21[%dma_wait3A_936, %dma_wait3A_944, %dma_wait3A_945] : memref<8x48x128xf32, #tpu.memory_space<vmem>> -> memref<1x48x128xf32, #tpu.memory_space<vmem>>
          %dma_wait3A_947 = tpu.memref_squeeze %dma_wait3A_946 : memref<1x48x128xf32, #tpu.memory_space<vmem>> -> memref<48x128xf32, #tpu.memory_space<vmem>>
          %dma_wait3A_948 = arith.constant 0 : i32
          %dma_wait3A_949 = arith.constant 0 : i32
          %dma_wait3A_950 = tpu.memref_slice %arg3[%dma_wait3A_948, %dma_wait3A_949] : memref<401408x128xf32, #tpu.memory_space<hbm>> -> memref<48x128xf32, #tpu.memory_space<hbm>>
          tpu.wait_dma2 semaphore(%arg38 : memref<!tpu.dma_semaphore, #tpu.memory_space<semaphore_mem>>) src(%dma_wait3A_950 : memref<48x128xf32, #tpu.memory_space<hbm>>) dst(%dma_wait3A_947 : memref<48x128xf32, #tpu.memory_space<vmem>>)
        } else {
        }
        %jit3A_499 = arith.constant 8 : i32
        %eq3A_500 = arith.constant 0 : i32
        %eq3A_501 = arith.cmpi eq, %jit3A_499, %eq3A_500 : i32
        %jit3A_502 = arith.constant 1 : i32
        %select_n3A_503 = arith.select %eq3A_501, %jit3A_502, %jit3A_499 : i32
        %rem3A_504 = arith.remsi %scan3A_215, %select_n3A_503 : i32
        %ne3A_505 = arith.constant 0 : i32
        %ne3A_506 = arith.cmpi ne, %rem3A_504, %ne3A_505 : i32
        %lt3A_507 = arith.constant 0 : i32
        %lt3A_508 = arith.cmpi slt, %rem3A_504, %lt3A_507 : i32
        %lt3A_509 = arith.constant 0 : i32
        %lt3A_510 = arith.cmpi slt, %select_n3A_503, %lt3A_509 : i32
        %ne3A_511 = arith.xori %lt3A_508, %lt3A_510 : i1
        %and3A_512 = arith.andi %ne3A_511, %ne3A_506 : i1
        %add3A_513 = arith.addi %rem3A_504, %select_n3A_503 : i32
        %select_n3A_514 = arith.select %and3A_512, %add3A_513, %rem3A_504 : i32
        %eq3A_515 = arith.constant 4 : i32
        %eq3A_516 = arith.cmpi eq, %select_n3A_514, %eq3A_515 : i32
        %convert_element_type3A_517 = arith.extui %eq3A_516 : i1 to i32
        %cond3A_518 = arith.constant 0 : i32
        %cond3A_519 = arith.cmpi ne, %convert_element_type3A_517, %cond3A_518 : i32
        scf.if %cond3A_519 {
          %dma_wait3A_936 = arith.constant 4 : i32
          %dma_wait3A_937 = arith.constant 0 : i32
          %dma_wait3A_938 = arith.constant 0 : i32
          %dma_wait3A_939 = tpu.memref_slice %arg21[%dma_wait3A_936, %dma_wait3A_937, %dma_wait3A_938] : memref<8x48x128xf32, #tpu.memory_space<vmem>> -> memref<1x48x128xf32, #tpu.memory_space<vmem>>
          %dma_wait3A_940 = tpu.memref_squeeze %dma_wait3A_939 : memref<1x48x128xf32, #tpu.memory_space<vmem>> -> memref<48x128xf32, #tpu.memory_space<vmem>>
          %dma_wait3A_941 = arith.constant 0 : i32
          %dma_wait3A_942 = arith.constant 0 : i32
          %dma_wait3A_943 = tpu.memref_slice %arg3[%dma_wait3A_941, %dma_wait3A_942] : memref<401408x128xf32, #tpu.memory_space<hbm>> -> memref<48x128xf32, #tpu.memory_space<hbm>>
          %dma_wait3A_944 = arith.constant 0 : i32
          %dma_wait3A_945 = arith.constant 0 : i32
          %dma_wait3A_946 = tpu.memref_slice %arg21[%dma_wait3A_936, %dma_wait3A_944, %dma_wait3A_945] : memref<8x48x128xf32, #tpu.memory_space<vmem>> -> memref<1x48x128xf32, #tpu.memory_space<vmem>>
          %dma_wait3A_947 = tpu.memref_squeeze %dma_wait3A_946 : memref<1x48x128xf32, #tpu.memory_space<vmem>> -> memref<48x128xf32, #tpu.memory_space<vmem>>
          %dma_wait3A_948 = arith.constant 0 : i32
          %dma_wait3A_949 = arith.constant 0 : i32
          %dma_wait3A_950 = tpu.memref_slice %arg3[%dma_wait3A_948, %dma_wait3A_949] : memref<401408x128xf32, #tpu.memory_space<hbm>> -> memref<48x128xf32, #tpu.memory_space<hbm>>
          tpu.wait_dma2 semaphore(%arg39 : memref<!tpu.dma_semaphore, #tpu.memory_space<semaphore_mem>>) src(%dma_wait3A_950 : memref<48x128xf32, #tpu.memory_space<hbm>>) dst(%dma_wait3A_947 : memref<48x128xf32, #tpu.memory_space<vmem>>)
        } else {
        }
        %jit3A_520 = arith.constant 8 : i32
        %eq3A_521 = arith.constant 0 : i32
        %eq3A_522 = arith.cmpi eq, %jit3A_520, %eq3A_521 : i32
        %jit3A_523 = arith.constant 1 : i32
        %select_n3A_524 = arith.select %eq3A_522, %jit3A_523, %jit3A_520 : i32
        %rem3A_525 = arith.remsi %scan3A_215, %select_n3A_524 : i32
        %ne3A_526 = arith.constant 0 : i32
        %ne3A_527 = arith.cmpi ne, %rem3A_525, %ne3A_526 : i32
        %lt3A_528 = arith.constant 0 : i32
        %lt3A_529 = arith.cmpi slt, %rem3A_525, %lt3A_528 : i32
        %lt3A_530 = arith.constant 0 : i32
        %lt3A_531 = arith.cmpi slt, %select_n3A_524, %lt3A_530 : i32
        %ne3A_532 = arith.xori %lt3A_529, %lt3A_531 : i1
        %and3A_533 = arith.andi %ne3A_532, %ne3A_527 : i1
        %add3A_534 = arith.addi %rem3A_525, %select_n3A_524 : i32
        %select_n3A_535 = arith.select %and3A_533, %add3A_534, %rem3A_525 : i32
        %eq3A_536 = arith.constant 5 : i32
        %eq3A_537 = arith.cmpi eq, %select_n3A_535, %eq3A_536 : i32
        %convert_element_type3A_538 = arith.extui %eq3A_537 : i1 to i32
        %cond3A_539 = arith.constant 0 : i32
        %cond3A_540 = arith.cmpi ne, %convert_element_type3A_538, %cond3A_539 : i32
        scf.if %cond3A_540 {
          %dma_wait3A_936 = arith.constant 5 : i32
          %dma_wait3A_937 = arith.constant 0 : i32
          %dma_wait3A_938 = arith.constant 0 : i32
          %dma_wait3A_939 = tpu.memref_slice %arg21[%dma_wait3A_936, %dma_wait3A_937, %dma_wait3A_938] : memref<8x48x128xf32, #tpu.memory_space<vmem>> -> memref<1x48x128xf32, #tpu.memory_space<vmem>>
          %dma_wait3A_940 = tpu.memref_squeeze %dma_wait3A_939 : memref<1x48x128xf32, #tpu.memory_space<vmem>> -> memref<48x128xf32, #tpu.memory_space<vmem>>
          %dma_wait3A_941 = arith.constant 0 : i32
          %dma_wait3A_942 = arith.constant 0 : i32
          %dma_wait3A_943 = tpu.memref_slice %arg3[%dma_wait3A_941, %dma_wait3A_942] : memref<401408x128xf32, #tpu.memory_space<hbm>> -> memref<48x128xf32, #tpu.memory_space<hbm>>
          %dma_wait3A_944 = arith.constant 0 : i32
          %dma_wait3A_945 = arith.constant 0 : i32
          %dma_wait3A_946 = tpu.memref_slice %arg21[%dma_wait3A_936, %dma_wait3A_944, %dma_wait3A_945] : memref<8x48x128xf32, #tpu.memory_space<vmem>> -> memref<1x48x128xf32, #tpu.memory_space<vmem>>
          %dma_wait3A_947 = tpu.memref_squeeze %dma_wait3A_946 : memref<1x48x128xf32, #tpu.memory_space<vmem>> -> memref<48x128xf32, #tpu.memory_space<vmem>>
          %dma_wait3A_948 = arith.constant 0 : i32
          %dma_wait3A_949 = arith.constant 0 : i32
          %dma_wait3A_950 = tpu.memref_slice %arg3[%dma_wait3A_948, %dma_wait3A_949] : memref<401408x128xf32, #tpu.memory_space<hbm>> -> memref<48x128xf32, #tpu.memory_space<hbm>>
          tpu.wait_dma2 semaphore(%arg40 : memref<!tpu.dma_semaphore, #tpu.memory_space<semaphore_mem>>) src(%dma_wait3A_950 : memref<48x128xf32, #tpu.memory_space<hbm>>) dst(%dma_wait3A_947 : memref<48x128xf32, #tpu.memory_space<vmem>>)
        } else {
        }
        %jit3A_541 = arith.constant 8 : i32
        %eq3A_542 = arith.constant 0 : i32
        %eq3A_543 = arith.cmpi eq, %jit3A_541, %eq3A_542 : i32
        %jit3A_544 = arith.constant 1 : i32
        %select_n3A_545 = arith.select %eq3A_543, %jit3A_544, %jit3A_541 : i32
        %rem3A_546 = arith.remsi %scan3A_215, %select_n3A_545 : i32
        %ne3A_547 = arith.constant 0 : i32
        %ne3A_548 = arith.cmpi ne, %rem3A_546, %ne3A_547 : i32
        %lt3A_549 = arith.constant 0 : i32
        %lt3A_550 = arith.cmpi slt, %rem3A_546, %lt3A_549 : i32
        %lt3A_551 = arith.constant 0 : i32
        %lt3A_552 = arith.cmpi slt, %select_n3A_545, %lt3A_551 : i32
        %ne3A_553 = arith.xori %lt3A_550, %lt3A_552 : i1
        %and3A_554 = arith.andi %ne3A_553, %ne3A_548 : i1
        %add3A_555 = arith.addi %rem3A_546, %select_n3A_545 : i32
        %select_n3A_556 = arith.select %and3A_554, %add3A_555, %rem3A_546 : i32
        %eq3A_557 = arith.constant 6 : i32
        %eq3A_558 = arith.cmpi eq, %select_n3A_556, %eq3A_557 : i32
        %convert_element_type3A_559 = arith.extui %eq3A_558 : i1 to i32
        %cond3A_560 = arith.constant 0 : i32
        %cond3A_561 = arith.cmpi ne, %convert_element_type3A_559, %cond3A_560 : i32
        scf.if %cond3A_561 {
          %dma_wait3A_936 = arith.constant 6 : i32
          %dma_wait3A_937 = arith.constant 0 : i32
          %dma_wait3A_938 = arith.constant 0 : i32
          %dma_wait3A_939 = tpu.memref_slice %arg21[%dma_wait3A_936, %dma_wait3A_937, %dma_wait3A_938] : memref<8x48x128xf32, #tpu.memory_space<vmem>> -> memref<1x48x128xf32, #tpu.memory_space<vmem>>
          %dma_wait3A_940 = tpu.memref_squeeze %dma_wait3A_939 : memref<1x48x128xf32, #tpu.memory_space<vmem>> -> memref<48x128xf32, #tpu.memory_space<vmem>>
          %dma_wait3A_941 = arith.constant 0 : i32
          %dma_wait3A_942 = arith.constant 0 : i32
          %dma_wait3A_943 = tpu.memref_slice %arg3[%dma_wait3A_941, %dma_wait3A_942] : memref<401408x128xf32, #tpu.memory_space<hbm>> -> memref<48x128xf32, #tpu.memory_space<hbm>>
          %dma_wait3A_944 = arith.constant 0 : i32
          %dma_wait3A_945 = arith.constant 0 : i32
          %dma_wait3A_946 = tpu.memref_slice %arg21[%dma_wait3A_936, %dma_wait3A_944, %dma_wait3A_945] : memref<8x48x128xf32, #tpu.memory_space<vmem>> -> memref<1x48x128xf32, #tpu.memory_space<vmem>>
          %dma_wait3A_947 = tpu.memref_squeeze %dma_wait3A_946 : memref<1x48x128xf32, #tpu.memory_space<vmem>> -> memref<48x128xf32, #tpu.memory_space<vmem>>
          %dma_wait3A_948 = arith.constant 0 : i32
          %dma_wait3A_949 = arith.constant 0 : i32
          %dma_wait3A_950 = tpu.memref_slice %arg3[%dma_wait3A_948, %dma_wait3A_949] : memref<401408x128xf32, #tpu.memory_space<hbm>> -> memref<48x128xf32, #tpu.memory_space<hbm>>
          tpu.wait_dma2 semaphore(%arg41 : memref<!tpu.dma_semaphore, #tpu.memory_space<semaphore_mem>>) src(%dma_wait3A_950 : memref<48x128xf32, #tpu.memory_space<hbm>>) dst(%dma_wait3A_947 : memref<48x128xf32, #tpu.memory_space<vmem>>)
        } else {
        }
        %jit3A_562 = arith.constant 8 : i32
        %eq3A_563 = arith.constant 0 : i32
        %eq3A_564 = arith.cmpi eq, %jit3A_562, %eq3A_563 : i32
        %jit3A_565 = arith.constant 1 : i32
        %select_n3A_566 = arith.select %eq3A_564, %jit3A_565, %jit3A_562 : i32
        %rem3A_567 = arith.remsi %scan3A_215, %select_n3A_566 : i32
        %ne3A_568 = arith.constant 0 : i32
        %ne3A_569 = arith.cmpi ne, %rem3A_567, %ne3A_568 : i32
        %lt3A_570 = arith.constant 0 : i32
        %lt3A_571 = arith.cmpi slt, %rem3A_567, %lt3A_570 : i32
        %lt3A_572 = arith.constant 0 : i32
        %lt3A_573 = arith.cmpi slt, %select_n3A_566, %lt3A_572 : i32
        %ne3A_574 = arith.xori %lt3A_571, %lt3A_573 : i1
        %and3A_575 = arith.andi %ne3A_574, %ne3A_569 : i1
        %add3A_576 = arith.addi %rem3A_567, %select_n3A_566 : i32
        %select_n3A_577 = arith.select %and3A_575, %add3A_576, %rem3A_567 : i32
        %eq3A_578 = arith.constant 7 : i32
        %eq3A_579 = arith.cmpi eq, %select_n3A_577, %eq3A_578 : i32
        %convert_element_type3A_580 = arith.extui %eq3A_579 : i1 to i32
        %cond3A_581 = arith.constant 0 : i32
        %cond3A_582 = arith.cmpi ne, %convert_element_type3A_580, %cond3A_581 : i32
        scf.if %cond3A_582 {
          %dma_wait3A_936 = arith.constant 7 : i32
          %dma_wait3A_937 = arith.constant 0 : i32
          %dma_wait3A_938 = arith.constant 0 : i32
          %dma_wait3A_939 = tpu.memref_slice %arg21[%dma_wait3A_936, %dma_wait3A_937, %dma_wait3A_938] : memref<8x48x128xf32, #tpu.memory_space<vmem>> -> memref<1x48x128xf32, #tpu.memory_space<vmem>>
          %dma_wait3A_940 = tpu.memref_squeeze %dma_wait3A_939 : memref<1x48x128xf32, #tpu.memory_space<vmem>> -> memref<48x128xf32, #tpu.memory_space<vmem>>
          %dma_wait3A_941 = arith.constant 0 : i32
          %dma_wait3A_942 = arith.constant 0 : i32
          %dma_wait3A_943 = tpu.memref_slice %arg3[%dma_wait3A_941, %dma_wait3A_942] : memref<401408x128xf32, #tpu.memory_space<hbm>> -> memref<48x128xf32, #tpu.memory_space<hbm>>
          %dma_wait3A_944 = arith.constant 0 : i32
          %dma_wait3A_945 = arith.constant 0 : i32
          %dma_wait3A_946 = tpu.memref_slice %arg21[%dma_wait3A_936, %dma_wait3A_944, %dma_wait3A_945] : memref<8x48x128xf32, #tpu.memory_space<vmem>> -> memref<1x48x128xf32, #tpu.memory_space<vmem>>
          %dma_wait3A_947 = tpu.memref_squeeze %dma_wait3A_946 : memref<1x48x128xf32, #tpu.memory_space<vmem>> -> memref<48x128xf32, #tpu.memory_space<vmem>>
          %dma_wait3A_948 = arith.constant 0 : i32
          %dma_wait3A_949 = arith.constant 0 : i32
          %dma_wait3A_950 = tpu.memref_slice %arg3[%dma_wait3A_948, %dma_wait3A_949] : memref<401408x128xf32, #tpu.memory_space<hbm>> -> memref<48x128xf32, #tpu.memory_space<hbm>>
          tpu.wait_dma2 semaphore(%arg42 : memref<!tpu.dma_semaphore, #tpu.memory_space<semaphore_mem>>) src(%dma_wait3A_950 : memref<48x128xf32, #tpu.memory_space<hbm>>) dst(%dma_wait3A_947 : memref<48x128xf32, #tpu.memory_space<vmem>>)
        } else {
        }
        %jit3A_583 = arith.constant 8 : i32
        %eq3A_584 = arith.constant 0 : i32
        %eq3A_585 = arith.cmpi eq, %jit3A_583, %eq3A_584 : i32
        %jit3A_586 = arith.constant 1 : i32
        %select_n3A_587 = arith.select %eq3A_585, %jit3A_586, %jit3A_583 : i32
        %rem3A_588 = arith.remsi %scan3A_215, %select_n3A_587 : i32
        %ne3A_589 = arith.constant 0 : i32
        %ne3A_590 = arith.cmpi ne, %rem3A_588, %ne3A_589 : i32
        %lt3A_591 = arith.constant 0 : i32
        %lt3A_592 = arith.cmpi slt, %rem3A_588, %lt3A_591 : i32
        %lt3A_593 = arith.constant 0 : i32
        %lt3A_594 = arith.cmpi slt, %select_n3A_587, %lt3A_593 : i32
        %ne3A_595 = arith.xori %lt3A_592, %lt3A_594 : i1
        %and3A_596 = arith.andi %ne3A_595, %ne3A_590 : i1
        %add3A_597 = arith.addi %rem3A_588, %select_n3A_587 : i32
        %select_n3A_598 = arith.select %and3A_596, %add3A_597, %rem3A_588 : i32
        %get3A_599 = arith.index_cast %scan3A_215 : i32 to index
        %get3A_600 = arith.constant 0 : index
        %get3A_601 = tpu.vector_load %arg18[%get3A_599, %get3A_600] {strides = array<i32>} : memref<48x128xf32, #tpu.memory_space<vmem>>, vector<1x16xf32>,
        %get3A_602 = vector.shape_cast %get3A_601 : vector<1x16xf32> to vector<16xf32>
        %get3A_603 = arith.index_cast %scan3A_215 : i32 to index
        %get3A_604 = arith.constant 16 : index
        %get3A_605 = tpu.vector_load %arg18[%get3A_603, %get3A_604] {strides = array<i32>} : memref<48x128xf32, #tpu.memory_space<vmem>>, vector<1x16xf32>,
        %get3A_606 = vector.shape_cast %get3A_605 : vector<1x16xf32> to vector<16xf32>
        %get3A_607 = arith.index_cast %scan3A_215 : i32 to index
        %get3A_608 = arith.constant 32 : index
        %get3A_609 = tpu.vector_load %arg18[%get3A_607, %get3A_608] {strides = array<i32>} : memref<48x128xf32, #tpu.memory_space<vmem>>, vector<1x16xf32>,
        %get3A_610 = vector.shape_cast %get3A_609 : vector<1x16xf32> to vector<16xf32>
        %get3A_611 = arith.index_cast %scan3A_215 : i32 to index
        %get3A_612 = arith.constant 48 : index
        %get3A_613 = tpu.vector_load %arg18[%get3A_611, %get3A_612] {strides = array<i32>} : memref<48x128xf32, #tpu.memory_space<vmem>>, vector<1x16xf32>,
        %get3A_614 = vector.shape_cast %get3A_613 : vector<1x16xf32> to vector<16xf32>
        %get3A_615 = arith.index_cast %scan3A_215 : i32 to index
        %get3A_616 = arith.constant 64 : index
        %get3A_617 = tpu.vector_load %arg18[%get3A_615, %get3A_616] {strides = array<i32>} : memref<48x128xf32, #tpu.memory_space<vmem>>, vector<1x16xf32>,
        %get3A_618 = vector.shape_cast %get3A_617 : vector<1x16xf32> to vector<16xf32>
        %get3A_619 = arith.index_cast %scan3A_215 : i32 to index
        %get3A_620 = arith.constant 80 : index
        %get3A_621 = tpu.vector_load %arg18[%get3A_619, %get3A_620] {strides = array<i32>} : memref<48x128xf32, #tpu.memory_space<vmem>>, vector<1x16xf32>,
        %get3A_622 = vector.shape_cast %get3A_621 : vector<1x16xf32> to vector<16xf32>
        %get3A_623 = arith.index_cast %scan3A_215 : i32 to index
        %get3A_624 = arith.constant 96 : index
        %get3A_625 = tpu.vector_load %arg18[%get3A_623, %get3A_624] {strides = array<i32>} : memref<48x128xf32, #tpu.memory_space<vmem>>, vector<1x16xf32>,
        %get3A_626 = vector.shape_cast %get3A_625 : vector<1x16xf32> to vector<16xf32>
        %get3A_627 = arith.index_cast %scan3A_215 : i32 to index
        %get3A_628 = arith.constant 112 : index
        %get3A_629 = tpu.vector_load %arg18[%get3A_627, %get3A_628] {strides = array<i32>} : memref<48x128xf32, #tpu.memory_space<vmem>>, vector<1x16xf32>,
        %get3A_630 = vector.shape_cast %get3A_629 : vector<1x16xf32> to vector<16xf32>
        %broadcast_in_dim3A_631 = arith.constant 0.000000e+00 : f32
        %broadcast_in_dim3A_632 = vector.broadcast %broadcast_in_dim3A_631 : f32 to vector<16xf32>
        %scan3A_633 = arith.constant 0 : i32
        %scan3A_634 = arith.constant 48 : i32
        %scan3A_635 = arith.addi %scan3A_633, %scan3A_634 : i32
        %scan3A_636 = arith.constant 1 : i32
        %scan3A_637:3 = scf.for %scan3A_936 = %scan3A_633 to %scan3A_635 step %scan3A_636 iter_args(%scan3A_937 = %broadcast_in_dim3A_632, %scan3A_938 = %broadcast_in_dim3A_632, %scan3A_939 = %broadcast_in_dim3A_632) -> (vector<16xf32>, vector<16xf32>, vector<16xf32>)  : i32 {
          %get3A_940 = arith.index_cast %select_n3A_598 : i32 to index
          %get3A_941 = arith.index_cast %scan3A_936 : i32 to index
          %get3A_942 = arith.constant 0 : index
          %get3A_943 = tpu.vector_load %arg21[%get3A_940, %get3A_941, %get3A_942] {strides = array<i32>} : memref<8x48x128xf32, #tpu.memory_space<vmem>>, vector<1x1x16xf32>,
          %get3A_944 = vector.shape_cast %get3A_943 : vector<1x1x16xf32> to vector<16xf32>
          %mul3A_945 = arith.mulf %get3A_602, %get3A_944 : vector<16xf32>
          %get3A_946 = arith.index_cast %select_n3A_598 : i32 to index
          %get3A_947 = arith.index_cast %scan3A_936 : i32 to index
          %get3A_948 = arith.constant 16 : index
          %get3A_949 = tpu.vector_load %arg21[%get3A_946, %get3A_947, %get3A_948] {strides = array<i32>} : memref<8x48x128xf32, #tpu.memory_space<vmem>>, vector<1x1x16xf32>,
          %get3A_950 = vector.shape_cast %get3A_949 : vector<1x1x16xf32> to vector<16xf32>
          %mul3A_951 = arith.mulf %get3A_606, %get3A_950 : vector<16xf32>
          %add3A_952 = arith.addf %mul3A_945, %mul3A_951 : vector<16xf32>
          %get3A_953 = arith.index_cast %select_n3A_598 : i32 to index
          %get3A_954 = arith.index_cast %scan3A_936 : i32 to index
          %get3A_955 = arith.constant 32 : index
          %get3A_956 = tpu.vector_load %arg21[%get3A_953, %get3A_954, %get3A_955] {strides = array<i32>} : memref<8x48x128xf32, #tpu.memory_space<vmem>>, vector<1x1x16xf32>,
          %get3A_957 = vector.shape_cast %get3A_956 : vector<1x1x16xf32> to vector<16xf32>
          %mul3A_958 = arith.mulf %get3A_610, %get3A_957 : vector<16xf32>
          %add3A_959 = arith.addf %add3A_952, %mul3A_958 : vector<16xf32>
          %get3A_960 = arith.index_cast %select_n3A_598 : i32 to index
          %get3A_961 = arith.index_cast %scan3A_936 : i32 to index
          %get3A_962 = arith.constant 48 : index
          %get3A_963 = tpu.vector_load %arg21[%get3A_960, %get3A_961, %get3A_962] {strides = array<i32>} : memref<8x48x128xf32, #tpu.memory_space<vmem>>, vector<1x1x16xf32>,
          %get3A_964 = vector.shape_cast %get3A_963 : vector<1x1x16xf32> to vector<16xf32>
          %mul3A_965 = arith.mulf %get3A_614, %get3A_964 : vector<16xf32>
          %add3A_966 = arith.addf %add3A_959, %mul3A_965 : vector<16xf32>
          %get3A_967 = arith.index_cast %select_n3A_598 : i32 to index
          %get3A_968 = arith.index_cast %scan3A_936 : i32 to index
          %get3A_969 = arith.constant 64 : index
          %get3A_970 = tpu.vector_load %arg21[%get3A_967, %get3A_968, %get3A_969] {strides = array<i32>} : memref<8x48x128xf32, #tpu.memory_space<vmem>>, vector<1x1x16xf32>,
          %get3A_971 = vector.shape_cast %get3A_970 : vector<1x1x16xf32> to vector<16xf32>
          %mul3A_972 = arith.mulf %get3A_618, %get3A_971 : vector<16xf32>
          %add3A_973 = arith.addf %add3A_966, %mul3A_972 : vector<16xf32>
          %get3A_974 = arith.index_cast %select_n3A_598 : i32 to index
          %get3A_975 = arith.index_cast %scan3A_936 : i32 to index
          %get3A_976 = arith.constant 80 : index
          %get3A_977 = tpu.vector_load %arg21[%get3A_974, %get3A_975, %get3A_976] {strides = array<i32>} : memref<8x48x128xf32, #tpu.memory_space<vmem>>, vector<1x1x16xf32>,
          %get3A_978 = vector.shape_cast %get3A_977 : vector<1x1x16xf32> to vector<16xf32>
          %mul3A_979 = arith.mulf %get3A_622, %get3A_978 : vector<16xf32>
          %add3A_980 = arith.addf %add3A_973, %mul3A_979 : vector<16xf32>
          %get3A_981 = arith.index_cast %select_n3A_598 : i32 to index
          %get3A_982 = arith.index_cast %scan3A_936 : i32 to index
          %get3A_983 = arith.constant 96 : index
          %get3A_984 = tpu.vector_load %arg21[%get3A_981, %get3A_982, %get3A_983] {strides = array<i32>} : memref<8x48x128xf32, #tpu.memory_space<vmem>>, vector<1x1x16xf32>,
          %get3A_985 = vector.shape_cast %get3A_984 : vector<1x1x16xf32> to vector<16xf32>
          %mul3A_986 = arith.mulf %get3A_626, %get3A_985 : vector<16xf32>
          %add3A_987 = arith.addf %add3A_980, %mul3A_986 : vector<16xf32>
          %get3A_988 = arith.index_cast %select_n3A_598 : i32 to index
          %get3A_989 = arith.index_cast %scan3A_936 : i32 to index
          %get3A_990 = arith.constant 112 : index
          %get3A_991 = tpu.vector_load %arg21[%get3A_988, %get3A_989, %get3A_990] {strides = array<i32>} : memref<8x48x128xf32, #tpu.memory_space<vmem>>, vector<1x1x16xf32>,
          %get3A_992 = vector.shape_cast %get3A_991 : vector<1x1x16xf32> to vector<16xf32>
          %mul3A_993 = arith.mulf %get3A_630, %get3A_992 : vector<16xf32>
          %add3A_994 = arith.addf %add3A_987, %mul3A_993 : vector<16xf32>
          %xor3A_995 = arith.constant 8 : i32
          %xor3A_996 = vector.broadcast %xor3A_995 : i32 to vector<16xi32>
          %xor3A_997 = arith.xori %iota3A, %xor3A_996 : vector<16xi32>
          %broadcast_in_dim3A_998 = vector.shape_cast %xor3A_997 : vector<16xi32> to vector<16x1xi32>
          %gather3A_999 = vector.shape_cast %broadcast_in_dim3A_998 : vector<16x1xi32> to vector<16xi32>
          %gather3A_1000 = tpu.dynamic_gather %add3A_994[%gather3A_999] in [0] : vector<16xf32>, vector<16xi32> -> vector<16xf32>
          %add3A_1001 = arith.addf %add3A_994, %gather3A_1000 : vector<16xf32>
          %xor3A_1002 = arith.constant 4 : i32
          %xor3A_1003 = vector.broadcast %xor3A_1002 : i32 to vector<16xi32>
          %xor3A_1004 = arith.xori %iota3A, %xor3A_1003 : vector<16xi32>
          %broadcast_in_dim3A_1005 = vector.shape_cast %xor3A_1004 : vector<16xi32> to vector<16x1xi32>
          %gather3A_1006 = vector.shape_cast %broadcast_in_dim3A_1005 : vector<16x1xi32> to vector<16xi32>
          %gather3A_1007 = tpu.dynamic_gather %add3A_1001[%gather3A_1006] in [0] : vector<16xf32>, vector<16xi32> -> vector<16xf32>
          %add3A_1008 = arith.addf %add3A_1001, %gather3A_1007 : vector<16xf32>
          %xor3A_1009 = arith.constant 2 : i32
          %xor3A_1010 = vector.broadcast %xor3A_1009 : i32 to vector<16xi32>
          %xor3A_1011 = arith.xori %iota3A, %xor3A_1010 : vector<16xi32>
          %broadcast_in_dim3A_1012 = vector.shape_cast %xor3A_1011 : vector<16xi32> to vector<16x1xi32>
          %gather3A_1013 = vector.shape_cast %broadcast_in_dim3A_1012 : vector<16x1xi32> to vector<16xi32>
          %gather3A_1014 = tpu.dynamic_gather %add3A_1008[%gather3A_1013] in [0] : vector<16xf32>, vector<16xi32> -> vector<16xf32>
          %add3A_1015 = arith.addf %add3A_1008, %gather3A_1014 : vector<16xf32>
          %xor3A_1016 = arith.constant 1 : i32
          %xor3A_1017 = vector.broadcast %xor3A_1016 : i32 to vector<16xi32>
          %xor3A_1018 = arith.xori %iota3A, %xor3A_1017 : vector<16xi32>
          %broadcast_in_dim3A_1019 = vector.shape_cast %xor3A_1018 : vector<16xi32> to vector<16x1xi32>
          %gather3A_1020 = vector.shape_cast %broadcast_in_dim3A_1019 : vector<16x1xi32> to vector<16xi32>
          %gather3A_1021 = tpu.dynamic_gather %add3A_1015[%gather3A_1020] in [0] : vector<16xf32>, vector<16xi32> -> vector<16xf32>
          %add3A_1022 = arith.addf %add3A_1015, %gather3A_1021 : vector<16xf32>
          %eq3A_1023 = vector.broadcast %scan3A_936 : i32 to vector<16xi32>
          %eq3A_1024 = arith.cmpi eq, %iota3A, %eq3A_1023 : vector<16xi32>
          %select_n3A_1025 = arith.select %eq3A_1024, %add3A_1022, %scan3A_937 : vector<16xi1>, vector<16xf32>
          %sub3A_1026 = arith.constant 16 : i32
          %sub3A_1027 = arith.subi %scan3A_936, %sub3A_1026 : i32
          %eq3A_1028 = vector.broadcast %sub3A_1027 : i32 to vector<16xi32>
          %eq3A_1029 = arith.cmpi eq, %iota3A, %eq3A_1028 : vector<16xi32>
          %select_n3A_1030 = arith.select %eq3A_1029, %add3A_1022, %scan3A_938 : vector<16xi1>, vector<16xf32>
          %sub3A_1031 = arith.constant 32 : i32
          %sub3A_1032 = arith.subi %scan3A_936, %sub3A_1031 : i32
          %eq3A_1033 = vector.broadcast %sub3A_1032 : i32 to vector<16xi32>
          %eq3A_1034 = arith.cmpi eq, %iota3A, %eq3A_1033 : vector<16xi32>
          %select_n3A_1035 = arith.select %eq3A_1034, %add3A_1022, %scan3A_939 : vector<16xi1>, vector<16xf32>
          scf.yield %select_n3A_1025, %select_n3A_1030, %select_n3A_1035 : vector<16xf32>, vector<16xf32>, vector<16xf32>
        }
        %scan3A_638 = arith.constant 48 : i32
        %swap3A_639 = arith.index_cast %scan3A_215 : i32 to index
        %swap3A_640 = arith.constant 0 : index
        %swap3A_641 = tpu.vector_load %arg22[%swap3A_639, %swap3A_640] {strides = array<i32>} : memref<48x48xf32, #tpu.memory_space<vmem>>, vector<1x16xf32>,
        %swap3A_642 = vector.shape_cast %swap3A_641 : vector<1x16xf32> to vector<16xf32>
        %swap3A_643 = vector.shape_cast %scan3A_637#0 : vector<16xf32> to vector<1x16xf32>
        tpu.vector_store %arg22[%swap3A_639, %swap3A_640], %swap3A_643 {strides = array<i32>} : memref<48x48xf32, #tpu.memory_space<vmem>>, vector<1x16xf32>,
        %swap3A_644 = arith.index_cast %scan3A_215 : i32 to index
        %swap3A_645 = arith.constant 16 : index
        %swap3A_646 = tpu.vector_load %arg22[%swap3A_644, %swap3A_645] {strides = array<i32>} : memref<48x48xf32, #tpu.memory_space<vmem>>, vector<1x16xf32>,
        %swap3A_647 = vector.shape_cast %swap3A_646 : vector<1x16xf32> to vector<16xf32>
        %swap3A_648 = vector.shape_cast %scan3A_637#1 : vector<16xf32> to vector<1x16xf32>
        tpu.vector_store %arg22[%swap3A_644, %swap3A_645], %swap3A_648 {strides = array<i32>} : memref<48x48xf32, #tpu.memory_space<vmem>>, vector<1x16xf32>,
        %swap3A_649 = arith.index_cast %scan3A_215 : i32 to index
        %swap3A_650 = arith.constant 32 : index
        %swap3A_651 = tpu.vector_load %arg22[%swap3A_649, %swap3A_650] {strides = array<i32>} : memref<48x48xf32, #tpu.memory_space<vmem>>, vector<1x16xf32>,
        %swap3A_652 = vector.shape_cast %swap3A_651 : vector<1x16xf32> to vector<16xf32>
        %swap3A_653 = vector.shape_cast %scan3A_637#2 : vector<16xf32> to vector<1x16xf32>
        tpu.vector_store %arg22[%swap3A_649, %swap3A_650], %swap3A_653 {strides = array<i32>} : memref<48x48xf32, #tpu.memory_space<vmem>>, vector<1x16xf32>,
        %lt3A_654 = arith.constant 13 : i32
        %lt3A_655 = vector.broadcast %lt3A_654 : i32 to vector<16xi32>
        %lt3A_656 = arith.cmpi slt, %iota3A, %lt3A_655 : vector<16xi32>
        %jit3A_657 = arith.constant -3.000000e+38 : f32
        %broadcast_in_dim3A_658 = vector.broadcast %jit3A_657 : f32 to vector<16xf32>
        %select_n3A_659 = arith.select %lt3A_656, %scan3A_637#1, %broadcast_in_dim3A_658 : vector<16xi1>, vector<16xf32>
        %max3A = arith.maximumf %scan3A_637#0, %select_n3A_659 : vector<16xf32>
        %xor3A_660 = arith.constant 8 : i32
        %xor3A_661 = vector.broadcast %xor3A_660 : i32 to vector<16xi32>
        %xor3A_662 = arith.xori %iota3A, %xor3A_661 : vector<16xi32>
        %broadcast_in_dim3A_663 = vector.shape_cast %xor3A_662 : vector<16xi32> to vector<16x1xi32>
        %gather3A_664 = vector.shape_cast %broadcast_in_dim3A_663 : vector<16x1xi32> to vector<16xi32>
        %gather3A_665 = tpu.dynamic_gather %max3A[%gather3A_664] in [0] : vector<16xf32>, vector<16xi32> -> vector<16xf32>
        %max3A_666 = arith.maximumf %max3A, %gather3A_665 : vector<16xf32>
        %xor3A_667 = arith.constant 4 : i32
        %xor3A_668 = vector.broadcast %xor3A_667 : i32 to vector<16xi32>
        %xor3A_669 = arith.xori %iota3A, %xor3A_668 : vector<16xi32>
        %broadcast_in_dim3A_670 = vector.shape_cast %xor3A_669 : vector<16xi32> to vector<16x1xi32>
        %gather3A_671 = vector.shape_cast %broadcast_in_dim3A_670 : vector<16x1xi32> to vector<16xi32>
        %gather3A_672 = tpu.dynamic_gather %max3A_666[%gather3A_671] in [0] : vector<16xf32>, vector<16xi32> -> vector<16xf32>
        %max3A_673 = arith.maximumf %max3A_666, %gather3A_672 : vector<16xf32>
        %xor3A_674 = arith.constant 2 : i32
        %xor3A_675 = vector.broadcast %xor3A_674 : i32 to vector<16xi32>
        %xor3A_676 = arith.xori %iota3A, %xor3A_675 : vector<16xi32>
        %broadcast_in_dim3A_677 = vector.shape_cast %xor3A_676 : vector<16xi32> to vector<16x1xi32>
        %gather3A_678 = vector.shape_cast %broadcast_in_dim3A_677 : vector<16x1xi32> to vector<16xi32>
        %gather3A_679 = tpu.dynamic_gather %max3A_673[%gather3A_678] in [0] : vector<16xf32>, vector<16xi32> -> vector<16xf32>
        %max3A_680 = arith.maximumf %max3A_673, %gather3A_679 : vector<16xf32>
        %xor3A_681 = arith.constant 1 : i32
        %xor3A_682 = vector.broadcast %xor3A_681 : i32 to vector<16xi32>
        %xor3A_683 = arith.xori %iota3A, %xor3A_682 : vector<16xi32>
        %broadcast_in_dim3A_684 = vector.shape_cast %xor3A_683 : vector<16xi32> to vector<16x1xi32>
        %gather3A_685 = vector.shape_cast %broadcast_in_dim3A_684 : vector<16x1xi32> to vector<16xi32>
        %gather3A_686 = tpu.dynamic_gather %max3A_680[%gather3A_685] in [0] : vector<16xf32>, vector<16xi32> -> vector<16xf32>
        %max3A_687 = arith.maximumf %max3A_680, %gather3A_686 : vector<16xf32>
        %eq3A_688 = arith.cmpf oeq, %scan3A_637#0, %max3A_687 : vector<16xf32>
        %jit3A_689 = arith.constant 99 : i32
        %broadcast_in_dim3A_690 = vector.broadcast %jit3A_689 : i32 to vector<16xi32>
        %select_n3A_691 = arith.select %eq3A_688, %iota3A, %broadcast_in_dim3A_690 : vector<16xi1>, vector<16xi32>
        %eq3A_692 = arith.cmpf oeq, %select_n3A_659, %max3A_687 : vector<16xf32>
        %add3A_693 = arith.constant 16 : i32
        %add3A_694 = vector.broadcast %add3A_693 : i32 to vector<16xi32>
        %add3A_695 = arith.addi %iota3A, %add3A_694 : vector<16xi32>
        %jit3A_696 = arith.constant 99 : i32
        %broadcast_in_dim3A_697 = vector.broadcast %jit3A_696 : i32 to vector<16xi32>
        %select_n3A_698 = arith.select %eq3A_692, %add3A_695, %broadcast_in_dim3A_697 : vector<16xi1>, vector<16xi32>
        %min3A = arith.minsi %select_n3A_691, %select_n3A_698 : vector<16xi32>
        %xor3A_699 = arith.constant 8 : i32
        %xor3A_700 = vector.broadcast %xor3A_699 : i32 to vector<16xi32>
        %xor3A_701 = arith.xori %iota3A, %xor3A_700 : vector<16xi32>
        %broadcast_in_dim3A_702 = vector.shape_cast %xor3A_701 : vector<16xi32> to vector<16x1xi32>
        %gather3A_703 = vector.shape_cast %broadcast_in_dim3A_702 : vector<16x1xi32> to vector<16xi32>
        %gather3A_704 = tpu.dynamic_gather %min3A[%gather3A_703] in [0] : vector<16xi32>, vector<16xi32> -> vector<16xi32>
        %min3A_705 = arith.minsi %min3A, %gather3A_704 : vector<16xi32>
        %xor3A_706 = arith.constant 4 : i32
        %xor3A_707 = vector.broadcast %xor3A_706 : i32 to vector<16xi32>
        %xor3A_708 = arith.xori %iota3A, %xor3A_707 : vector<16xi32>
        %broadcast_in_dim3A_709 = vector.shape_cast %xor3A_708 : vector<16xi32> to vector<16x1xi32>
        %gather3A_710 = vector.shape_cast %broadcast_in_dim3A_709 : vector<16x1xi32> to vector<16xi32>
        %gather3A_711 = tpu.dynamic_gather %min3A_705[%gather3A_710] in [0] : vector<16xi32>, vector<16xi32> -> vector<16xi32>
        %min3A_712 = arith.minsi %min3A_705, %gather3A_711 : vector<16xi32>
        %xor3A_713 = arith.constant 2 : i32
        %xor3A_714 = vector.broadcast %xor3A_713 : i32 to vector<16xi32>
        %xor3A_715 = arith.xori %iota3A, %xor3A_714 : vector<16xi32>
        %broadcast_in_dim3A_716 = vector.shape_cast %xor3A_715 : vector<16xi32> to vector<16x1xi32>
        %gather3A_717 = vector.shape_cast %broadcast_in_dim3A_716 : vector<16x1xi32> to vector<16xi32>
        %gather3A_718 = tpu.dynamic_gather %min3A_712[%gather3A_717] in [0] : vector<16xi32>, vector<16xi32> -> vector<16xi32>
        %min3A_719 = arith.minsi %min3A_712, %gather3A_718 : vector<16xi32>
        %xor3A_720 = arith.constant 1 : i32
        %xor3A_721 = vector.broadcast %xor3A_720 : i32 to vector<16xi32>
        %xor3A_722 = arith.xori %iota3A, %xor3A_721 : vector<16xi32>
        %broadcast_in_dim3A_723 = vector.shape_cast %xor3A_722 : vector<16xi32> to vector<16x1xi32>
        %gather3A_724 = vector.shape_cast %broadcast_in_dim3A_723 : vector<16x1xi32> to vector<16xi32>
        %gather3A_725 = tpu.dynamic_gather %min3A_719[%gather3A_724] in [0] : vector<16xi32>, vector<16xi32> -> vector<16xi32>
        %min3A_726 = arith.minsi %min3A_719, %gather3A_725 : vector<16xi32>
        %get3A_727 = arith.constant 0 : index
        %get3A_728 = tpu.vector_load %arg31[%get3A_727] {strides = array<i32>} : memref<48xi32, #tpu.memory_space<vmem>>, vector<16xi32>,
        %get3A_729 = vector.shape_cast %get3A_728 : vector<16xi32> to vector<16xi32>
        %get3A_730 = arith.constant 16 : index
        %get3A_731 = tpu.vector_load %arg31[%get3A_730] {strides = array<i32>} : memref<48xi32, #tpu.memory_space<vmem>>, vector<16xi32>,
        %get3A_732 = vector.shape_cast %get3A_731 : vector<16xi32> to vector<16xi32>
        %get3A_733 = arith.constant 0 : index
        %get3A_734 = tpu.vector_load %arg32[%get3A_733] {strides = array<i32>} : memref<48xi32, #tpu.memory_space<vmem>>, vector<16xi32>,
        %get3A_735 = vector.shape_cast %get3A_734 : vector<16xi32> to vector<16xi32>
        %get3A_736 = arith.constant 16 : index
        %get3A_737 = tpu.vector_load %arg32[%get3A_736] {strides = array<i32>} : memref<48xi32, #tpu.memory_space<vmem>>, vector<16xi32>,
        %get3A_738 = vector.shape_cast %get3A_737 : vector<16xi32> to vector<16xi32>
        %broadcast_in_dim3A_739 = arith.constant 0 : i32
        %broadcast_in_dim3A_740 = vector.broadcast %broadcast_in_dim3A_739 : i32 to vector<16xi32>
        %eq3A_741 = arith.cmpi eq, %iota3A, %min3A_726 : vector<16xi32>
        %select_n3A_742 = arith.select %eq3A_741, %get3A_729, %broadcast_in_dim3A_740 : vector<16xi1>, vector<16xi32>
        %add3A_743 = arith.constant 16 : i32
        %add3A_744 = vector.broadcast %add3A_743 : i32 to vector<16xi32>
        %add3A_745 = arith.addi %iota3A, %add3A_744 : vector<16xi32>
        %eq3A_746 = arith.cmpi eq, %add3A_745, %min3A_726 : vector<16xi32>
        %select_n3A_747 = arith.select %eq3A_746, %get3A_732, %broadcast_in_dim3A_740 : vector<16xi1>, vector<16xi32>
        %add3A_748 = arith.addi %select_n3A_742, %select_n3A_747 : vector<16xi32>
        %xor3A_749 = arith.constant 8 : i32
        %xor3A_750 = vector.broadcast %xor3A_749 : i32 to vector<16xi32>
        %xor3A_751 = arith.xori %iota3A, %xor3A_750 : vector<16xi32>
        %broadcast_in_dim3A_752 = vector.shape_cast %xor3A_751 : vector<16xi32> to vector<16x1xi32>
        %gather3A_753 = vector.shape_cast %broadcast_in_dim3A_752 : vector<16x1xi32> to vector<16xi32>
        %gather3A_754 = tpu.dynamic_gather %add3A_748[%gather3A_753] in [0] : vector<16xi32>, vector<16xi32> -> vector<16xi32>
        %add3A_755 = arith.addi %add3A_748, %gather3A_754 : vector<16xi32>
        %xor3A_756 = arith.constant 4 : i32
        %xor3A_757 = vector.broadcast %xor3A_756 : i32 to vector<16xi32>
        %xor3A_758 = arith.xori %iota3A, %xor3A_757 : vector<16xi32>
        %broadcast_in_dim3A_759 = vector.shape_cast %xor3A_758 : vector<16xi32> to vector<16x1xi32>
        %gather3A_760 = vector.shape_cast %broadcast_in_dim3A_759 : vector<16x1xi32> to vector<16xi32>
        %gather3A_761 = tpu.dynamic_gather %add3A_755[%gather3A_760] in [0] : vector<16xi32>, vector<16xi32> -> vector<16xi32>
        %add3A_762 = arith.addi %add3A_755, %gather3A_761 : vector<16xi32>
        %xor3A_763 = arith.constant 2 : i32
        %xor3A_764 = vector.broadcast %xor3A_763 : i32 to vector<16xi32>
        %xor3A_765 = arith.xori %iota3A, %xor3A_764 : vector<16xi32>
        %broadcast_in_dim3A_766 = vector.shape_cast %xor3A_765 : vector<16xi32> to vector<16x1xi32>
        %gather3A_767 = vector.shape_cast %broadcast_in_dim3A_766 : vector<16x1xi32> to vector<16xi32>
        %gather3A_768 = tpu.dynamic_gather %add3A_762[%gather3A_767] in [0] : vector<16xi32>, vector<16xi32> -> vector<16xi32>
        %add3A_769 = arith.addi %add3A_762, %gather3A_768 : vector<16xi32>
        %xor3A_770 = arith.constant 1 : i32
        %xor3A_771 = vector.broadcast %xor3A_770 : i32 to vector<16xi32>
        %xor3A_772 = arith.xori %iota3A, %xor3A_771 : vector<16xi32>
        %broadcast_in_dim3A_773 = vector.shape_cast %xor3A_772 : vector<16xi32> to vector<16x1xi32>
        %gather3A_774 = vector.shape_cast %broadcast_in_dim3A_773 : vector<16x1xi32> to vector<16xi32>
        %gather3A_775 = tpu.dynamic_gather %add3A_769[%gather3A_774] in [0] : vector<16xi32>, vector<16xi32> -> vector<16xi32>
        %add3A_776 = arith.addi %add3A_769, %gather3A_775 : vector<16xi32>
        %eq3A_777 = arith.cmpi eq, %iota3A, %min3A_726 : vector<16xi32>
        %select_n3A_778 = arith.select %eq3A_777, %get3A_735, %broadcast_in_dim3A_740 : vector<16xi1>, vector<16xi32>
        %add3A_779 = arith.constant 16 : i32
        %add3A_780 = vector.broadcast %add3A_779 : i32 to vector<16xi32>
        %add3A_781 = arith.addi %iota3A, %add3A_780 : vector<16xi32>
        %eq3A_782 = arith.cmpi eq, %add3A_781, %min3A_726 : vector<16xi32>
        %select_n3A_783 = arith.select %eq3A_782, %get3A_738, %broadcast_in_dim3A_740 : vector<16xi1>, vector<16xi32>
        %add3A_784 = arith.addi %select_n3A_778, %select_n3A_783 : vector<16xi32>
        %xor3A_785 = arith.constant 8 : i32
        %xor3A_786 = vector.broadcast %xor3A_785 : i32 to vector<16xi32>
        %xor3A_787 = arith.xori %iota3A, %xor3A_786 : vector<16xi32>
        %broadcast_in_dim3A_788 = vector.shape_cast %xor3A_787 : vector<16xi32> to vector<16x1xi32>
        %gather3A_789 = vector.shape_cast %broadcast_in_dim3A_788 : vector<16x1xi32> to vector<16xi32>
        %gather3A_790 = tpu.dynamic_gather %add3A_784[%gather3A_789] in [0] : vector<16xi32>, vector<16xi32> -> vector<16xi32>
        %add3A_791 = arith.addi %add3A_784, %gather3A_790 : vector<16xi32>
        %xor3A_792 = arith.constant 4 : i32
        %xor3A_793 = vector.broadcast %xor3A_792 : i32 to vector<16xi32>
        %xor3A_794 = arith.xori %iota3A, %xor3A_793 : vector<16xi32>
        %broadcast_in_dim3A_795 = vector.shape_cast %xor3A_794 : vector<16xi32> to vector<16x1xi32>
        %gather3A_796 = vector.shape_cast %broadcast_in_dim3A_795 : vector<16x1xi32> to vector<16xi32>
        %gather3A_797 = tpu.dynamic_gather %add3A_791[%gather3A_796] in [0] : vector<16xi32>, vector<16xi32> -> vector<16xi32>
        %add3A_798 = arith.addi %add3A_791, %gather3A_797 : vector<16xi32>
        %xor3A_799 = arith.constant 2 : i32
        %xor3A_800 = vector.broadcast %xor3A_799 : i32 to vector<16xi32>
        %xor3A_801 = arith.xori %iota3A, %xor3A_800 : vector<16xi32>
        %broadcast_in_dim3A_802 = vector.shape_cast %xor3A_801 : vector<16xi32> to vector<16x1xi32>
        %gather3A_803 = vector.shape_cast %broadcast_in_dim3A_802 : vector<16x1xi32> to vector<16xi32>
        %gather3A_804 = tpu.dynamic_gather %add3A_798[%gather3A_803] in [0] : vector<16xi32>, vector<16xi32> -> vector<16xi32>
        %add3A_805 = arith.addi %add3A_798, %gather3A_804 : vector<16xi32>
        %xor3A_806 = arith.constant 1 : i32
        %xor3A_807 = vector.broadcast %xor3A_806 : i32 to vector<16xi32>
        %xor3A_808 = arith.xori %iota3A, %xor3A_807 : vector<16xi32>
        %broadcast_in_dim3A_809 = vector.shape_cast %xor3A_808 : vector<16xi32> to vector<16x1xi32>
        %gather3A_810 = vector.shape_cast %broadcast_in_dim3A_809 : vector<16x1xi32> to vector<16xi32>
        %gather3A_811 = tpu.dynamic_gather %add3A_805[%gather3A_810] in [0] : vector<16xi32>, vector<16xi32> -> vector<16xi32>
        %add3A_812 = arith.addi %add3A_805, %gather3A_811 : vector<16xi32>
        %add3A_813 = arith.addi %convert_element_type3A_310, %add3A_812 : vector<16xi32>
        %jit3A_814 = arith.constant 0 : i32
        %jit3A_815 = arith.constant 223 : i32
        %max3A_816 = vector.broadcast %jit3A_814 : i32 to vector<16xi32>
        %max3A_817 = arith.maxsi %max3A_816, %add3A_813 : vector<16xi32>
        %min3A_818 = vector.broadcast %jit3A_815 : i32 to vector<16xi32>
        %min3A_819 = arith.minsi %min3A_818, %max3A_817 : vector<16xi32>
        %mul3A_820 = arith.constant 224 : i32
        %mul3A_821 = vector.broadcast %mul3A_820 : i32 to vector<16xi32>
        %mul3A_822 = arith.muli %min3A_819, %mul3A_821 : vector<16xi32>
        %add3A_823 = arith.addi %convert_element_type3A_379, %mul3A_822 : vector<16xi32>
        %add3A_824 = arith.addi %convert_element_type3A, %add3A_776 : vector<16xi32>
        %jit3A_825 = arith.constant 0 : i32
        %jit3A_826 = arith.constant 223 : i32
        %max3A_827 = vector.broadcast %jit3A_825 : i32 to vector<16xi32>
        %max3A_828 = arith.maxsi %max3A_827, %add3A_824 : vector<16xi32>
        %min3A_829 = vector.broadcast %jit3A_826 : i32 to vector<16xi32>
        %min3A_830 = arith.minsi %min3A_829, %max3A_828 : vector<16xi32>
        %add3A_831 = arith.addi %add3A_823, %min3A_830 : vector<16xi32>
        %sub3A = arith.constant 0 : i32
        %sub3A_832 = arith.subi %scan3A_215, %sub3A : i32
        %eq3A_833 = vector.broadcast %sub3A_832 : i32 to vector<16xi32>
        %eq3A_834 = arith.cmpi eq, %iota3A, %eq3A_833 : vector<16xi32>
        %select_n3A_835 = arith.select %eq3A_834, %min3A_726, %scan3A_216 : vector<16xi1>, vector<16xi32>
        %sub3A_836 = arith.constant 16 : i32
        %sub3A_837 = arith.subi %scan3A_215, %sub3A_836 : i32
        %eq3A_838 = vector.broadcast %sub3A_837 : i32 to vector<16xi32>
        %eq3A_839 = arith.cmpi eq, %iota3A, %eq3A_838 : vector<16xi32>
        %select_n3A_840 = arith.select %eq3A_839, %min3A_726, %scan3A_217 : vector<16xi1>, vector<16xi32>
        %sub3A_841 = arith.constant 32 : i32
        %sub3A_842 = arith.subi %scan3A_215, %sub3A_841 : i32
        %eq3A_843 = vector.broadcast %sub3A_842 : i32 to vector<16xi32>
        %eq3A_844 = arith.cmpi eq, %iota3A, %eq3A_843 : vector<16xi32>
        %select_n3A_845 = arith.select %eq3A_844, %min3A_726, %scan3A_218 : vector<16xi1>, vector<16xi32>
        %sub3A_846 = arith.constant 0 : i32
        %sub3A_847 = arith.subi %scan3A_215, %sub3A_846 : i32
        %eq3A_848 = vector.broadcast %sub3A_847 : i32 to vector<16xi32>
        %eq3A_849 = arith.cmpi eq, %iota3A, %eq3A_848 : vector<16xi32>
        %select_n3A_850 = arith.select %eq3A_849, %max3A_687, %scan3A_219 : vector<16xi1>, vector<16xf32>
        %sub3A_851 = arith.constant 16 : i32
        %sub3A_852 = arith.subi %scan3A_215, %sub3A_851 : i32
        %eq3A_853 = vector.broadcast %sub3A_852 : i32 to vector<16xi32>
        %eq3A_854 = arith.cmpi eq, %iota3A, %eq3A_853 : vector<16xi32>
        %select_n3A_855 = arith.select %eq3A_854, %max3A_687, %scan3A_220 : vector<16xi1>, vector<16xf32>
        %sub3A_856 = arith.constant 32 : i32
        %sub3A_857 = arith.subi %scan3A_215, %sub3A_856 : i32
        %eq3A_858 = vector.broadcast %sub3A_857 : i32 to vector<16xi32>
        %eq3A_859 = arith.cmpi eq, %iota3A, %eq3A_858 : vector<16xi32>
        %select_n3A_860 = arith.select %eq3A_859, %max3A_687, %scan3A_221 : vector<16xi1>, vector<16xf32>
        %sub3A_861 = arith.constant 0 : i32
        %sub3A_862 = arith.subi %scan3A_215, %sub3A_861 : i32
        %eq3A_863 = vector.broadcast %sub3A_862 : i32 to vector<16xi32>
        %eq3A_864 = arith.cmpi eq, %iota3A, %eq3A_863 : vector<16xi32>
        %select_n3A_865 = arith.select %eq3A_864, %convert_element_type3A, %scan3A_222 : vector<16xi1>, vector<16xi32>
        %sub3A_866 = arith.constant 16 : i32
        %sub3A_867 = arith.subi %scan3A_215, %sub3A_866 : i32
        %eq3A_868 = vector.broadcast %sub3A_867 : i32 to vector<16xi32>
        %eq3A_869 = arith.cmpi eq, %iota3A, %eq3A_868 : vector<16xi32>
        %select_n3A_870 = arith.select %eq3A_869, %convert_element_type3A, %scan3A_223 : vector<16xi1>, vector<16xi32>
        %sub3A_871 = arith.constant 32 : i32
        %sub3A_872 = arith.subi %scan3A_215, %sub3A_871 : i32
        %eq3A_873 = vector.broadcast %sub3A_872 : i32 to vector<16xi32>
        %eq3A_874 = arith.cmpi eq, %iota3A, %eq3A_873 : vector<16xi32>
        %select_n3A_875 = arith.select %eq3A_874, %convert_element_type3A, %scan3A_224 : vector<16xi1>, vector<16xi32>
        %sub3A_876 = arith.constant 0 : i32
        %sub3A_877 = arith.subi %scan3A_215, %sub3A_876 : i32
        %eq3A_878 = vector.broadcast %sub3A_877 : i32 to vector<16xi32>
        %eq3A_879 = arith.cmpi eq, %iota3A, %eq3A_878 : vector<16xi32>
        %select_n3A_880 = arith.select %eq3A_879, %convert_element_type3A_310, %scan3A_225 : vector<16xi1>, vector<16xi32>
        %sub3A_881 = arith.constant 16 : i32
        %sub3A_882 = arith.subi %scan3A_215, %sub3A_881 : i32
        %eq3A_883 = vector.broadcast %sub3A_882 : i32 to vector<16xi32>
        %eq3A_884 = arith.cmpi eq, %iota3A, %eq3A_883 : vector<16xi32>
        %select_n3A_885 = arith.select %eq3A_884, %convert_element_type3A_310, %scan3A_226 : vector<16xi1>, vector<16xi32>
        %sub3A_886 = arith.constant 32 : i32
        %sub3A_887 = arith.subi %scan3A_215, %sub3A_886 : i32
        %eq3A_888 = vector.broadcast %sub3A_887 : i32 to vector<16xi32>
        %eq3A_889 = arith.cmpi eq, %iota3A, %eq3A_888 : vector<16xi32>
        %select_n3A_890 = arith.select %eq3A_889, %convert_element_type3A_310, %scan3A_227 : vector<16xi1>, vector<16xi32>
        %sub3A_891 = arith.constant 0 : i32
        %sub3A_892 = arith.subi %scan3A_215, %sub3A_891 : i32
        %eq3A_893 = vector.broadcast %sub3A_892 : i32 to vector<16xi32>
        %eq3A_894 = arith.cmpi eq, %iota3A, %eq3A_893 : vector<16xi32>
        %select_n3A_895 = arith.select %eq3A_894, %mul3A_411, %scan3A_228 : vector<16xi1>, vector<16xi32>
        %sub3A_896 = arith.constant 16 : i32
        %sub3A_897 = arith.subi %scan3A_215, %sub3A_896 : i32
        %eq3A_898 = vector.broadcast %sub3A_897 : i32 to vector<16xi32>
        %eq3A_899 = arith.cmpi eq, %iota3A, %eq3A_898 : vector<16xi32>
        %select_n3A_900 = arith.select %eq3A_899, %mul3A_411, %scan3A_229 : vector<16xi1>, vector<16xi32>
        %sub3A_901 = arith.constant 32 : i32
        %sub3A_902 = arith.subi %scan3A_215, %sub3A_901 : i32
        %eq3A_903 = vector.broadcast %sub3A_902 : i32 to vector<16xi32>
        %eq3A_904 = arith.cmpi eq, %iota3A, %eq3A_903 : vector<16xi32>
        %select_n3A_905 = arith.select %eq3A_904, %mul3A_411, %scan3A_230 : vector<16xi1>, vector<16xi32>
        %sub3A_906 = arith.constant 0 : i32
        %sub3A_907 = arith.subi %scan3A_215, %sub3A_906 : i32
        %eq3A_908 = vector.broadcast %sub3A_907 : i32 to vector<16xi32>
        %eq3A_909 = arith.cmpi eq, %iota3A, %eq3A_908 : vector<16xi32>
        %select_n3A_910 = arith.select %eq3A_909, %add3A_344, %scan3A_231 : vector<16xi1>, vector<16xf32>
        %sub3A_911 = arith.constant 16 : i32
        %sub3A_912 = arith.subi %scan3A_215, %sub3A_911 : i32
        %eq3A_913 = vector.broadcast %sub3A_912 : i32 to vector<16xi32>
        %eq3A_914 = arith.cmpi eq, %iota3A, %eq3A_913 : vector<16xi32>
        %select_n3A_915 = arith.select %eq3A_914, %add3A_344, %scan3A_232 : vector<16xi1>, vector<16xf32>
        %sub3A_916 = arith.constant 32 : i32
        %sub3A_917 = arith.subi %scan3A_215, %sub3A_916 : i32
        %eq3A_918 = vector.broadcast %sub3A_917 : i32 to vector<16xi32>
        %eq3A_919 = arith.cmpi eq, %iota3A, %eq3A_918 : vector<16xi32>
        %select_n3A_920 = arith.select %eq3A_919, %add3A_344, %scan3A_233 : vector<16xi1>, vector<16xf32>
        %sub3A_921 = arith.constant 0 : i32
        %sub3A_922 = arith.subi %scan3A_215, %sub3A_921 : i32
        %eq3A_923 = vector.broadcast %sub3A_922 : i32 to vector<16xi32>
        %eq3A_924 = arith.cmpi eq, %iota3A, %eq3A_923 : vector<16xi32>
        %select_n3A_925 = arith.select %eq3A_924, %add3A_831, %scan3A_234 : vector<16xi1>, vector<16xi32>
        %sub3A_926 = arith.constant 16 : i32
        %sub3A_927 = arith.subi %scan3A_215, %sub3A_926 : i32
        %eq3A_928 = vector.broadcast %sub3A_927 : i32 to vector<16xi32>
        %eq3A_929 = arith.cmpi eq, %iota3A, %eq3A_928 : vector<16xi32>
        %select_n3A_930 = arith.select %eq3A_929, %add3A_831, %scan3A_235 : vector<16xi1>, vector<16xi32>
        %sub3A_931 = arith.constant 32 : i32
        %sub3A_932 = arith.subi %scan3A_215, %sub3A_931 : i32
        %eq3A_933 = vector.broadcast %sub3A_932 : i32 to vector<16xi32>
        %eq3A_934 = arith.cmpi eq, %iota3A, %eq3A_933 : vector<16xi32>
        %select_n3A_935 = arith.select %eq3A_934, %add3A_831, %scan3A_236 : vector<16xi1>, vector<16xi32>
        scf.yield %select_n3A_835, %select_n3A_840, %select_n3A_845, %select_n3A_850, %select_n3A_855, %select_n3A_860, %select_n3A_865, %select_n3A_870, %select_n3A_875, %select_n3A_880, %select_n3A_885, %select_n3A_890, %select_n3A_895, %select_n3A_900, %select_n3A_905, %select_n3A_910, %select_n3A_915, %select_n3A_920, %select_n3A_925, %select_n3A_930, %select_n3A_935 : vector<16xi32>, vector<16xi32>, vector<16xi32>, vector<16xf32>, vector<16xf32>, vector<16xf32>, vector<16xi32>, vector<16xi32>, vector<16xi32>, vector<16xi32>, vector<16xi32>, vector<16xi32>, vector<16xi32>, vector<16xi32>, vector<16xi32>, vector<16xf32>, vector<16xf32>, vector<16xf32>, vector<16xi32>, vector<16xi32>, vector<16xi32>
      }
      %scan3A_130 = arith.constant 48 : i32
      %swap3A = arith.constant 0 : index
      %swap3A_131 = tpu.vector_load %arg26[%swap3A] {strides = array<i32>} : memref<48xi32, #tpu.memory_space<vmem>>, vector<16xi32>,
      %swap3A_132 = vector.shape_cast %swap3A_131 : vector<16xi32> to vector<16xi32>
      %swap3A_133 = vector.shape_cast %scan3A_129#18 : vector<16xi32> to vector<16xi32>
      tpu.vector_store %arg26[%swap3A], %swap3A_133 {strides = array<i32>} : memref<48xi32, #tpu.memory_space<vmem>>, vector<16xi32>,
      %swap3A_134 = arith.constant 0 : index
      %swap3A_135 = tpu.vector_load %arg28[%swap3A_134] {strides = array<i32>} : memref<48xf32, #tpu.memory_space<vmem>>, vector<16xf32>,
      %swap3A_136 = vector.shape_cast %swap3A_135 : vector<16xf32> to vector<16xf32>
      %swap3A_137 = vector.shape_cast %scan3A_129#3 : vector<16xf32> to vector<16xf32>
      tpu.vector_store %arg28[%swap3A_134], %swap3A_137 {strides = array<i32>} : memref<48xf32, #tpu.memory_space<vmem>>, vector<16xf32>,
      %swap3A_138 = arith.constant 0 : index
      %swap3A_139 = tpu.vector_load %arg23[%swap3A_138] {strides = array<i32>} : memref<48xi32, #tpu.memory_space<vmem>>, vector<16xi32>,
      %swap3A_140 = vector.shape_cast %swap3A_139 : vector<16xi32> to vector<16xi32>
      %swap3A_141 = vector.shape_cast %scan3A_129#6 : vector<16xi32> to vector<16xi32>
      tpu.vector_store %arg23[%swap3A_138], %swap3A_141 {strides = array<i32>} : memref<48xi32, #tpu.memory_space<vmem>>, vector<16xi32>,
      %swap3A_142 = arith.constant 0 : index
      %swap3A_143 = tpu.vector_load %arg24[%swap3A_142] {strides = array<i32>} : memref<48xi32, #tpu.memory_space<vmem>>, vector<16xi32>,
      %swap3A_144 = vector.shape_cast %swap3A_143 : vector<16xi32> to vector<16xi32>
      %swap3A_145 = vector.shape_cast %scan3A_129#9 : vector<16xi32> to vector<16xi32>
      tpu.vector_store %arg24[%swap3A_142], %swap3A_145 {strides = array<i32>} : memref<48xi32, #tpu.memory_space<vmem>>, vector<16xi32>,
      %swap3A_146 = arith.constant 0 : index
      %swap3A_147 = tpu.vector_load %arg30[%swap3A_146] {strides = array<i32>} : memref<48xi32, #tpu.memory_space<vmem>>, vector<16xi32>,
      %swap3A_148 = vector.shape_cast %swap3A_147 : vector<16xi32> to vector<16xi32>
      %swap3A_149 = vector.shape_cast %scan3A_129#12 : vector<16xi32> to vector<16xi32>
      tpu.vector_store %arg30[%swap3A_146], %swap3A_149 {strides = array<i32>} : memref<48xi32, #tpu.memory_space<vmem>>, vector<16xi32>,
      %swap3A_150 = arith.constant 16 : index
      %swap3A_151 = tpu.vector_load %arg26[%swap3A_150] {strides = array<i32>} : memref<48xi32, #tpu.memory_space<vmem>>, vector<16xi32>,
      %swap3A_152 = vector.shape_cast %swap3A_151 : vector<16xi32> to vector<16xi32>
      %swap3A_153 = vector.shape_cast %scan3A_129#19 : vector<16xi32> to vector<16xi32>
      tpu.vector_store %arg26[%swap3A_150], %swap3A_153 {strides = array<i32>} : memref<48xi32, #tpu.memory_space<vmem>>, vector<16xi32>,
      %swap3A_154 = arith.constant 16 : index
      %swap3A_155 = tpu.vector_load %arg28[%swap3A_154] {strides = array<i32>} : memref<48xf32, #tpu.memory_space<vmem>>, vector<16xf32>,
      %swap3A_156 = vector.shape_cast %swap3A_155 : vector<16xf32> to vector<16xf32>
      %swap3A_157 = vector.shape_cast %scan3A_129#4 : vector<16xf32> to vector<16xf32>
      tpu.vector_store %arg28[%swap3A_154], %swap3A_157 {strides = array<i32>} : memref<48xf32, #tpu.memory_space<vmem>>, vector<16xf32>,
      %swap3A_158 = arith.constant 16 : index
      %swap3A_159 = tpu.vector_load %arg23[%swap3A_158] {strides = array<i32>} : memref<48xi32, #tpu.memory_space<vmem>>, vector<16xi32>,
      %swap3A_160 = vector.shape_cast %swap3A_159 : vector<16xi32> to vector<16xi32>
      %swap3A_161 = vector.shape_cast %scan3A_129#7 : vector<16xi32> to vector<16xi32>
      tpu.vector_store %arg23[%swap3A_158], %swap3A_161 {strides = array<i32>} : memref<48xi32, #tpu.memory_space<vmem>>, vector<16xi32>,
      %swap3A_162 = arith.constant 16 : index
      %swap3A_163 = tpu.vector_load %arg24[%swap3A_162] {strides = array<i32>} : memref<48xi32, #tpu.memory_space<vmem>>, vector<16xi32>,
      %swap3A_164 = vector.shape_cast %swap3A_163 : vector<16xi32> to vector<16xi32>
      %swap3A_165 = vector.shape_cast %scan3A_129#10 : vector<16xi32> to vector<16xi32>
      tpu.vector_store %arg24[%swap3A_162], %swap3A_165 {strides = array<i32>} : memref<48xi32, #tpu.memory_space<vmem>>, vector<16xi32>,
      %swap3A_166 = arith.constant 16 : index
      %swap3A_167 = tpu.vector_load %arg30[%swap3A_166] {strides = array<i32>} : memref<48xi32, #tpu.memory_space<vmem>>, vector<16xi32>,
      %swap3A_168 = vector.shape_cast %swap3A_167 : vector<16xi32> to vector<16xi32>
      %swap3A_169 = vector.shape_cast %scan3A_129#13 : vector<16xi32> to vector<16xi32>
      tpu.vector_store %arg30[%swap3A_166], %swap3A_169 {strides = array<i32>} : memref<48xi32, #tpu.memory_space<vmem>>, vector<16xi32>,
      %swap3A_170 = arith.constant 32 : index
      %swap3A_171 = tpu.vector_load %arg26[%swap3A_170] {strides = array<i32>} : memref<48xi32, #tpu.memory_space<vmem>>, vector<16xi32>,
      %swap3A_172 = vector.shape_cast %swap3A_171 : vector<16xi32> to vector<16xi32>
      %swap3A_173 = vector.shape_cast %scan3A_129#20 : vector<16xi32> to vector<16xi32>
      tpu.vector_store %arg26[%swap3A_170], %swap3A_173 {strides = array<i32>} : memref<48xi32, #tpu.memory_space<vmem>>, vector<16xi32>,
      %swap3A_174 = arith.constant 32 : index
      %swap3A_175 = tpu.vector_load %arg28[%swap3A_174] {strides = array<i32>} : memref<48xf32, #tpu.memory_space<vmem>>, vector<16xf32>,
      %swap3A_176 = vector.shape_cast %swap3A_175 : vector<16xf32> to vector<16xf32>
      %swap3A_177 = vector.shape_cast %scan3A_129#5 : vector<16xf32> to vector<16xf32>
      tpu.vector_store %arg28[%swap3A_174], %swap3A_177 {strides = array<i32>} : memref<48xf32, #tpu.memory_space<vmem>>, vector<16xf32>,
      %swap3A_178 = arith.constant 32 : index
      %swap3A_179 = tpu.vector_load %arg23[%swap3A_178] {strides = array<i32>} : memref<48xi32, #tpu.memory_space<vmem>>, vector<16xi32>,
      %swap3A_180 = vector.shape_cast %swap3A_179 : vector<16xi32> to vector<16xi32>
      %swap3A_181 = vector.shape_cast %scan3A_129#8 : vector<16xi32> to vector<16xi32>
      tpu.vector_store %arg23[%swap3A_178], %swap3A_181 {strides = array<i32>} : memref<48xi32, #tpu.memory_space<vmem>>, vector<16xi32>,
      %swap3A_182 = arith.constant 32 : index
      %swap3A_183 = tpu.vector_load %arg24[%swap3A_182] {strides = array<i32>} : memref<48xi32, #tpu.memory_space<vmem>>, vector<16xi32>,
      %swap3A_184 = vector.shape_cast %swap3A_183 : vector<16xi32> to vector<16xi32>
      %swap3A_185 = vector.shape_cast %scan3A_129#11 : vector<16xi32> to vector<16xi32>
      tpu.vector_store %arg24[%swap3A_182], %swap3A_185 {strides = array<i32>} : memref<48xi32, #tpu.memory_space<vmem>>, vector<16xi32>,
      %swap3A_186 = arith.constant 32 : index
      %swap3A_187 = tpu.vector_load %arg30[%swap3A_186] {strides = array<i32>} : memref<48xi32, #tpu.memory_space<vmem>>, vector<16xi32>,
      %swap3A_188 = vector.shape_cast %swap3A_187 : vector<16xi32> to vector<16xi32>
      %swap3A_189 = vector.shape_cast %scan3A_129#14 : vector<16xi32> to vector<16xi32>
      tpu.vector_store %arg30[%swap3A_186], %swap3A_189 {strides = array<i32>} : memref<48xi32, #tpu.memory_space<vmem>>, vector<16xi32>,
      %dma_start3A_190 = arith.constant 0 : i32
      %dma_start3A_191 = arith.constant 0 : i32
      %dma_start3A_192 = tpu.memref_slice %arg4[%dma_start3A_190, %dma_start3A_191] : memref<401408x16xf32, #tpu.memory_space<hbm>> -> memref<401408x16xf32, #tpu.memory_space<hbm>>
      tpu.enqueue_indirect_dma source(%dma_start3A_192 : memref<401408x16xf32, #tpu.memory_space<hbm>>) target(%arg27 : memref<48x16xf32, #tpu.memory_space<vmem>>) offsets(%arg26 : memref<48xi32, #tpu.memory_space<vmem>>) semaphore(%arg34 : memref<!tpu.dma_semaphore, #tpu.memory_space<semaphore_mem>>)
      %dma_wait3A_193 = arith.constant 0 : i32
      %dma_wait3A_194 = arith.constant 0 : i32
      %dma_wait3A_195 = tpu.memref_slice %arg4[%dma_wait3A_193, %dma_wait3A_194] : memref<401408x16xf32, #tpu.memory_space<hbm>> -> memref<401408x16xf32, #tpu.memory_space<hbm>>
      tpu.wait_indirect_dma semaphore(%arg34 : memref<!tpu.dma_semaphore, #tpu.memory_space<semaphore_mem>>) src(%dma_wait3A_195 : memref<401408x16xf32, #tpu.memory_space<hbm>>) dst(%arg27 : memref<48x16xf32, #tpu.memory_space<vmem>>)
      %scan3A_196 = arith.constant 0 : i32
      %scan3A_197 = arith.constant 48 : i32
      %scan3A_198 = arith.addi %scan3A_196, %scan3A_197 : i32
      %scan3A_199 = arith.constant 1 : i32
      %scan3A_200:3 = scf.for %scan3A_215 = %scan3A_196 to %scan3A_198 step %scan3A_199 iter_args(%scan3A_216 = %broadcast_in_dim3A_124, %scan3A_217 = %broadcast_in_dim3A_124, %scan3A_218 = %broadcast_in_dim3A_124) -> (vector<16xf32>, vector<16xf32>, vector<16xf32>)  : i32 {
        %get3A = arith.index_cast %scan3A_215 : i32 to index
        %get3A_219 = arith.constant 0 : index
        %get3A_220 = tpu.vector_load %arg27[%get3A, %get3A_219] {strides = array<i32>} : memref<48x16xf32, #tpu.memory_space<vmem>>, vector<1x16xf32>,
        %get3A_221 = vector.shape_cast %get3A_220 : vector<1x16xf32> to vector<16xf32>
        %eq3A = arith.constant 3 : i32
        %eq3A_222 = vector.broadcast %eq3A : i32 to vector<16xi32>
        %eq3A_223 = arith.cmpi eq, %iota3A, %eq3A_222 : vector<16xi32>
        %broadcast_in_dim3A_224 = arith.constant 0.000000e+00 : f32
        %broadcast_in_dim3A_225 = vector.broadcast %broadcast_in_dim3A_224 : f32 to vector<16xf32>
        %select_n3A = arith.select %eq3A_223, %get3A_221, %broadcast_in_dim3A_225 : vector<16xi1>, vector<16xf32>
        %xor3A = arith.constant 8 : i32
        %xor3A_226 = vector.broadcast %xor3A : i32 to vector<16xi32>
        %xor3A_227 = arith.xori %iota3A, %xor3A_226 : vector<16xi32>
        %broadcast_in_dim3A_228 = vector.shape_cast %xor3A_227 : vector<16xi32> to vector<16x1xi32>
        %gather3A = vector.shape_cast %broadcast_in_dim3A_228 : vector<16x1xi32> to vector<16xi32>
        %gather3A_229 = tpu.dynamic_gather %select_n3A[%gather3A] in [0] : vector<16xf32>, vector<16xi32> -> vector<16xf32>
        %add3A_230 = arith.addf %select_n3A, %gather3A_229 : vector<16xf32>
        %xor3A_231 = arith.constant 4 : i32
        %xor3A_232 = vector.broadcast %xor3A_231 : i32 to vector<16xi32>
        %xor3A_233 = arith.xori %iota3A, %xor3A_232 : vector<16xi32>
        %broadcast_in_dim3A_234 = vector.shape_cast %xor3A_233 : vector<16xi32> to vector<16x1xi32>
        %gather3A_235 = vector.shape_cast %broadcast_in_dim3A_234 : vector<16x1xi32> to vector<16xi32>
        %gather3A_236 = tpu.dynamic_gather %add3A_230[%gather3A_235] in [0] : vector<16xf32>, vector<16xi32> -> vector<16xf32>
        %add3A_237 = arith.addf %add3A_230, %gather3A_236 : vector<16xf32>
        %xor3A_238 = arith.constant 2 : i32
        %xor3A_239 = vector.broadcast %xor3A_238 : i32 to vector<16xi32>
        %xor3A_240 = arith.xori %iota3A, %xor3A_239 : vector<16xi32>
        %broadcast_in_dim3A_241 = vector.shape_cast %xor3A_240 : vector<16xi32> to vector<16x1xi32>
        %gather3A_242 = vector.shape_cast %broadcast_in_dim3A_241 : vector<16x1xi32> to vector<16xi32>
        %gather3A_243 = tpu.dynamic_gather %add3A_237[%gather3A_242] in [0] : vector<16xf32>, vector<16xi32> -> vector<16xf32>
        %add3A_244 = arith.addf %add3A_237, %gather3A_243 : vector<16xf32>
        %xor3A_245 = arith.constant 1 : i32
        %xor3A_246 = vector.broadcast %xor3A_245 : i32 to vector<16xi32>
        %xor3A_247 = arith.xori %iota3A, %xor3A_246 : vector<16xi32>
        %broadcast_in_dim3A_248 = vector.shape_cast %xor3A_247 : vector<16xi32> to vector<16x1xi32>
        %gather3A_249 = vector.shape_cast %broadcast_in_dim3A_248 : vector<16x1xi32> to vector<16xi32>
        %gather3A_250 = tpu.dynamic_gather %add3A_244[%gather3A_249] in [0] : vector<16xf32>, vector<16xi32> -> vector<16xf32>
        %add3A_251 = arith.addf %add3A_244, %gather3A_250 : vector<16xf32>
        %broadcast_in_dim3A_252 = arith.constant 0.000000e+00 : f32
        %broadcast_in_dim3A_253 = vector.broadcast %broadcast_in_dim3A_252 : f32 to vector<16xf32>
        %sub3A = arith.constant 0 : i32
        %sub3A_254 = arith.subi %scan3A_215, %sub3A : i32
        %eq3A_255 = vector.broadcast %sub3A_254 : i32 to vector<16xi32>
        %eq3A_256 = arith.cmpi eq, %iota3A, %eq3A_255 : vector<16xi32>
        %select_n3A_257 = arith.select %eq3A_256, %scan3A_129#15, %broadcast_in_dim3A_253 : vector<16xi1>, vector<16xf32>
        %add3A_258 = arith.constant 0.000000e+00 : f32
        %add3A_259 = vector.broadcast %add3A_258 : f32 to vector<16xf32>
        %add3A_260 = arith.addf %add3A_259, %select_n3A_257 : vector<16xf32>
        %sub3A_261 = arith.constant 16 : i32
        %sub3A_262 = arith.subi %scan3A_215, %sub3A_261 : i32
        %eq3A_263 = vector.broadcast %sub3A_262 : i32 to vector<16xi32>
        %eq3A_264 = arith.cmpi eq, %iota3A, %eq3A_263 : vector<16xi32>
        %select_n3A_265 = arith.select %eq3A_264, %scan3A_129#16, %broadcast_in_dim3A_253 : vector<16xi1>, vector<16xf32>
        %add3A_266 = arith.addf %add3A_260, %select_n3A_265 : vector<16xf32>
        %sub3A_267 = arith.constant 32 : i32
        %sub3A_268 = arith.subi %scan3A_215, %sub3A_267 : i32
        %eq3A_269 = vector.broadcast %sub3A_268 : i32 to vector<16xi32>
        %eq3A_270 = arith.cmpi eq, %iota3A, %eq3A_269 : vector<16xi32>
        %select_n3A_271 = arith.select %eq3A_270, %scan3A_129#17, %broadcast_in_dim3A_253 : vector<16xi1>, vector<16xf32>
        %add3A_272 = arith.addf %add3A_266, %select_n3A_271 : vector<16xf32>
        %xor3A_273 = arith.constant 8 : i32
        %xor3A_274 = vector.broadcast %xor3A_273 : i32 to vector<16xi32>
        %xor3A_275 = arith.xori %iota3A, %xor3A_274 : vector<16xi32>
        %broadcast_in_dim3A_276 = vector.shape_cast %xor3A_275 : vector<16xi32> to vector<16x1xi32>
        %gather3A_277 = vector.shape_cast %broadcast_in_dim3A_276 : vector<16x1xi32> to vector<16xi32>
        %gather3A_278 = tpu.dynamic_gather %add3A_272[%gather3A_277] in [0] : vector<16xf32>, vector<16xi32> -> vector<16xf32>
        %add3A_279 = arith.addf %add3A_272, %gather3A_278 : vector<16xf32>
        %xor3A_280 = arith.constant 4 : i32
        %xor3A_281 = vector.broadcast %xor3A_280 : i32 to vector<16xi32>
        %xor3A_282 = arith.xori %iota3A, %xor3A_281 : vector<16xi32>
        %broadcast_in_dim3A_283 = vector.shape_cast %xor3A_282 : vector<16xi32> to vector<16x1xi32>
        %gather3A_284 = vector.shape_cast %broadcast_in_dim3A_283 : vector<16x1xi32> to vector<16xi32>
        %gather3A_285 = tpu.dynamic_gather %add3A_279[%gather3A_284] in [0] : vector<16xf32>, vector<16xi32> -> vector<16xf32>
        %add3A_286 = arith.addf %add3A_279, %gather3A_285 : vector<16xf32>
        %xor3A_287 = arith.constant 2 : i32
        %xor3A_288 = vector.broadcast %xor3A_287 : i32 to vector<16xi32>
        %xor3A_289 = arith.xori %iota3A, %xor3A_288 : vector<16xi32>
        %broadcast_in_dim3A_290 = vector.shape_cast %xor3A_289 : vector<16xi32> to vector<16x1xi32>
        %gather3A_291 = vector.shape_cast %broadcast_in_dim3A_290 : vector<16x1xi32> to vector<16xi32>
        %gather3A_292 = tpu.dynamic_gather %add3A_286[%gather3A_291] in [0] : vector<16xf32>, vector<16xi32> -> vector<16xf32>
        %add3A_293 = arith.addf %add3A_286, %gather3A_292 : vector<16xf32>
        %xor3A_294 = arith.constant 1 : i32
        %xor3A_295 = vector.broadcast %xor3A_294 : i32 to vector<16xi32>
        %xor3A_296 = arith.xori %iota3A, %xor3A_295 : vector<16xi32>
        %broadcast_in_dim3A_297 = vector.shape_cast %xor3A_296 : vector<16xi32> to vector<16x1xi32>
        %gather3A_298 = vector.shape_cast %broadcast_in_dim3A_297 : vector<16x1xi32> to vector<16xi32>
        %gather3A_299 = tpu.dynamic_gather %add3A_293[%gather3A_298] in [0] : vector<16xf32>, vector<16xi32> -> vector<16xf32>
        %add3A_300 = arith.addf %add3A_293, %gather3A_299 : vector<16xf32>
        %add3A_301 = arith.addf %add3A_300, %add3A_251 : vector<16xf32>
        %mul3A_302 = arith.constant 5.000000e-01 : f32
        %mul3A_303 = vector.broadcast %mul3A_302 : f32 to vector<16xf32>
        %mul3A_304 = arith.mulf %add3A_301, %mul3A_303 : vector<16xf32>
        %sub3A_305 = arith.constant 0 : i32
        %sub3A_306 = arith.subi %scan3A_215, %sub3A_305 : i32
        %eq3A_307 = vector.broadcast %sub3A_306 : i32 to vector<16xi32>
        %eq3A_308 = arith.cmpi eq, %iota3A, %eq3A_307 : vector<16xi32>
        %select_n3A_309 = arith.select %eq3A_308, %mul3A_304, %scan3A_216 : vector<16xi1>, vector<16xf32>
        %sub3A_310 = arith.constant 16 : i32
        %sub3A_311 = arith.subi %scan3A_215, %sub3A_310 : i32
        %eq3A_312 = vector.broadcast %sub3A_311 : i32 to vector<16xi32>
        %eq3A_313 = arith.cmpi eq, %iota3A, %eq3A_312 : vector<16xi32>
        %select_n3A_314 = arith.select %eq3A_313, %mul3A_304, %scan3A_217 : vector<16xi1>, vector<16xf32>
        %sub3A_315 = arith.constant 32 : i32
        %sub3A_316 = arith.subi %scan3A_215, %sub3A_315 : i32
        %eq3A_317 = vector.broadcast %sub3A_316 : i32 to vector<16xi32>
        %eq3A_318 = arith.cmpi eq, %iota3A, %eq3A_317 : vector<16xi32>
        %select_n3A_319 = arith.select %eq3A_318, %mul3A_304, %scan3A_218 : vector<16xi1>, vector<16xf32>
        scf.yield %select_n3A_309, %select_n3A_314, %select_n3A_319 : vector<16xf32>, vector<16xf32>, vector<16xf32>
      }
      %scan3A_201 = arith.constant 48 : i32
      %swap3A_202 = arith.constant 0 : index
      %swap3A_203 = tpu.vector_load %arg29[%swap3A_202] {strides = array<i32>} : memref<48xf32, #tpu.memory_space<vmem>>, vector<16xf32>,
      %swap3A_204 = vector.shape_cast %swap3A_203 : vector<16xf32> to vector<16xf32>
      %swap3A_205 = vector.shape_cast %scan3A_200#0 : vector<16xf32> to vector<16xf32>
      tpu.vector_store %arg29[%swap3A_202], %swap3A_205 {strides = array<i32>} : memref<48xf32, #tpu.memory_space<vmem>>, vector<16xf32>,
      %swap3A_206 = arith.constant 16 : index
      %swap3A_207 = tpu.vector_load %arg29[%swap3A_206] {strides = array<i32>} : memref<48xf32, #tpu.memory_space<vmem>>, vector<16xf32>,
      %swap3A_208 = vector.shape_cast %swap3A_207 : vector<16xf32> to vector<16xf32>
      %swap3A_209 = vector.shape_cast %scan3A_200#1 : vector<16xf32> to vector<16xf32>
      tpu.vector_store %arg29[%swap3A_206], %swap3A_209 {strides = array<i32>} : memref<48xf32, #tpu.memory_space<vmem>>, vector<16xf32>,
      %swap3A_210 = arith.constant 32 : index
      %swap3A_211 = tpu.vector_load %arg29[%swap3A_210] {strides = array<i32>} : memref<48xf32, #tpu.memory_space<vmem>>, vector<16xf32>,
      %swap3A_212 = vector.shape_cast %swap3A_211 : vector<16xf32> to vector<16xf32>
      %swap3A_213 = vector.shape_cast %scan3A_200#2 : vector<16xf32> to vector<16xf32>
      tpu.vector_store %arg29[%swap3A_210], %swap3A_213 {strides = array<i32>} : memref<48xf32, #tpu.memory_space<vmem>>, vector<16xf32>,
      "tpu.region"() ({
        %run_scoped3A_215 = tpu.sem_alloc : memref<!tpu.dma_semaphore, #tpu.memory_space<semaphore_mem>>
        %dma_start3A_216 = arith.constant 0 : i32
        %dma_start3A_217 = tpu.memref_slice %arg8[%add3A_14, %dma_start3A_216] : memref<4608x48xf32, #tpu.memory_space<hbm>> -> memref<48x48xf32, #tpu.memory_space<hbm>>
        %dma_start3A_218 = arith.constant 0 : i32
        %dma_start3A_219 = tpu.memref_slice %arg8[%add3A_14, %dma_start3A_218] : memref<4608x48xf32, #tpu.memory_space<hbm>> -> memref<48x48xf32, #tpu.memory_space<hbm>>
        tpu.enqueue_dma source(%arg22 : memref<48x48xf32, #tpu.memory_space<vmem>>) target(%dma_start3A_219 : memref<48x48xf32, #tpu.memory_space<hbm>>) target_semaphore(%run_scoped3A_215 : memref<!tpu.dma_semaphore, #tpu.memory_space<semaphore_mem>>)
        %dma_wait3A_220 = arith.constant 0 : i32
        %dma_wait3A_221 = tpu.memref_slice %arg8[%add3A_14, %dma_wait3A_220] : memref<4608x48xf32, #tpu.memory_space<hbm>> -> memref<48x48xf32, #tpu.memory_space<hbm>>
        %dma_wait3A_222 = arith.constant 0 : i32
        %dma_wait3A_223 = tpu.memref_slice %arg8[%add3A_14, %dma_wait3A_222] : memref<4608x48xf32, #tpu.memory_space<hbm>> -> memref<48x48xf32, #tpu.memory_space<hbm>>
        tpu.wait_dma2 semaphore(%run_scoped3A_215 : memref<!tpu.dma_semaphore, #tpu.memory_space<semaphore_mem>>) src(%arg22 : memref<48x48xf32, #tpu.memory_space<vmem>>) dst(%dma_wait3A_223 : memref<48x48xf32, #tpu.memory_space<hbm>>)
        tpu.yield
      }) : () -> ()
      "tpu.region"() ({
        %run_scoped3A_215 = tpu.sem_alloc : memref<!tpu.dma_semaphore, #tpu.memory_space<semaphore_mem>>
        %dma_start3A_216 = tpu.memref_slice %arg9[%add3A_14] : memref<4608xf32, #tpu.memory_space<hbm>> -> memref<48xf32, #tpu.memory_space<hbm>>
        %dma_start3A_217 = tpu.memref_slice %arg9[%add3A_14] : memref<4608xf32, #tpu.memory_space<hbm>> -> memref<48xf32, #tpu.memory_space<hbm>>
        tpu.enqueue_dma source(%arg28 : memref<48xf32, #tpu.memory_space<vmem>>) target(%dma_start3A_217 : memref<48xf32, #tpu.memory_space<hbm>>) target_semaphore(%run_scoped3A_215 : memref<!tpu.dma_semaphore, #tpu.memory_space<semaphore_mem>>)
        %dma_wait3A_218 = tpu.memref_slice %arg9[%add3A_14] : memref<4608xf32, #tpu.memory_space<hbm>> -> memref<48xf32, #tpu.memory_space<hbm>>
        %dma_wait3A_219 = tpu.memref_slice %arg9[%add3A_14] : memref<4608xf32, #tpu.memory_space<hbm>> -> memref<48xf32, #tpu.memory_space<hbm>>
        tpu.wait_dma2 semaphore(%run_scoped3A_215 : memref<!tpu.dma_semaphore, #tpu.memory_space<semaphore_mem>>) src(%arg28 : memref<48xf32, #tpu.memory_space<vmem>>) dst(%dma_wait3A_219 : memref<48xf32, #tpu.memory_space<hbm>>)
        tpu.yield
      }) : () -> ()
      "tpu.region"() ({
        %run_scoped3A_215 = tpu.sem_alloc : memref<!tpu.dma_semaphore, #tpu.memory_space<semaphore_mem>>
        %dma_start3A_216 = tpu.memref_slice %arg10[%add3A_14] : memref<4608xf32, #tpu.memory_space<hbm>> -> memref<48xf32, #tpu.memory_space<hbm>>
        %dma_start3A_217 = tpu.memref_slice %arg10[%add3A_14] : memref<4608xf32, #tpu.memory_space<hbm>> -> memref<48xf32, #tpu.memory_space<hbm>>
        tpu.enqueue_dma source(%arg29 : memref<48xf32, #tpu.memory_space<vmem>>) target(%dma_start3A_217 : memref<48xf32, #tpu.memory_space<hbm>>) target_semaphore(%run_scoped3A_215 : memref<!tpu.dma_semaphore, #tpu.memory_space<semaphore_mem>>)
        %dma_wait3A_218 = tpu.memref_slice %arg10[%add3A_14] : memref<4608xf32, #tpu.memory_space<hbm>> -> memref<48xf32, #tpu.memory_space<hbm>>
        %dma_wait3A_219 = tpu.memref_slice %arg10[%add3A_14] : memref<4608xf32, #tpu.memory_space<hbm>> -> memref<48xf32, #tpu.memory_space<hbm>>
        tpu.wait_dma2 semaphore(%run_scoped3A_215 : memref<!tpu.dma_semaphore, #tpu.memory_space<semaphore_mem>>) src(%arg29 : memref<48xf32, #tpu.memory_space<vmem>>) dst(%dma_wait3A_219 : memref<48xf32, #tpu.memory_space<hbm>>)
        tpu.yield
      }) : () -> ()
      "tpu.region"() ({
        %run_scoped3A_215 = tpu.sem_alloc : memref<!tpu.dma_semaphore, #tpu.memory_space<semaphore_mem>>
        %dma_start3A_216 = tpu.memref_slice %arg11[%add3A_14] : memref<4608xi32, #tpu.memory_space<hbm>> -> memref<48xi32, #tpu.memory_space<hbm>>
        %dma_start3A_217 = tpu.memref_slice %arg11[%add3A_14] : memref<4608xi32, #tpu.memory_space<hbm>> -> memref<48xi32, #tpu.memory_space<hbm>>
        tpu.enqueue_dma source(%arg30 : memref<48xi32, #tpu.memory_space<vmem>>) target(%dma_start3A_217 : memref<48xi32, #tpu.memory_space<hbm>>) target_semaphore(%run_scoped3A_215 : memref<!tpu.dma_semaphore, #tpu.memory_space<semaphore_mem>>)
        %dma_wait3A_218 = tpu.memref_slice %arg11[%add3A_14] : memref<4608xi32, #tpu.memory_space<hbm>> -> memref<48xi32, #tpu.memory_space<hbm>>
        %dma_wait3A_219 = tpu.memref_slice %arg11[%add3A_14] : memref<4608xi32, #tpu.memory_space<hbm>> -> memref<48xi32, #tpu.memory_space<hbm>>
        tpu.wait_dma2 semaphore(%run_scoped3A_215 : memref<!tpu.dma_semaphore, #tpu.memory_space<semaphore_mem>>) src(%arg30 : memref<48xi32, #tpu.memory_space<vmem>>) dst(%dma_wait3A_219 : memref<48xi32, #tpu.memory_space<hbm>>)
        tpu.yield
      }) : () -> ()
      "tpu.region"() ({
        %run_scoped3A_215 = tpu.sem_alloc : memref<!tpu.dma_semaphore, #tpu.memory_space<semaphore_mem>>
        %dma_start3A_216 = tpu.memref_slice %arg12[%add3A_14] : memref<4608xi32, #tpu.memory_space<hbm>> -> memref<48xi32, #tpu.memory_space<hbm>>
        %dma_start3A_217 = tpu.memref_slice %arg12[%add3A_14] : memref<4608xi32, #tpu.memory_space<hbm>> -> memref<48xi32, #tpu.memory_space<hbm>>
        tpu.enqueue_dma source(%arg23 : memref<48xi32, #tpu.memory_space<vmem>>) target(%dma_start3A_217 : memref<48xi32, #tpu.memory_space<hbm>>) target_semaphore(%run_scoped3A_215 : memref<!tpu.dma_semaphore, #tpu.memory_space<semaphore_mem>>)
        %dma_wait3A_218 = tpu.memref_slice %arg12[%add3A_14] : memref<4608xi32, #tpu.memory_space<hbm>> -> memref<48xi32, #tpu.memory_space<hbm>>
        %dma_wait3A_219 = tpu.memref_slice %arg12[%add3A_14] : memref<4608xi32, #tpu.memory_space<hbm>> -> memref<48xi32, #tpu.memory_space<hbm>>
        tpu.wait_dma2 semaphore(%run_scoped3A_215 : memref<!tpu.dma_semaphore, #tpu.memory_space<semaphore_mem>>) src(%arg23 : memref<48xi32, #tpu.memory_space<vmem>>) dst(%dma_wait3A_219 : memref<48xi32, #tpu.memory_space<hbm>>)
        tpu.yield
      }) : () -> ()
      "tpu.region"() ({
        %run_scoped3A_215 = tpu.sem_alloc : memref<!tpu.dma_semaphore, #tpu.memory_space<semaphore_mem>>
        %dma_start3A_216 = tpu.memref_slice %arg13[%add3A_14] : memref<4608xi32, #tpu.memory_space<hbm>> -> memref<48xi32, #tpu.memory_space<hbm>>
        %dma_start3A_217 = tpu.memref_slice %arg13[%add3A_14] : memref<4608xi32, #tpu.memory_space<hbm>> -> memref<48xi32, #tpu.memory_space<hbm>>
        tpu.enqueue_dma source(%arg24 : memref<48xi32, #tpu.memory_space<vmem>>) target(%dma_start3A_217 : memref<48xi32, #tpu.memory_space<hbm>>) target_semaphore(%run_scoped3A_215 : memref<!tpu.dma_semaphore, #tpu.memory_space<semaphore_mem>>)
        %dma_wait3A_218 = tpu.memref_slice %arg13[%add3A_14] : memref<4608xi32, #tpu.memory_space<hbm>> -> memref<48xi32, #tpu.memory_space<hbm>>
        %dma_wait3A_219 = tpu.memref_slice %arg13[%add3A_14] : memref<4608xi32, #tpu.memory_space<hbm>> -> memref<48xi32, #tpu.memory_space<hbm>>
        tpu.wait_dma2 semaphore(%run_scoped3A_215 : memref<!tpu.dma_semaphore, #tpu.memory_space<semaphore_mem>>) src(%arg24 : memref<48xi32, #tpu.memory_space<vmem>>) dst(%dma_wait3A_219 : memref<48xi32, #tpu.memory_space<hbm>>)
        tpu.yield
      }) : () -> ()
      %scan3A_214 = arith.constant 0 : i32
      scf.yield %scan3A_214 : i32
    }
    %scan3A_7 = arith.constant 3 : i32
    return
  }
}

module attributes {stable_mosaic.version = 14 : i64} {
  func.func @_sample_body(%arg0: memref<64x9216xf32, #tpu.memory_space<vmem>>, %arg1: memref<8x9216xi32, #tpu.memory_space<vmem>>) attributes {dimension_semantics = [], scalar_prefetch = 0 : i64, scratch_operands = 0 : i64, tpu.core_type = #tpu.core_type<tc>} {
    %get3A = arith.constant 0 : index
    %get3A_0 = arith.constant 0 : index
    %get3A_1 = vector.load %arg0[%get3A, %get3A_0] : memref<64x9216xf32, #tpu.memory_space<vmem>>, vector<64x9216xf32>
    %reduce_max3A = arith.constant dense<0xFF800000> : vector<9216xf32>
    %reduce_max3A_2 = vector.multi_reduction <maximumf>, %get3A_1, %reduce_max3A [0] : vector<64x9216xf32> to vector<9216xf32>
    %broadcast_in_dim3A = vector.shape_cast %reduce_max3A_2 : vector<9216xf32> to vector<1x9216xf32>
    %iota3A = tpu.iota {dimensions = array<i32: 0>} : vector<64x9216xi32>
    %eq3A = vector.broadcast %broadcast_in_dim3A : vector<1x9216xf32> to vector<64x9216xf32>
    %eq3A_3 = arith.cmpf oeq, %get3A_1, %eq3A : vector<64x9216xf32>
    %jit3A = arith.constant 64 : i32
    %broadcast_in_dim3A_4 = vector.broadcast %jit3A : i32 to vector<64x9216xi32>
    %select_n3A = arith.select %eq3A_3, %iota3A, %broadcast_in_dim3A_4 : vector<64x9216xi1>, vector<64x9216xi32>
    %reduce_min3A = arith.constant dense<2147483647> : vector<9216xi32>
    %reduce_min3A_5 = vector.multi_reduction <minsi>, %select_n3A, %reduce_min3A [0] : vector<64x9216xi32> to vector<9216xi32>
    %broadcast_in_dim3A_6 = vector.shape_cast %reduce_min3A_5 : vector<9216xi32> to vector<1x9216xi32>
    %iota3A_7 = tpu.iota {dimensions = array<i32: 1>} : vector<1x9216xi32>
    %jit3A_8 = arith.constant 4608 : i32
    %eq3A_9 = arith.constant 0 : i32
    %eq3A_10 = arith.cmpi eq, %jit3A_8, %eq3A_9 : i32
    %jit3A_11 = arith.constant 1 : i32
    %select_n3A_12 = arith.select %eq3A_10, %jit3A_11, %jit3A_8 : i32
    %rem3A = vector.broadcast %select_n3A_12 : i32 to vector<1x9216xi32>
    %rem3A_13 = arith.remsi %iota3A_7, %rem3A : vector<1x9216xi32>
    %ne3A = arith.constant 0 : i32
    %ne3A_14 = vector.broadcast %ne3A : i32 to vector<1x9216xi32>
    %ne3A_15 = arith.cmpi ne, %rem3A_13, %ne3A_14 : vector<1x9216xi32>
    %lt3A = arith.constant 0 : i32
    %lt3A_16 = vector.broadcast %lt3A : i32 to vector<1x9216xi32>
    %lt3A_17 = arith.cmpi slt, %rem3A_13, %lt3A_16 : vector<1x9216xi32>
    %lt3A_18 = arith.constant 0 : i32
    %lt3A_19 = arith.cmpi slt, %select_n3A_12, %lt3A_18 : i32
    %ne3A_20 = vector.broadcast %lt3A_19 : i1 to vector<1x9216xi1>
    %ne3A_21 = vector.broadcast %ne3A_20 : vector<1x9216xi1> to vector<1x9216xi1>
    %ne3A_22 = arith.xori %lt3A_17, %ne3A_21 : vector<1x9216xi1>
    %and3A = arith.andi %ne3A_22, %ne3A_15 : vector<1x9216xi1>
    %add3A = vector.broadcast %select_n3A_12 : i32 to vector<1x9216xi32>
    %add3A_23 = arith.addi %rem3A_13, %add3A : vector<1x9216xi32>
    %select_n3A_24 = arith.select %and3A, %add3A_23, %rem3A_13 : vector<1x9216xi1>, vector<1x9216xi32>
    %jit3A_25 = arith.constant 576 : i32
    %div3A = vector.broadcast %jit3A_25 : i32 to vector<1x9216xi32>
    %div3A_26 = arith.divsi %select_n3A_24, %div3A : vector<1x9216xi32>
    %sign3A = arith.constant 0 : i32
    %sign3A_27 = vector.broadcast %sign3A : i32 to vector<1x9216xi32>
    %sign3A_28 = arith.cmpi sgt, %select_n3A_24, %sign3A_27 : vector<1x9216xi32>
    %sign3A_29 = arith.extui %sign3A_28 : vector<1x9216xi1> to vector<1x9216xi32>
    %sign3A_30 = arith.constant 0 : i32
    %sign3A_31 = vector.broadcast %sign3A_30 : i32 to vector<1x9216xi32>
    %sign3A_32 = arith.cmpi slt, %select_n3A_24, %sign3A_31 : vector<1x9216xi32>
    %sign3A_33 = arith.extui %sign3A_32 : vector<1x9216xi1> to vector<1x9216xi32>
    %sign3A_34 = arith.subi %sign3A_29, %sign3A_33 : vector<1x9216xi32>
    %sign3A_35 = arith.constant 0 : i32
    %sign3A_36 = arith.cmpi sgt, %jit3A_25, %sign3A_35 : i32
    %sign3A_37 = arith.extui %sign3A_36 : i1 to i32
    %sign3A_38 = arith.constant 0 : i32
    %sign3A_39 = arith.cmpi slt, %jit3A_25, %sign3A_38 : i32
    %sign3A_40 = arith.extui %sign3A_39 : i1 to i32
    %sign3A_41 = arith.subi %sign3A_37, %sign3A_40 : i32
    %ne3A_42 = vector.broadcast %sign3A_41 : i32 to vector<1x9216xi32>
    %ne3A_43 = arith.cmpi ne, %sign3A_34, %ne3A_42 : vector<1x9216xi32>
    %rem3A_44 = vector.broadcast %jit3A_25 : i32 to vector<1x9216xi32>
    %rem3A_45 = arith.remsi %select_n3A_24, %rem3A_44 : vector<1x9216xi32>
    %ne3A_46 = arith.constant 0 : i32
    %ne3A_47 = vector.broadcast %ne3A_46 : i32 to vector<1x9216xi32>
    %ne3A_48 = arith.cmpi ne, %rem3A_45, %ne3A_47 : vector<1x9216xi32>
    %and3A_49 = arith.andi %ne3A_43, %ne3A_48 : vector<1x9216xi1>
    %sub3A = arith.constant 1 : i32
    %sub3A_50 = vector.broadcast %sub3A : i32 to vector<1x9216xi32>
    %sub3A_51 = arith.subi %div3A_26, %sub3A_50 : vector<1x9216xi32>
    %select_n3A_52 = arith.select %and3A_49, %sub3A_51, %div3A_26 : vector<1x9216xi1>, vector<1x9216xi32>
    %jit3A_53 = arith.constant 576 : i32
    %eq3A_54 = arith.constant 0 : i32
    %eq3A_55 = arith.cmpi eq, %jit3A_53, %eq3A_54 : i32
    %jit3A_56 = arith.constant 1 : i32
    %select_n3A_57 = arith.select %eq3A_55, %jit3A_56, %jit3A_53 : i32
    %rem3A_58 = vector.broadcast %select_n3A_57 : i32 to vector<1x9216xi32>
    %rem3A_59 = arith.remsi %iota3A_7, %rem3A_58 : vector<1x9216xi32>
    %ne3A_60 = arith.constant 0 : i32
    %ne3A_61 = vector.broadcast %ne3A_60 : i32 to vector<1x9216xi32>
    %ne3A_62 = arith.cmpi ne, %rem3A_59, %ne3A_61 : vector<1x9216xi32>
    %lt3A_63 = arith.constant 0 : i32
    %lt3A_64 = vector.broadcast %lt3A_63 : i32 to vector<1x9216xi32>
    %lt3A_65 = arith.cmpi slt, %rem3A_59, %lt3A_64 : vector<1x9216xi32>
    %lt3A_66 = arith.constant 0 : i32
    %lt3A_67 = arith.cmpi slt, %select_n3A_57, %lt3A_66 : i32
    %ne3A_68 = vector.broadcast %lt3A_67 : i1 to vector<1x9216xi1>
    %ne3A_69 = vector.broadcast %ne3A_68 : vector<1x9216xi1> to vector<1x9216xi1>
    %ne3A_70 = arith.xori %lt3A_65, %ne3A_69 : vector<1x9216xi1>
    %and3A_71 = arith.andi %ne3A_70, %ne3A_62 : vector<1x9216xi1>
    %add3A_72 = vector.broadcast %select_n3A_57 : i32 to vector<1x9216xi32>
    %add3A_73 = arith.addi %rem3A_59, %add3A_72 : vector<1x9216xi32>
    %select_n3A_74 = arith.select %and3A_71, %add3A_73, %rem3A_59 : vector<1x9216xi1>, vector<1x9216xi32>
    %jit3A_75 = arith.constant 24 : i32
    %div3A_76 = vector.broadcast %jit3A_75 : i32 to vector<1x9216xi32>
    %div3A_77 = arith.divsi %select_n3A_74, %div3A_76 : vector<1x9216xi32>
    %sign3A_78 = arith.constant 0 : i32
    %sign3A_79 = vector.broadcast %sign3A_78 : i32 to vector<1x9216xi32>
    %sign3A_80 = arith.cmpi sgt, %select_n3A_74, %sign3A_79 : vector<1x9216xi32>
    %sign3A_81 = arith.extui %sign3A_80 : vector<1x9216xi1> to vector<1x9216xi32>
    %sign3A_82 = arith.constant 0 : i32
    %sign3A_83 = vector.broadcast %sign3A_82 : i32 to vector<1x9216xi32>
    %sign3A_84 = arith.cmpi slt, %select_n3A_74, %sign3A_83 : vector<1x9216xi32>
    %sign3A_85 = arith.extui %sign3A_84 : vector<1x9216xi1> to vector<1x9216xi32>
    %sign3A_86 = arith.subi %sign3A_81, %sign3A_85 : vector<1x9216xi32>
    %sign3A_87 = arith.constant 0 : i32
    %sign3A_88 = arith.cmpi sgt, %jit3A_75, %sign3A_87 : i32
    %sign3A_89 = arith.extui %sign3A_88 : i1 to i32
    %sign3A_90 = arith.constant 0 : i32
    %sign3A_91 = arith.cmpi slt, %jit3A_75, %sign3A_90 : i32
    %sign3A_92 = arith.extui %sign3A_91 : i1 to i32
    %sign3A_93 = arith.subi %sign3A_89, %sign3A_92 : i32
    %ne3A_94 = vector.broadcast %sign3A_93 : i32 to vector<1x9216xi32>
    %ne3A_95 = arith.cmpi ne, %sign3A_86, %ne3A_94 : vector<1x9216xi32>
    %rem3A_96 = vector.broadcast %jit3A_75 : i32 to vector<1x9216xi32>
    %rem3A_97 = arith.remsi %select_n3A_74, %rem3A_96 : vector<1x9216xi32>
    %ne3A_98 = arith.constant 0 : i32
    %ne3A_99 = vector.broadcast %ne3A_98 : i32 to vector<1x9216xi32>
    %ne3A_100 = arith.cmpi ne, %rem3A_97, %ne3A_99 : vector<1x9216xi32>
    %and3A_101 = arith.andi %ne3A_95, %ne3A_100 : vector<1x9216xi1>
    %sub3A_102 = arith.constant 1 : i32
    %sub3A_103 = vector.broadcast %sub3A_102 : i32 to vector<1x9216xi32>
    %sub3A_104 = arith.subi %div3A_77, %sub3A_103 : vector<1x9216xi32>
    %select_n3A_105 = arith.select %and3A_101, %sub3A_104, %div3A_77 : vector<1x9216xi1>, vector<1x9216xi32>
    %jit3A_106 = arith.constant 24 : i32
    %eq3A_107 = arith.constant 0 : i32
    %eq3A_108 = arith.cmpi eq, %jit3A_106, %eq3A_107 : i32
    %jit3A_109 = arith.constant 1 : i32
    %select_n3A_110 = arith.select %eq3A_108, %jit3A_109, %jit3A_106 : i32
    %rem3A_111 = vector.broadcast %select_n3A_110 : i32 to vector<1x9216xi32>
    %rem3A_112 = arith.remsi %select_n3A_74, %rem3A_111 : vector<1x9216xi32>
    %ne3A_113 = arith.constant 0 : i32
    %ne3A_114 = vector.broadcast %ne3A_113 : i32 to vector<1x9216xi32>
    %ne3A_115 = arith.cmpi ne, %rem3A_112, %ne3A_114 : vector<1x9216xi32>
    %lt3A_116 = arith.constant 0 : i32
    %lt3A_117 = vector.broadcast %lt3A_116 : i32 to vector<1x9216xi32>
    %lt3A_118 = arith.cmpi slt, %rem3A_112, %lt3A_117 : vector<1x9216xi32>
    %lt3A_119 = arith.constant 0 : i32
    %lt3A_120 = arith.cmpi slt, %select_n3A_110, %lt3A_119 : i32
    %ne3A_121 = vector.broadcast %lt3A_120 : i1 to vector<1x9216xi1>
    %ne3A_122 = vector.broadcast %ne3A_121 : vector<1x9216xi1> to vector<1x9216xi1>
    %ne3A_123 = arith.xori %lt3A_118, %ne3A_122 : vector<1x9216xi1>
    %and3A_124 = arith.andi %ne3A_123, %ne3A_115 : vector<1x9216xi1>
    %add3A_125 = vector.broadcast %select_n3A_110 : i32 to vector<1x9216xi32>
    %add3A_126 = arith.addi %rem3A_112, %add3A_125 : vector<1x9216xi32>
    %select_n3A_127 = arith.select %and3A_124, %add3A_126, %rem3A_112 : vector<1x9216xi1>, vector<1x9216xi32>
    %jit3A_128 = arith.constant 8 : i32
    %div3A_129 = vector.broadcast %jit3A_128 : i32 to vector<1x9216xi32>
    %div3A_130 = arith.divsi %broadcast_in_dim3A_6, %div3A_129 : vector<1x9216xi32>
    %sign3A_131 = arith.constant 0 : i32
    %sign3A_132 = vector.broadcast %sign3A_131 : i32 to vector<1x9216xi32>
    %sign3A_133 = arith.cmpi sgt, %broadcast_in_dim3A_6, %sign3A_132 : vector<1x9216xi32>
    %sign3A_134 = arith.extui %sign3A_133 : vector<1x9216xi1> to vector<1x9216xi32>
    %sign3A_135 = arith.constant 0 : i32
    %sign3A_136 = vector.broadcast %sign3A_135 : i32 to vector<1x9216xi32>
    %sign3A_137 = arith.cmpi slt, %broadcast_in_dim3A_6, %sign3A_136 : vector<1x9216xi32>
    %sign3A_138 = arith.extui %sign3A_137 : vector<1x9216xi1> to vector<1x9216xi32>
    %sign3A_139 = arith.subi %sign3A_134, %sign3A_138 : vector<1x9216xi32>
    %sign3A_140 = arith.constant 0 : i32
    %sign3A_141 = arith.cmpi sgt, %jit3A_128, %sign3A_140 : i32
    %sign3A_142 = arith.extui %sign3A_141 : i1 to i32
    %sign3A_143 = arith.constant 0 : i32
    %sign3A_144 = arith.cmpi slt, %jit3A_128, %sign3A_143 : i32
    %sign3A_145 = arith.extui %sign3A_144 : i1 to i32
    %sign3A_146 = arith.subi %sign3A_142, %sign3A_145 : i32
    %ne3A_147 = vector.broadcast %sign3A_146 : i32 to vector<1x9216xi32>
    %ne3A_148 = arith.cmpi ne, %sign3A_139, %ne3A_147 : vector<1x9216xi32>
    %rem3A_149 = vector.broadcast %jit3A_128 : i32 to vector<1x9216xi32>
    %rem3A_150 = arith.remsi %broadcast_in_dim3A_6, %rem3A_149 : vector<1x9216xi32>
    %ne3A_151 = arith.constant 0 : i32
    %ne3A_152 = vector.broadcast %ne3A_151 : i32 to vector<1x9216xi32>
    %ne3A_153 = arith.cmpi ne, %rem3A_150, %ne3A_152 : vector<1x9216xi32>
    %and3A_154 = arith.andi %ne3A_148, %ne3A_153 : vector<1x9216xi1>
    %sub3A_155 = arith.constant 1 : i32
    %sub3A_156 = vector.broadcast %sub3A_155 : i32 to vector<1x9216xi32>
    %sub3A_157 = arith.subi %div3A_130, %sub3A_156 : vector<1x9216xi32>
    %select_n3A_158 = arith.select %and3A_154, %sub3A_157, %div3A_130 : vector<1x9216xi1>, vector<1x9216xi32>
    %jit3A_159 = arith.constant 8 : i32
    %eq3A_160 = arith.constant 0 : i32
    %eq3A_161 = arith.cmpi eq, %jit3A_159, %eq3A_160 : i32
    %jit3A_162 = arith.constant 1 : i32
    %select_n3A_163 = arith.select %eq3A_161, %jit3A_162, %jit3A_159 : i32
    %rem3A_164 = vector.broadcast %select_n3A_163 : i32 to vector<1x9216xi32>
    %rem3A_165 = arith.remsi %broadcast_in_dim3A_6, %rem3A_164 : vector<1x9216xi32>
    %ne3A_166 = arith.constant 0 : i32
    %ne3A_167 = vector.broadcast %ne3A_166 : i32 to vector<1x9216xi32>
    %ne3A_168 = arith.cmpi ne, %rem3A_165, %ne3A_167 : vector<1x9216xi32>
    %lt3A_169 = arith.constant 0 : i32
    %lt3A_170 = vector.broadcast %lt3A_169 : i32 to vector<1x9216xi32>
    %lt3A_171 = arith.cmpi slt, %rem3A_165, %lt3A_170 : vector<1x9216xi32>
    %lt3A_172 = arith.constant 0 : i32
    %lt3A_173 = arith.cmpi slt, %select_n3A_163, %lt3A_172 : i32
    %ne3A_174 = vector.broadcast %lt3A_173 : i1 to vector<1x9216xi1>
    %ne3A_175 = vector.broadcast %ne3A_174 : vector<1x9216xi1> to vector<1x9216xi1>
    %ne3A_176 = arith.xori %lt3A_171, %ne3A_175 : vector<1x9216xi1>
    %and3A_177 = arith.andi %ne3A_176, %ne3A_168 : vector<1x9216xi1>
    %add3A_178 = vector.broadcast %select_n3A_163 : i32 to vector<1x9216xi32>
    %add3A_179 = arith.addi %rem3A_165, %add3A_178 : vector<1x9216xi32>
    %select_n3A_180 = arith.select %and3A_177, %add3A_179, %rem3A_165 : vector<1x9216xi1>, vector<1x9216xi32>
    %mul3A = arith.constant 8 : i32
    %mul3A_181 = vector.broadcast %mul3A : i32 to vector<1x9216xi32>
    %mul3A_182 = arith.muli %select_n3A_127, %mul3A_181 : vector<1x9216xi32>
    %add3A_183 = arith.constant 16 : i32
    %add3A_184 = vector.broadcast %add3A_183 : i32 to vector<1x9216xi32>
    %add3A_185 = arith.addi %add3A_184, %mul3A_182 : vector<1x9216xi32>
    %add3A_186 = arith.addi %add3A_185, %select_n3A_180 : vector<1x9216xi32>
    %mul3A_187 = arith.constant 8 : i32
    %mul3A_188 = vector.broadcast %mul3A_187 : i32 to vector<1x9216xi32>
    %mul3A_189 = arith.muli %select_n3A_105, %mul3A_188 : vector<1x9216xi32>
    %add3A_190 = arith.constant 16 : i32
    %add3A_191 = vector.broadcast %add3A_190 : i32 to vector<1x9216xi32>
    %add3A_192 = arith.addi %add3A_191, %mul3A_189 : vector<1x9216xi32>
    %add3A_193 = arith.addi %add3A_192, %select_n3A_158 : vector<1x9216xi32>
    %mul3A_194 = arith.constant 50176 : i32
    %mul3A_195 = vector.broadcast %mul3A_194 : i32 to vector<1x9216xi32>
    %mul3A_196 = arith.muli %select_n3A_52, %mul3A_195 : vector<1x9216xi32>
    %mul3A_197 = arith.constant 224 : i32
    %mul3A_198 = vector.broadcast %mul3A_197 : i32 to vector<1x9216xi32>
    %mul3A_199 = arith.muli %add3A_186, %mul3A_198 : vector<1x9216xi32>
    %add3A_200 = arith.addi %mul3A_196, %mul3A_199 : vector<1x9216xi32>
    %add3A_201 = arith.addi %add3A_200, %add3A_193 : vector<1x9216xi32>
    %broadcast_in_dim3A_202 = arith.constant 0 : i32
    %broadcast_in_dim3A_203 = vector.broadcast %broadcast_in_dim3A_202 : i32 to vector<1x9216xi32>
    %concatenate3A = tpu.concatenate %add3A_201, %add3A_186, %add3A_193, %broadcast_in_dim3A_203, %broadcast_in_dim3A_203, %broadcast_in_dim3A_203, %broadcast_in_dim3A_203, %broadcast_in_dim3A_203 in 0 : vector<1x9216xi32>, vector<1x9216xi32>, vector<1x9216xi32>, vector<1x9216xi32>, vector<1x9216xi32>, vector<1x9216xi32>, vector<1x9216xi32>, vector<1x9216xi32> -> vector<8x9216xi32>
    %swap3A = arith.constant 0 : index
    %swap3A_204 = arith.constant 0 : index
    %swap3A_205 = vector.load %arg1[%swap3A, %swap3A_204] : memref<8x9216xi32, #tpu.memory_space<vmem>>, vector<8x9216xi32>
    tpu.vector_store %arg1[%swap3A, %swap3A_204], %concatenate3A {strides = array<i32>} : memref<8x9216xi32, #tpu.memory_space<vmem>>, vector<8x9216xi32>,
    return
  }
}

module attributes {stable_mosaic.version = 14 : i64} {
  func.func @_score_body(%arg0: i32, %arg1: memref<512x16xf32, #tpu.memory_space<vmem>>, %arg2: memref<512x128xf32, #tpu.memory_space<vmem>>, %arg3: memref<4608x128xf32, #tpu.memory_space<vmem>>, %arg4: memref<512x1xi32, #tpu.memory_space<vmem>>, %arg5: memref<512x1xi32, #tpu.memory_space<vmem>>, %arg6: memref<512x1xi32, #tpu.memory_space<vmem>>, %arg7: memref<1x4608xi32, #tpu.memory_space<vmem>>, %arg8: memref<1x4608xi32, #tpu.memory_space<vmem>>, %arg9: memref<1x4608xi32, #tpu.memory_space<vmem>>, %arg10: memref<512x4621xf32, #tpu.memory_space<vmem>>) attributes {dimension_semantics = [#tpu.dimension_semantics<arbitrary>], iteration_bounds = array<i64: 9>, scalar_prefetch = 0 : i64, scratch_operands = 0 : i64, tpu.core_type = #tpu.core_type<tc>, window_params = [{transform_indices = @transform_0, window_bounds = array<i64: 512, 16>}, {transform_indices = @transform_1, window_bounds = array<i64: 512, 128>}, {pipeline_mode = #tpu.pipeline_mode<synchronous>, transform_indices = @transform_2, window_bounds = array<i64: 4608, 128>}, {transform_indices = @transform_3, window_bounds = array<i64: 512, 1>}, {transform_indices = @transform_4, window_bounds = array<i64: 512, 1>}, {transform_indices = @transform_5, window_bounds = array<i64: 512, 1>}, {pipeline_mode = #tpu.pipeline_mode<synchronous>, transform_indices = @transform_6, window_bounds = array<i64: 1, 4608>}, {pipeline_mode = #tpu.pipeline_mode<synchronous>, transform_indices = @transform_7, window_bounds = array<i64: 1, 4608>}, {pipeline_mode = #tpu.pipeline_mode<synchronous>, transform_indices = @transform_8, window_bounds = array<i64: 1, 4608>}, {transform_indices = @transform_9, window_bounds = array<i64: 512, 4621>}]} {
    %get3A = arith.constant 0 : index
    %get3A_0 = arith.constant 0 : index
    %get3A_1 = vector.load %arg2[%get3A, %get3A_0] : memref<512x128xf32, #tpu.memory_space<vmem>>, vector<512x128xf32>
    %get3A_2 = arith.constant 0 : index
    %get3A_3 = arith.constant 0 : index
    %get3A_4 = vector.load %arg3[%get3A_2, %get3A_3] : memref<4608x128xf32, #tpu.memory_space<vmem>>, vector<4608x128xf32>
    %dot_general3A = arith.constant dense<0.000000e+00> : vector<512x4608xf32>
    %dot_general3A_5 = tpu.matmul %get3A_1, %get3A_4, %dot_general3A {dimension_numbers = #tpu.dot_dimension_numbers<[1], [1], [0], [0], [0, 0, 1, 0], [], []>, transpose_lhs_hint = false} : vector<512x128xf32>, vector<4608x128xf32>, vector<512x4608xf32> -> vector<512x4608xf32>
    %get3A_6 = arith.constant 0 : index
    %get3A_7 = arith.constant 0 : index
    %get3A_8 = vector.load %arg7[%get3A_6, %get3A_7] : memref<1x4608xi32, #tpu.memory_space<vmem>>, vector<1x4608xi32>
    %get3A_9 = arith.constant 0 : index
    %get3A_10 = arith.constant 0 : index
    %get3A_11 = vector.load %arg4[%get3A_9, %get3A_10] : memref<512x1xi32, #tpu.memory_space<vmem>>, vector<512x1xi32>
    %sub3A = vector.broadcast %get3A_8 : vector<1x4608xi32> to vector<512x4608xi32>
    %sub3A_12 = vector.broadcast %get3A_11 : vector<512x1xi32> to vector<512x4608xi32>
    %sub3A_13 = arith.subi %sub3A, %sub3A_12 : vector<512x4608xi32>
    %get3A_14 = arith.constant 0 : index
    %get3A_15 = arith.constant 0 : index
    %get3A_16 = vector.load %arg8[%get3A_14, %get3A_15] : memref<1x4608xi32, #tpu.memory_space<vmem>>, vector<1x4608xi32>
    %get3A_17 = arith.constant 0 : index
    %get3A_18 = arith.constant 0 : index
    %get3A_19 = vector.load %arg5[%get3A_17, %get3A_18] : memref<512x1xi32, #tpu.memory_space<vmem>>, vector<512x1xi32>
    %sub3A_20 = vector.broadcast %get3A_16 : vector<1x4608xi32> to vector<512x4608xi32>
    %sub3A_21 = vector.broadcast %get3A_19 : vector<512x1xi32> to vector<512x4608xi32>
    %sub3A_22 = arith.subi %sub3A_20, %sub3A_21 : vector<512x4608xi32>
    %mul3A = arith.muli %sub3A_13, %sub3A_13 : vector<512x4608xi32>
    %mul3A_23 = arith.muli %sub3A_22, %sub3A_22 : vector<512x4608xi32>
    %add3A = arith.addi %mul3A, %mul3A_23 : vector<512x4608xi32>
    %get3A_24 = arith.constant 0 : index
    %get3A_25 = arith.constant 0 : index
    %get3A_26 = vector.load %arg9[%get3A_24, %get3A_25] : memref<1x4608xi32, #tpu.memory_space<vmem>>, vector<1x4608xi32>
    %get3A_27 = arith.constant 0 : index
    %get3A_28 = arith.constant 0 : index
    %get3A_29 = vector.load %arg6[%get3A_27, %get3A_28] : memref<512x1xi32, #tpu.memory_space<vmem>>, vector<512x1xi32>
    %ne3A = vector.broadcast %get3A_26 : vector<1x4608xi32> to vector<512x4608xi32>
    %ne3A_30 = vector.broadcast %get3A_29 : vector<512x1xi32> to vector<512x4608xi32>
    %ne3A_31 = arith.cmpi ne, %ne3A, %ne3A_30 : vector<512x4608xi32>
    %jit3A = arith.constant 9 : i32
    %jit3A_32 = arith.constant 0 : i32
    %broadcast_in_dim3A = vector.broadcast %jit3A : i32 to vector<512x4608xi32>
    %broadcast_in_dim3A_33 = vector.broadcast %jit3A_32 : i32 to vector<512x4608xi32>
    %select_n3A = arith.select %ne3A_31, %broadcast_in_dim3A, %broadcast_in_dim3A_33 : vector<512x4608xi1>, vector<512x4608xi32>
    %add3A_34 = arith.addi %add3A, %select_n3A : vector<512x4608xi32>
    %lt3A = arith.constant 9 : i32
    %lt3A_35 = vector.broadcast %lt3A : i32 to vector<512x4608xi32>
    %lt3A_36 = arith.cmpi slt, %add3A_34, %lt3A_35 : vector<512x4608xi32>
    %jit3A_37 = arith.constant 0.000000e+00 : f32
    %broadcast_in_dim3A_38 = vector.broadcast %jit3A_37 : f32 to vector<512x4608xf32>
    %select_n3A_39 = arith.select %lt3A_36, %broadcast_in_dim3A_38, %dot_general3A_5 : vector<512x4608xi1>, vector<512x4608xf32>
    %get3A_40 = arith.constant 0 : index
    %get3A_41 = arith.constant 0 : index
    %get3A_42 = vector.load %arg1[%get3A_40, %get3A_41] : memref<512x16xf32, #tpu.memory_space<vmem>>, vector<512x16xf32>
    %slice3A = vector.extract_strided_slice %get3A_42 {offsets = [0, 0], sizes = [512, 13], strides = [1, 1]} : vector<512x16xf32> to vector<512x13xf32>
    %concatenate3A = tpu.concatenate %slice3A, %select_n3A_39 in 1 : vector<512x13xf32>, vector<512x4608xf32> -> vector<512x4621xf32>
    %swap3A = arith.constant 0 : index
    %swap3A_43 = arith.constant 0 : index
    %swap3A_44 = vector.load %arg10[%swap3A, %swap3A_43] : memref<512x4621xf32, #tpu.memory_space<vmem>>, vector<512x4621xf32>
    tpu.vector_store %arg10[%swap3A, %swap3A_43], %concatenate3A {strides = array<i32>} : memref<512x4621xf32, #tpu.memory_space<vmem>>, vector<512x4621xf32>,
    return
  }
  func.func @transform_0(%arg0: i32) -> (i32, i32) {
    %c0_i32 = arith.constant 0 : i32
    %c0_i32_0 = arith.constant 0 : i32
    return %arg0, %c0_i32 : i32, i32
  }
  func.func @transform_1(%arg0: i32) -> (i32, i32) {
    %c0_i32 = arith.constant 0 : i32
    %c0_i32_0 = arith.constant 0 : i32
    return %arg0, %c0_i32 : i32, i32
  }
  func.func @transform_2(%arg0: i32) -> (i32, i32) {
    %c0_i32 = arith.constant 0 : i32
    %c0_i32_0 = arith.constant 0 : i32
    %c0_i32_1 = arith.constant 0 : i32
    return %c0_i32, %c0_i32_0 : i32, i32
  }
  func.func @transform_3(%arg0: i32) -> (i32, i32) {
    %c0_i32 = arith.constant 0 : i32
    %c0_i32_0 = arith.constant 0 : i32
    return %arg0, %c0_i32 : i32, i32
  }
  func.func @transform_4(%arg0: i32) -> (i32, i32) {
    %c0_i32 = arith.constant 0 : i32
    %c0_i32_0 = arith.constant 0 : i32
    return %arg0, %c0_i32 : i32, i32
  }
  func.func @transform_5(%arg0: i32) -> (i32, i32) {
    %c0_i32 = arith.constant 0 : i32
    %c0_i32_0 = arith.constant 0 : i32
    return %arg0, %c0_i32 : i32, i32
  }
  func.func @transform_6(%arg0: i32) -> (i32, i32) {
    %c0_i32 = arith.constant 0 : i32
    %c0_i32_0 = arith.constant 0 : i32
    %c0_i32_1 = arith.constant 0 : i32
    return %c0_i32, %c0_i32_0 : i32, i32
  }
  func.func @transform_7(%arg0: i32) -> (i32, i32) {
    %c0_i32 = arith.constant 0 : i32
    %c0_i32_0 = arith.constant 0 : i32
    %c0_i32_1 = arith.constant 0 : i32
    return %c0_i32, %c0_i32_0 : i32, i32
  }
  func.func @transform_8(%arg0: i32) -> (i32, i32) {
    %c0_i32 = arith.constant 0 : i32
    %c0_i32_0 = arith.constant 0 : i32
    %c0_i32_1 = arith.constant 0 : i32
    return %c0_i32, %c0_i32_0 : i32, i32
  }
  func.func @transform_9(%arg0: i32) -> (i32, i32) {
    %c0_i32 = arith.constant 0 : i32
    %c0_i32_0 = arith.constant 0 : i32
    return %arg0, %c0_i32 : i32, i32
  }
}

</mosaic_0001>

<sc_bundles>
// kernel: kernel.5.cloned.1.call-start
scs
__scs_entry_jumppad:
0x0: {  	(pc) =	sbr.rel $0x88, $3  }
0x1: {  	(tag) =	ssettag $0x0;
	lr =	simm.s32 $0x1  }
0x2: {  	[smem:$0x3F9A] =	sst lr;
	_ =	strace $0xD0000000  }
0x3: {  	_ = 	snop  }
0x4: {  	_ = 	snop  }
0x5: {  	_ = 	snop  }
0x6: {  	_ = 	snop  }
0x7: {  	_ = 	snop  }
__scs_overlays_trampoline_lowered:
0x8: {  	[smem:$0x3FA9] =	sst s0  }
0x9: {  	[smem:$0x3FAA] =	sst s1  }
0xa: {  	[smem:$0x3FAB] =	sst s2  }
0xb: {  	[smem:$0x3FAC] =	sst s3  }
0xc: {  	[smem:$0x3FAD] =	sst s4  }
0xd: {  	[smem:$0x3FAE] =	sst s5  }
0xe: {  	[smem:$0x3FAF] =	sst s6  }
0xf: {  	[smem:$0x3FB0] =	sst s7  }
0x10: {  	[smem:$0x3FB1] =	sst s8  }
0x11: {  	[smem:$0x3FB2] =	sst s9;
	s0 =	simm.s32 @!p0 $0x0  }
0x12: {  	s1 =	sld [smem:$0x3F98];
	s0 =	simm.s32 @p0 $0x1  }
0x13: {  	[smem:$0x3FB3] =	sst s0;
	s0 =	simm.s32 @!p1 $0x0  }
0x14: {  	s2 =	sld [smem:$0x3F97];
	s0 =	simm.s32 @p1 $0x1  }
0x15: {  	[smem:$0x3FB4] =	sst s0;
	s0 =	simm.s32 @!p2 $0x0  }
0x16: {  	s3 =	sld [smem:$0x3FDB];
	s0 =	simm.s32 @p2 $0x1  }
0x17: {  	s4 =	simm.s32 $0x1BF5;
	[smem:$0x3FB6] =	sst s0  }
0x18: {  	s0 =	sld [smem:$0x3F99];
	_ =	swait.ge [sflag:s4], $0x0  }
0x19: {  	s7 =	sld [smem:$0x3F9A]  }
0x1a: {  	s8 =	sadd.s32 $0xFFFFE003, lr  }
0x1b: {  	s9 =	sadd.s32 $0xFFFFFEF7, lr;
	s5 =	simm.s32 $0xFFFFFFFF;
	p2 =	slt.u32 s8, $0xFFFFF086  }
0x1c: {  	p1 =	slt.u32 s9, $0xF7A;
	s5 =	simm.s32 @!p2 $0x0  }
0x1d: {  	s5 =	simm.s32 @p1 $0x1;
	p0 =	seq.s32 s7, s2  }
0x1e: {  	s7 =	smul.u32 @!p0 $0xF7A, s2;
	p2 =	seq.s32 @!p0 s5, $0x0  }
0x1f: {  	s9 =	smul.u32 $0xF7A, s1;
	s8 =	simm.s32 @!p0 $0x1BF5;
	p2 =	por !p2, p0  }
0x20: {  	[sflag:s8] =	ssyncset.s32 @!p0 $0xFFFFF086;
	s6 =	sadd.s32 @!p0 s3, s7;
	s7 =	simm.s32 @!p0 $0x108  }
0x21: {  	s3 =	sadd.s32 s3, s9;
	s6 =	sadd.s32 @!p0 $0x88, s6;
	s7 =	simm.s32 @p2 $0x1082  }
0x22: {  	[simem:s7], [sflag:s8] =	dma.local @!p0 [hbm:s6], $0xF7A  }
0x23: {  	s9 =	sor.u32 $0xD0000000, s2;
	s6 =	simm.s32 $0x108;
	_ =	swait.ge @!p0 [sflag:s8], $0x0  }
0x24: {  	s3 =	sadd.s32 $0x88, s3;
	s6 =	simm.s32 @!p1 $0x1082;
	[sflag:s4] =	ssyncset.s32 $0xFFFFF086  }
0x25: {  	[simem:s6], [sflag:s4] =	dma.local [hbm:s3], $0xF7A  }
0x26: {  	[smem:$0x3F9A] =	sst s1;
	(tag) =	ssettag s2;
	_ =	strace s9  }
0x27: {  	s1 =	sld [smem:$0x3FAA]  }
0x28: {  	s2 =	sld [smem:$0x3FAB]  }
0x29: {  	s4 =	sld [smem:$0x3FAD]  }
0x2a: {  	p0 =	seq.s32 s5, $0x0;
	s5 =	sld [smem:$0x3FAE]  }
0x2b: {  	s6 =	sld [smem:$0x3FAF]  }
0x2c: {  	s7 =	sld [smem:$0x3FB0]  }
0x2d: {  	s3 =	simm.s32 $0x108;
	s8 =	sld [smem:$0x3FB1]  }
0x2e: {  	s3 =	simm.s32 @!p0 $0x1082;
	s9 =	sld [smem:$0x3FB2]  }
0x2f: {  	lr =	sadd.s32 s0, s3;
	s0 =	sld [smem:$0x3FA9]  }
0x30: {  	s3 =	sld [smem:$0x3FAC]  }
0x31: {  	[smem:$0x3FB5] =	sst s10  }
0x32: {  	s10 =	sld [smem:$0x3FB3];
	_ =	sdelay $0x3  }
0x33: {  	p0 =	seq.s32 s10, $0x1;
	s10 =	sld [smem:$0x3FB5];
	_ =	sdelay $0x3  }
0x34: {  	[smem:$0x3FB5] =	sst s10  }
0x35: {  	s10 =	sld [smem:$0x3FB4];
	_ =	sdelay $0x3  }
0x36: {  	p1 =	seq.s32 s10, $0x1;
	s10 =	sld [smem:$0x3FB5];
	_ =	sdelay $0x3  }
0x37: {  	[smem:$0x3FB5] =	sst s10  }
0x38: {  	s10 =	sld [smem:$0x3FB6]  }
0x39: {  	_ = 	snop;
	(pc) =	sbr.ind lr, $3  }
0x3a: {  	_ = 	snop  }
0x3b: {  	_ = 	snop  }
0x3c: {  	p2 =	seq.s32 s10, $0x1;
	s10 =	sld [smem:$0x3FB5]  }
0x3d: {  	_ =	shalt  }
0x3e: {  	_ =	shalt  }
0x3f: {  	_ =	shalt  }
0x40: {  	_ =	shalt  }
0x41: {  	_ =	shalt  }
0x42: {  	_ =	shalt  }
0x43: {  	_ =	shalt  }
0x44: {  	_ =	shalt  }
0x45: {  	_ =	shalt  }
0x46: {  	_ =	shalt  }
0x47: {  	_ =	shalt  }
0x48: {  	_ =	shalt  }
0x49: {  	_ =	shalt  }
0x4a: {  	_ =	shalt  }
0x4b: {  	_ =	shalt  }
0x4c: {  	_ =	shalt  }
0x4d: {  	_ =	shalt  }
0x4e: {  	_ =	shalt  }
0x4f: {  	_ =	shalt  }
0x50: {  	_ =	shalt  }
0x51: {  	_ =	shalt  }
0x52: {  	_ =	shalt  }
0x53: {  	_ =	shalt  }
0x54: {  	_ =	shalt  }
0x55: {  	_ =	shalt  }
0x56: {  	_ =	shalt  }
0x57: {  	_ =	shalt  }
0x58: {  	_ =	shalt  }
0x59: {  	_ =	shalt  }
0x5a: {  	_ =	shalt  }
0x5b: {  	_ =	shalt  }
0x5c: {  	_ =	shalt  }
0x5d: {  	_ =	shalt  }
0x5e: {  	_ =	shalt  }
0x5f: {  	_ =	shalt  }
0x60: {  	_ =	shalt  }
0x61: {  	_ =	shalt  }
0x62: {  	_ =	shalt  }
0x63: {  	_ =	shalt  }
0x64: {  	_ =	shalt  }
0x65: {  	_ =	shalt  }
0x66: {  	_ =	shalt  }
0x67: {  	_ =	shalt  }
0x68: {  	_ =	shalt  }
0x69: {  	_ =	shalt  }
0x6a: {  	_ =	shalt  }
0x6b: {  	_ =	shalt  }
0x6c: {  	_ =	shalt  }
0x6d: {  	_ =	shalt  }
0x6e: {  	_ =	shalt  }
0x6f: {  	_ =	shalt  }
0x70: {  	_ =	shalt  }
0x71: {  	_ =	shalt  }
0x72: {  	_ =	shalt  }
0x73: {  	_ =	shalt  }
0x74: {  	_ =	shalt  }
0x75: {  	_ =	shalt  }
0x76: {  	_ =	shalt  }
0x77: {  	_ =	shalt  }
0x78: {  	_ =	shalt  }
0x79: {  	_ =	shalt  }
0x7a: {  	_ =	shalt  }
0x7b: {  	_ =	shalt  }
0x7c: {  	_ =	shalt  }
0x7d: {  	_ =	shalt  }
0x7e: {  	_ =	shalt  }
0x7f: {  	_ =	shalt  }
0x80: {  	_ =	shalt  }
0x81: {  	_ =	shalt  }
0x82: {  	_ =	shalt  }
0x83: {  	_ =	shalt  }
0x84: {  	_ =	shalt  }
0x85: {  	_ =	shalt  }
0x86: {  	_ =	shalt  }
0x87: {  	_ =	shalt  }
.Lfunc_end0:
.L_simem_size_0:
called_computation_lowered:
.L_overlay_start_0:
0x88: {  	s2 =	sld [smem:$0x3FD9]  }
0x89: {  	s3 =	sld [smem:$0x3FFE];
	_ =	sdelay $0x1  }
0x8a: {  	s1 =	srdreg.scid  }
0x8b: {  	s0 =	sand.u32 $0x1, s1  }
0x8c: {  	s14 =	sshll.u32 s0, $0xA;
	s2 =	sadd.s32 s3, s2  }
0x8d: {  	s2 =	sadd.s32 s2, s14  }
0x8e: {  	[smem:$0x3FC1] =	sst s2  }
0x8f: {  	_ = 	snop  }
0x90: {  	s2 =	sld [smem:$0x3FD0];
	_ =	sdelay $0x1  }
0x91: {  	s15 =	sld [smem:$0x3FC9]  }
0x92: {  	s5 =	simm.s32 $0xA;
	s6 =	simm.s32 $0x10;
	s4 =	sld [smem:$0x3FC6]  }
0x93: {  	[smem:s6], [sflag:s5] =	dma.local [hbm:s2], $0x1  }
0x94: {  	_ =	swait.eq [sflag:s5], $0x1  }
0x95: {  	s16 =	sld [smem:$0x10];
	[sflag:s5] =	ssyncset.done $0x0  }
0x96: {  	s17 =	sld [smem:$0x11];
	[sflag:s5] =	ssyncadd.s32 $0xFFFFFFFF  }
0x97: {  	s18 =	sld [smem:$0x12];
	(tm) =	ssettm $0x1  }
0x98: {  	s7 =	sld [smem:$0x3FFB];
	_ =	sdelay $0x3  }
0x99: {  	_ =	strace s7  }
0x9a: {  	s7 =	sld [smem:$0x3FFC];
	_ =	sdelay $0x3  }
0x9b: {  	_ =	strace s7  }
0x9c: {  	s7 =	sld [smem:$0x3FFD];
	_ =	sdelay $0x3  }
0x9d: {  	_ =	strace s7  }
0x9e: {  	_ =	strace $0x8FFFFFFF  }
0x9f: {  	s19 =	sld [smem:$0x3FDB];
	_ =	sdelay $0x1  }
0xa0: {  	s8 =	simm.s32 $_scs_section_size  }
0xa1: {  	s9 =	simm.s32 $_size__tile_overlayer_lowered;
	s10 =	simm.s32 $_tile_overlayer_lowered  }
0xa2: {  	s22 =	simm.s32 $0x1BFF;
	s21 =	sshll.u32 s10, $0x1;
	s7 =	sadd.s32 s8, s19  }
0xa3: {  	s11 =	simm.s32 $0x0;
	s20 =	sshll.u32 s9, $0x1;
	s9 =	sadd.s32 s21, s7  }
0xa4: {  	[timem:s11], [sflag:s22] =	dma.local [hbm:s9], s20  }
0xa5: {  	_ =	swait.ge [sflag:s22], s20  }
0xa6: {  	s8 =	ssub.s32 $0x0, s20;
	[sflag:s22] =	ssyncset.done $0x0  }
0xa7: {  	[sflag:s22] =	ssyncadd.s32 s8;
	_ =	sdelay $0x1  }
0xa8: {  	s23 =	simm.s32 $0x1B8B  }
0xa9: {  	_ =	swait.ge [sflag:s23], $0x1  }
0xaa: {  	[sflag:s23] =	ssyncset.done $0x0  }
0xab: {  	s25 =	simm.s32 $0x1B8E;
	s24 =	sld [smem:$0x3FFE];
	[sflag:s23] =	ssyncadd.s32 $0xFFFFFFFF  }
0xac: {  	s26 =	simm.s32 $execute0_lowered;
	[smem:$0x3FD2] =	sst s25  }
0xad: {  	s9 =	sshll.u32 s26, $0x1;
	_ =	strace $0x80000046;
	[dreg:$0x1] =	wrdreg $0xFFFFFFFF  }
0xae: {  	s28 =	simm.s32 $_size_execute0_lowered;
	s7 =	sadd.s32 s7, s9;
	[dreg:$0x0] =	wrdreg $0x0  }
0xaf: {  	s9 =	sshll.u32 s28, $0x1;
	[dreg:$0x2] =	wrdreg s7  }
0xb0: {  	[dreg:$0x3] =	wrdreg s9  }
0xb1: {  	[dreg:$0x4] =	wrdreg $0xC0  }
0xb2: {  	_ =	task [dreg:s11], $0x5FFFF  }
0xb3: {  	[dreg:$0x1] =	wrdreg $0xFFFFFFFF  }
0xb4: {  	[dreg:$0x0] =	wrdreg $0x60  }
0xb5: {  	[dreg:$0x2] =	wrdreg s15  }
0xb6: {  	[dreg:$0x3] =	wrdreg s4  }
0xb7: {  	[dreg:$0x4] =	wrdreg s16  }
0xb8: {  	[dreg:$0x5] =	wrdreg s24  }
0xb9: {  	[dreg:$0x6] =	wrdreg s18  }
0xba: {  	[dreg:$0x7] =	wrdreg s17  }
0xbb: {  	[dreg:$0x8] =	wrdreg $0x9  }
0xbc: {  	_ =	task.clear_ibuf [dreg:s11], $0x9FFFF;
	_ =	strace $0x90000046  }
0xbd: {  	s29 =	simm.s32 $0x9;
	_ =	strace $0x80000048  }
0xbe: {  	_ =	swait.ge [sflag:s29], $0x1  }
0xbf: {  	[sflag:s29] =	ssyncadd.s32 $0xFFFFFFFF  }
0xc0: {  	_ =	strace $0x90000048  }
0xc1: {  	_ =	sfence  }
0xc2: {  	s30 =	sld [smem:$0x0];
	_ =	sdelay $0x2  }
0xc3: {  	s31 =	sshll.u32 s1, $0xD;
	s1 =	sshrl.u32 s1, $0x2  }
0xc4: {  	s3 =	sand.u32 $0x4000, s31;
	s1 =	sadd.s32 s1, s30  }
0xc5: {  	s0 =	sor.u32 s3, s0;
	s1 =	sshll.u32 s1, $0x11  }
0xc6: {  	s0 =	sor.u32 s1, s0  }
0xc7: {  	s0 =	sadd.s32 $0x8F2B, s0  }
0xc8: {  	[sflag:s0] =	ssyncadd.remote.s32 $0x1  }
0xc9: {  	_ =	sfence.sel $0xFFFF  }
0xca: {  	[dreg:$0x0] =	wrdreg $0xFFFFFFFF;
	(pc) =	sbr.abs _section_cstart, $3  }
0xcb: {  	[dreg:$0x1] =	wrdreg $0xFFFFFFFF  }
0xcc: {  	_ =	task.clear_ibuf [dreg:s11], $0x2FFFF;
	_ =	strace $0x9FFFFFFF  }
0xcd: {  	(tm) =	ssettm $0x7FFFFFFF  }
tec
execute0_lowered:
.L_overlay_start_1:
0x0: {  	(tag) =	ssettag $0x1  }
0x1: {  	s2 =	rddreg [dreg:$0x1];
	v0 =	vimm.s32 $0xFEDCBA98  }
0x2: {  	s3 =	rddreg [dreg:$0x2];
	v1 =	vimm.s32 $0x76543210;
	v3 =	vimm.s32 $0x32107654;
	v4 =	vimm.s32 $0xDCFE98BA  }
0x3: {  	s0 =	rddreg [dreg:$0x3];
	v5 =	vimm.s32 $0x54761032;
	v6 =	vimm.s32 $0xEFCDAB89;
	v7 =	vimm.s32 $0x67452301  }
0x4: {  	s10 =	rddreg [dreg:$0x4];
	s6 =	simm.s32 $0x0;
	vm0 =	vmmov $0x1;
	vm1 =	vcmask $0x308;
	vm2 =	vcmask $0xF14  }
0x5: {  	s1 =	srdreg.scid;
	s4 =	stileid.u32;
	s19 =	simm.s32 $0xA;
	vm3 =	vcmask $0x70C;
	vm4 =	vmmov $0x1fff;
	v0 =	vunpack.c.l.s4.s8 v0  }
0x6: {  	s23 =	simm.s32 $0x30;
	s24 =	simm.s32 $0xF1E0;
	s25 =	simm.s32 $0x1;
	v1 =	vunpack.c.l.s4.s8 v1;
	v3 =	vunpack.c.l.s4.s8 v3;
	v4 =	vunpack.c.l.s4.s8 v4  }
0x7: {  	s26 =	simm.s32 $0x60;
	[smem:$0x7FF] =	sst s6;
	s7 =	sadd.s32 $0x1600, s0;
	v5 =	vunpack.c.l.s4.s8 v5;
	v2 =	vunpack.c.0.s8.s32 v0;
	v0 =	vimm.s32 $0xBA98FEDC  }
0x8: {  	s8 =	sadd.s32 $0x1A00, s0;
	s9 =	sadd.s32 $0x2200, s0;
	s11 =	sadd.s32 $0x8E00, s0;
	v6 =	vunpack.c.l.s4.s8 v6;
	v7 =	vunpack.c.l.s4.s8 v7;
	v0 =	vunpack.c.l.s4.s8 v0  }
0x9: {  	s12 =	sadd.s32 $0x1BE00, s0;
	s13 =	sadd.s32 $0x1BA00, s0;
	s1 =	sand.u32 $0x1, s1;
	v3 =	vunpack.c.0.s8.s32 v3;
	v4 =	vunpack.c.0.s8.s32 v4;
	v5 =	vunpack.c.0.s8.s32 v5  }
0xa: {  	s14 =	sadd.s32 $0x9200, s0;
	s4 =	sshll.u32 s4, $0x1;
	s5 =	ssub.s32 $0x2, s1;
	v6 =	vunpack.c.0.s8.s32 v6;
	v7 =	vunpack.c.0.s8.s32 v7;
	v0 =	vunpack.c.0.s8.s32 v0  }
0xb: {  	vm5 =	vcmask $0xB10;
	s15 =	sadd.s32 $0x9600, s0;
	s16 =	sadd.s32 $0x9A00, s0;
	s30 =	sshrl.u32 s5, $0x1;
	v8 =	vunpack.c.0.s8.s32 v1;
	v1 =	vcombine.low v5, v4  }
0xc: {  	s31 =	sadd.s32 $0x6, s10;
	_ =	strace $0x80000047;
	s0 =	ssub.s32 s5, s30;
	v0 =	vcombine.low v3, v0;
	v3 =	vand.u32 $0xF, v2;
	v2 =	vcombine.low v7, v6  }
0xd: {  	s1 =	sor.u32 s1, s4;
	[dreg:$0x7] =	wrdreg s31;
	s0 =	smax.u32 s0, $0x1;
	v5 =	vand.u32 $0xF, v1;
	v7 =	vimm.s32 $0x0;
	v3 =	vcombine.low v3, v8  }
0xe: {  	s17 =	smul.u32 $0x90, s1;
	s1 =	simm.s32 $0x0;
	[dreg:$0x8] =	wrdreg s0;
	v8 =	vlaneseq.u32;
	v4 =	vand.u32 $0xF, v0;
	v6 =	vand.u32 $0xF, v2  }
.LBB2_1:
0xf: {  	[dreg:$0x9] =	wrdreg s1  }
0x10: {  	s0 =	rddreg [dreg:$0x4];
	s29 =	simm.s32 $0xF180  }
0x11: {  	[tilespmem:s29], [sflag:$0xA] =	stream.linear.gather [hbm4b:s0+s6], $0x30, $0x38;
	[tilespmem:$0x109E0] =	vst v63  }
0x12: {  	_ =	swait.ge [sflag:s19], $0x30  }
0x13: {  	[sflag:s19] =	ssyncset.done $0x0  }
0x14: {  	s30 =	simm.s32 $0xF1B0;
	s31 =	rddreg [dreg:$0x7];
	[sflag:s19] =	ssyncadd.s32 $0xFFFFFFD0  }
0x15: {  	[tilespmem:s30], [sflag:$0xA] =	stream.linear.gather [hbm4b:s31+s6], $0x30, $0x38;
	[tilespmem:$0x109E0] =	vst v63  }
0x16: {  	_ =	swait.ge [sflag:s19], $0x30  }
0x17: {  	[sflag:s19] =	ssyncset.done $0x0  }
0x18: {  	s21 =	simm.s32 $0x0;
	[sflag:s19] =	ssyncadd.s32 $0xFFFFFFD0  }
.LBB2_2:
0x19: {  	s0 =	smul.u32 $0x30, s21;
	_ =	sdelay $0x1  }
0x1a: {  	s1 =	sadd.s32 s17, s0  }
0x1b: {  	s22 =	sshrl.u32 s1, $0x3  }
0x1c: {  	s4 =	simm.s32 $0x0;
	s5 =	sadd.s32 s8, s22  }
0x1d: {  	[tilespmem:s23], [sflag:$0xA] =	stream.linear.gather [hbm4b:s5+s4], $0x30, $0x38;
	[tilespmem:$0x109E0] =	vst v63  }
0x1e: {  	_ =	swait.ge [sflag:s19], $0x30  }
0x1f: {  	[sflag:s19] =	ssyncset.done $0x0  }
0x20: {  	[sflag:s19] =	ssyncadd.s32 $0xFFFFFFD0  }
0x21: {  	[tilespmem:s24], [sflag:$0x1] =	stream.indirect.gather [hbm4b:s2+s23], $0x80, s23, s23, $0xb8;
	[tilespmem:$0x109E0] =	vst v63  }
0x22: {  	_ =	swait.ge [sflag:s25], $0x1800  }
0x23: {  	s10 =	sshll.u32 s1, $0x4;
	[sflag:s25] =	ssyncset.done $0x0  }
0x24: {  	s5 =	sadd.s32 s16, s10;
	[sflag:s25] =	ssyncadd.s32 $0xFFFFE800  }
0x25: {  	[hbm4b:s5+s4] =	stream.linear.scatter [tilespmem:s24], [sflag:$0xA], $0x1800, $0x38;
	[tilespmem:$0x109E0] =	vst v63  }
0x26: {  	_ =	swait.ge [sflag:s19], $0x1800  }
0x27: {  	[sflag:s19] =	ssyncset.done $0x0  }
0x28: {  	s18 =	sadd.s32 s7, s22;
	[sflag:s19] =	ssyncadd.s32 $0xFFFFE800  }
0x29: {  	[tilespmem:s4], [sflag:$0xA] =	stream.linear.gather [hbm4b:s18+s4], $0x30, $0x38;
	[tilespmem:$0x109E0] =	vst v63  }
0x2a: {  	_ =	swait.ge [sflag:s19], $0x30  }
0x2b: {  	[sflag:s19] =	ssyncset.done $0x0  }
0x2c: {  	[sflag:s19] =	ssyncadd.s32 $0xFFFFFFD0  }
0x2d: {  	s20 =	rddreg [dreg:$0x0]  }
0x2e: {  	[tilespmem:s26], [sflag:$0x1] =	stream.indirect.gather [hbm4b:s20+s23], $0x80, s4, s23, $0xb8;
	[tilespmem:$0x109E0] =	vst v63  }
0x2f: {  	_ =	swait.ge [sflag:s25], $0x1800  }
0x30: {  	[sflag:s25] =	ssyncset.done $0x0  }
0x31: {  	[sflag:s25] =	ssyncadd.s32 $0xFFFFE800  }
0x32: {  	s29 =	rddreg [dreg:$0x5]  }
0x33: {  	s0 =	sadd.s32 s29, s10  }
0x34: {  	[hbm4b:s0+s4] =	stream.linear.scatter [tilespmem:s26], [sflag:$0xA], $0x1800, $0x38;
	[tilespmem:$0x109E0] =	vst v63  }
0x35: {  	_ =	swait.ge [sflag:s19], $0x1800  }
0x36: {  	[sflag:s19] =	ssyncset.done $0x0  }
0x37: {  	s30 =	simm.s32 $0x1860;
	[sflag:s19] =	ssyncadd.s32 $0xFFFFE800  }
0x38: {  	[tilespmem:s30], [sflag:$0x1] =	stream.indirect.gather [hbm4b:s3+s23], $0x10, s4, s23, $0xb8;
	[tilespmem:$0x109E0] =	vst v63  }
0x39: {  	_ =	swait.ge [sflag:s25], $0x300  }
0x3a: {  	[sflag:s25] =	ssyncset.done $0x0  }
0x3b: {  	s31 =	simm.s32 $0x0;
	[sflag:s25] =	ssyncadd.s32 $0xFFFFFD00  }
0x3c: {  	v9 =	vld [tilespmem:s31+$0x1860];
	_ =	sdelay $0x4  }
0x3d: {  	v10 =	vsel vm1, $0x0, v9  }
0x3e: {  	v11 =	vnsel vm0, $0x0, v9;
	v12 =	vperm.xlane v10, v3  }
0x3f: {  	v13 =	vperm.xlane v11, v3  }
0x40: {  	v10 =	vadd.f32 v12, v10  }
0x41: {  	v11 =	vadd.f32 v13, v11  }
0x42: {  	v12 =	vperm.xlane v10, v4  }
0x43: {  	v9 =	vsel vm2, $0x0, v9;
	v13 =	vperm.xlane v11, v4  }
0x44: {  	v14 =	vperm.xlane v9, v3;
	v10 =	vadd.f32 v12, v10  }
0x45: {  	v11 =	vadd.f32 v13, v11  }
0x46: {  	v9 =	vadd.f32 v14, v9;
	v12 =	vperm.xlane v10, v5  }
0x47: {  	v13 =	vperm.xlane v11, v5  }
0x48: {  	v14 =	vperm.xlane v9, v4;
	v10 =	vadd.f32 v12, v10  }
0x49: {  	v11 =	vadd.f32 v13, v11  }
0x4a: {  	v9 =	vadd.f32 v14, v9;
	v12 =	vperm.xlane v10, v6  }
0x4b: {  	v13 =	vperm.xlane v11, v6  }
0x4c: {  	v14 =	vperm.xlane v9, v5;
	v10 =	vadd.f32 v12, v10  }
0x4d: {  	v11 =	vadd.f32 v13, v11  }
0x4e: {  	v60 =	vld [tilespmem:$0xF1B0];
	v9 =	vadd.f32 v14, v9;
	v10 =	vadd.f32 $5.000000000e-01, v10  }
0x4f: {  	v61 =	vld [tilespmem:$0xF180];
	v11 =	vadd.f32 $5.000000000e-01, v11  }
0x50: {  	v14 =	vperm.xlane v9, v6;
	v10 =	vtrunc.f32 v10  }
0x51: {  	v11 =	vtrunc.f32 v11;
	v10 =	vcvt.f32.s32 v10  }
0x52: {  	v11 =	vcvt.f32.s32 v11  }
0x53: {  	v9 =	vadd.f32 v14, v9;
	v12 =	vadd.s32 v10, v60  }
0x54: {  	v13 =	vadd.s32 v11, v61;
	vm6 =	vgt.s32 v12, $0x0  }
0x55: {  	v9 =	vtrunc.f32 v9;
	vm7 =	vgt.s32 v13, $0x0;
	v12 =	vnsel vm6, $0x0, v12  }
0x56: {  	v9 =	vcvt.f32.s32 v9;
	v13 =	vnsel vm7, $0x0, v13;
	v12 =	vmin.u32 v12, $0xDF  }
0x57: {  	v13 =	vmin.u32 v13, $0xDF;
	v12 =	vmul.u32 $0xE0, v12  }
0x58: {  	v13 =	vadd.s32 v9, v13  }
0x59: {  	s5 =	simm.s32 $0x1B80;
	v12 =	vadd.s32 v12, v13  }
0x5a: {  	[tilespmem:s5+$0xFFFFFFE0] =	vst v12  }
0x5b: {  	v12 =	vld [tilespmem:$0xF1C0]  }
0x5c: {  	v62 =	vld [tilespmem:$0xF190];
	_ =	sdelay $0x3  }
0x5d: {  	v12 =	vadd.s32 v10, v12  }
0x5e: {  	v13 =	vadd.s32 v11, v62;
	vm6 =	vgt.s32 v12, $0x0  }
0x5f: {  	vm7 =	vgt.s32 v13, $0x0;
	v12 =	vnsel vm6, $0x0, v12  }
0x60: {  	v13 =	vnsel vm7, $0x0, v13;
	v12 =	vmin.u32 v12, $0xDF  }
0x61: {  	v13 =	vmin.u32 v13, $0xDF;
	v12 =	vmul.u32 $0xE0, v12  }
0x62: {  	v13 =	vadd.s32 v9, v13  }
0x63: {  	v12 =	vadd.s32 v12, v13  }
0x64: {  	[tilespmem:s5+$0xFFFFFFF0] =	vst v12  }
0x65: {  	v12 =	vld [tilespmem:$0xF1D0]  }
0x66: {  	v63 =	vld [tilespmem:$0xF1A0];
	_ =	sdelay $0x3  }
0x67: {  	v10 =	vadd.s32 v10, v12  }
0x68: {  	v11 =	vadd.s32 v11, v63;
	vm6 =	vgt.s32 v10, $0x0  }
0x69: {  	vm7 =	vgt.s32 v11, $0x0;
	v10 =	vnsel vm6, $0x0, v10  }
0x6a: {  	v11 =	vnsel vm7, $0x0, v11;
	v10 =	vmin.u32 v10, $0xDF  }
0x6b: {  	v11 =	vmin.u32 v11, $0xDF;
	v10 =	vmul.u32 $0xE0, v10  }
0x6c: {  	v9 =	vadd.s32 v9, v11  }
0x6d: {  	s28 =	simm.s32 $0x40;
	s0 =	simm.s32 $0x80;
	v9 =	vadd.s32 v10, v9  }
.LBB2_3:
0x6e: {  	s4 =	sshra.s32 s28, $0x2  }
0x6f: {  	[tilespmem:s5+$0x0] =	vst v9;
	s5 =	sadd.s32 $0x30, s5;
	s28 =	smov.u32 s0;
	s29 =	sadd.s32 $0x40, s0  }
0x70: {  	p0 =	sne.s32 s0, $0xBC0;
	v9 =	vld [tilespmem:s4+$0x1860];
	_ =	sdelay $0x4  }
0x71: {  	v10 =	vnsel vm0, $0x0, v9;
	v11 =	vsel vm1, $0x0, v9;
	v9 =	vsel vm2, $0x0, v9  }
0x72: {  	v12 =	vperm.xlane v10, v3;
	v13 =	vperm.xlane v11, v3  }
0x73: {  	v14 =	vperm.xlane v9, v3  }
0x74: {  	v10 =	vadd.f32 v12, v10;
	v11 =	vadd.f32 v13, v11  }
0x75: {  	v9 =	vadd.f32 v14, v9  }
0x76: {  	v12 =	vperm.xlane v10, v4;
	v13 =	vperm.xlane v11, v4  }
0x77: {  	v14 =	vperm.xlane v9, v4  }
0x78: {  	v10 =	vadd.f32 v12, v10;
	v11 =	vadd.f32 v13, v11  }
0x79: {  	v9 =	vadd.f32 v14, v9  }
0x7a: {  	v12 =	vperm.xlane v10, v5;
	v13 =	vperm.xlane v11, v5  }
0x7b: {  	v14 =	vperm.xlane v9, v5  }
0x7c: {  	v10 =	vadd.f32 v12, v10;
	v11 =	vadd.f32 v13, v11  }
0x7d: {  	v9 =	vadd.f32 v14, v9  }
0x7e: {  	v12 =	vperm.xlane v10, v6;
	v13 =	vperm.xlane v11, v6  }
0x7f: {  	v14 =	vperm.xlane v9, v6  }
0x80: {  	v10 =	vadd.f32 v12, v10;
	v11 =	vadd.f32 v13, v11  }
0x81: {  	v9 =	vadd.f32 v14, v9;
	v12 =	vld [tilespmem:$0xF1B0]  }
0x82: {  	v10 =	vadd.f32 $5.000000000e-01, v10;
	v11 =	vadd.f32 $5.000000000e-01, v11;
	v13 =	vld [tilespmem:$0xF180]  }
0x83: {  	v9 =	vtrunc.f32 v9  }
0x84: {  	v10 =	vtrunc.f32 v10;
	v11 =	vtrunc.f32 v11  }
0x85: {  	v10 =	vcvt.f32.s32 v10;
	v11 =	vcvt.f32.s32 v11;
	_ =	sdelay $0x1  }
0x86: {  	v13 =	vadd.s32 v10, v13;
	v12 =	vadd.s32 v11, v12  }
0x87: {  	vm6 =	vgt.s32 v13, $0x0;
	vm7 =	vgt.s32 v12, $0x0  }
0x88: {  	v13 =	vnsel vm6, $0x0, v13;
	v12 =	vnsel vm7, $0x0, v12  }
0x89: {  	v9 =	vcvt.f32.s32 v9;
	v13 =	vmin.u32 v13, $0xDF;
	v12 =	vmin.u32 v12, $0xDF  }
0x8a: {  	v12 =	vmul.u32 $0xE0, v12  }
0x8b: {  	v13 =	vadd.s32 v9, v13  }
0x8c: {  	v12 =	vadd.s32 v12, v13  }
0x8d: {  	[tilespmem:s5+$0xFFFFFFE0] =	vst v12  }
0x8e: {  	v12 =	vld [tilespmem:$0xF1C0]  }
0x8f: {  	v13 =	vld [tilespmem:$0xF190];
	_ =	sdelay $0x3  }
0x90: {  	v12 =	vadd.s32 v11, v12  }
0x91: {  	v13 =	vadd.s32 v10, v13;
	vm6 =	vgt.s32 v12, $0x0  }
0x92: {  	vm7 =	vgt.s32 v13, $0x0;
	v12 =	vnsel vm6, $0x0, v12  }
0x93: {  	v13 =	vnsel vm7, $0x0, v13;
	v12 =	vmin.u32 v12, $0xDF  }
0x94: {  	v13 =	vmin.u32 v13, $0xDF;
	v12 =	vmul.u32 $0xE0, v12  }
0x95: {  	v13 =	vadd.s32 v9, v13  }
0x96: {  	v12 =	vadd.s32 v12, v13  }
0x97: {  	[tilespmem:s5+$0xFFFFFFF0] =	vst v12  }
0x98: {  	v12 =	vld [tilespmem:$0xF1D0]  }
0x99: {  	v13 =	vld [tilespmem:$0xF1A0];
	_ =	sdelay $0x3  }
0x9a: {  	v11 =	vadd.s32 v11, v12  }
0x9b: {  	v10 =	vadd.s32 v10, v13;
	vm6 =	vgt.s32 v11, $0x0  }
.Ltmp0:
0x9c: {  	vm7 =	vgt.s32 v10, $0x0;
	v11 =	vnsel vm6, $0x0, v11;
	(pc) =	sbr.rel @p0 .LBB2_3-.Ltmp0, $4  }
0x9d: {  	v10 =	vnsel vm7, $0x0, v10;
	v11 =	vmin.u32 v11, $0xDF  }
0x9e: {  	v10 =	vmin.u32 v10, $0xDF;
	v11 =	vmul.u32 $0xE0, v11  }
0x9f: {  	v9 =	vadd.s32 v9, v10  }
0xa0: {  	s0 =	smov.u32 s29;
	v9 =	vadd.s32 v11, v9  }
0xa1: {  	s0 =	sshra.s32 s28, $0x2;
	[tilespmem:s5+$0x0] =	vst v9  }
0xa2: {  	v9 =	vld [tilespmem:s0+$0x1860];
	_ =	sdelay $0x4  }
0xa3: {  	v10 =	vsel vm1, $0x0, v9  }
0xa4: {  	v11 =	vnsel vm0, $0x0, v9;
	v12 =	vperm.xlane v10, v3  }
0xa5: {  	v13 =	vperm.xlane v11, v3  }
0xa6: {  	v10 =	vadd.f32 v12, v10  }
0xa7: {  	v11 =	vadd.f32 v13, v11  }
0xa8: {  	v12 =	vperm.xlane v10, v4  }
0xa9: {  	v9 =	vsel vm2, $0x0, v9;
	v13 =	vperm.xlane v11, v4  }
0xaa: {  	v14 =	vperm.xlane v9, v3;
	v10 =	vadd.f32 v12, v10  }
0xab: {  	v11 =	vadd.f32 v13, v11  }
0xac: {  	v9 =	vadd.f32 v14, v9;
	v12 =	vperm.xlane v10, v5  }
0xad: {  	v13 =	vperm.xlane v11, v5  }
0xae: {  	v14 =	vperm.xlane v9, v4;
	v10 =	vadd.f32 v12, v10  }
0xaf: {  	v11 =	vadd.f32 v13, v11  }
0xb0: {  	v9 =	vadd.f32 v14, v9;
	v12 =	vperm.xlane v10, v6  }
0xb1: {  	v13 =	vperm.xlane v11, v6  }
0xb2: {  	v14 =	vperm.xlane v9, v5;
	v10 =	vadd.f32 v12, v10  }
0xb3: {  	v11 =	vadd.f32 v13, v11  }
0xb4: {  	v9 =	vadd.f32 v14, v9;
	v12 =	vld [tilespmem:$0xF1B0];
	v10 =	vadd.f32 $5.000000000e-01, v10  }
0xb5: {  	v13 =	vld [tilespmem:$0xF180];
	v11 =	vadd.f32 $5.000000000e-01, v11  }
0xb6: {  	v14 =	vperm.xlane v9, v6;
	v10 =	vtrunc.f32 v10  }
0xb7: {  	v11 =	vtrunc.f32 v11;
	v10 =	vcvt.f32.s32 v10  }
0xb8: {  	v11 =	vcvt.f32.s32 v11  }
0xb9: {  	v9 =	vadd.f32 v14, v9;
	v12 =	vadd.s32 v10, v12  }
0xba: {  	v13 =	vadd.s32 v11, v13;
	vm6 =	vgt.s32 v12, $0x0  }
0xbb: {  	v9 =	vtrunc.f32 v9;
	vm7 =	vgt.s32 v13, $0x0;
	v12 =	vnsel vm6, $0x0, v12  }
0xbc: {  	v9 =	vcvt.f32.s32 v9;
	v13 =	vnsel vm7, $0x0, v13;
	v12 =	vmin.u32 v12, $0xDF  }
0xbd: {  	v13 =	vmin.u32 v13, $0xDF;
	v12 =	vmul.u32 $0xE0, v12  }
0xbe: {  	v13 =	vadd.s32 v9, v13  }
0xbf: {  	s10 =	sadd.s32 $0x30, s5;
	v12 =	vadd.s32 v12, v13  }
0xc0: {  	[tilespmem:s10+$0xFFFFFFE0] =	vst v12  }
0xc1: {  	v12 =	vld [tilespmem:$0xF1C0]  }
0xc2: {  	v13 =	vld [tilespmem:$0xF190];
	_ =	sdelay $0x3  }
0xc3: {  	v12 =	vadd.s32 v10, v12  }
0xc4: {  	v13 =	vadd.s32 v11, v13;
	vm6 =	vgt.s32 v12, $0x0  }
0xc5: {  	vm7 =	vgt.s32 v13, $0x0;
	v12 =	vnsel vm6, $0x0, v12  }
0xc6: {  	v13 =	vnsel vm7, $0x0, v13;
	v12 =	vmin.u32 v12, $0xDF  }
0xc7: {  	v13 =	vmin.u32 v13, $0xDF;
	v12 =	vmul.u32 $0xE0, v12  }
0xc8: {  	v13 =	vadd.s32 v9, v13  }
0xc9: {  	v12 =	vadd.s32 v12, v13  }
0xca: {  	[tilespmem:s10+$0xFFFFFFF0] =	vst v12  }
0xcb: {  	v12 =	vld [tilespmem:$0xF1D0]  }
0xcc: {  	v13 =	vld [tilespmem:$0xF1A0];
	_ =	sdelay $0x3  }
0xcd: {  	v10 =	vadd.s32 v10, v12  }
0xce: {  	v11 =	vadd.s32 v11, v13;
	vm6 =	vgt.s32 v10, $0x0  }
0xcf: {  	vm7 =	vgt.s32 v11, $0x0;
	v10 =	vnsel vm6, $0x0, v10  }
0xd0: {  	v11 =	vnsel vm7, $0x0, v11;
	v10 =	vmin.u32 v10, $0xDF  }
0xd1: {  	v11 =	vmin.u32 v11, $0xDF;
	v10 =	vmul.u32 $0xE0, v10  }
0xd2: {  	v9 =	vadd.s32 v9, v11  }
0xd3: {  	v9 =	vadd.s32 v10, v9  }
0xd4: {  	s18 =	simm.s32 $0x1B60;
	s4 =	simm.s32 $0x2460;
	[tilespmem:s10+$0x0] =	vst v9  }
0xd5: {  	[tilespmem:s4], [sflag:$0x2] =	stream.indirect.gather [hbm4b:s2+s23], $0x80, s18, s23, $0xb8;
	[tilespmem:$0x109E0] =	vst v63  }
0xd6: {  	s20 =	simm.s32 $0x1B90;
	s29 =	simm.s32 $0x3C60  }
0xd7: {  	[tilespmem:s29], [sflag:$0x3] =	stream.indirect.gather [hbm4b:s2+s23], $0x80, s20, s23, $0xb8;
	[tilespmem:$0x109E0] =	vst v63  }
0xd8: {  	s30 =	simm.s32 $0x1BC0;
	s31 =	simm.s32 $0x5460  }
0xd9: {  	[tilespmem:s31], [sflag:$0x4] =	stream.indirect.gather [hbm4b:s2+s23], $0x80, s30, s23, $0xb8;
	[tilespmem:$0x109E0] =	vst v63  }
0xda: {  	s5 =	simm.s32 $0x6C60;
	s4 =	simm.s32 $0x1BF0  }
0xdb: {  	[tilespmem:s5], [sflag:$0x5] =	stream.indirect.gather [hbm4b:s2+s23], $0x80, s4, s23, $0xb8;
	[tilespmem:$0x109E0] =	vst v63  }
0xdc: {  	v18 =	vimm.s32 $0x0;
	v16 =	vimm.s32 $0x0;
	v20 =	vimm.s32 $0x0;
	s10 =	simm.s32 $0x1C20;
	s18 =	simm.s32 $0x8460  }
0xdd: {  	v15 =	vimm.s32 $0x0;
	v19 =	vimm.s32 $0x0;
	v23 =	vimm.s32 $0x0;
	[tilespmem:s18], [sflag:$0x6] =	stream.indirect.gather [hbm4b:s2+s23], $0x80, s10, s23, $0xb8;
	[tilespmem:$0x109E0] =	vst v63  }
0xde: {  	v17 =	vimm.s32 $0x0;
	v22 =	vimm.s32 $0x0;
	v25 =	vimm.s32 $0x0;
	s28 =	simm.s32 $0x0;
	s20 =	simm.s32 $0x1C50;
	s29 =	simm.s32 $0x9C60  }
0xdf: {  	v21 =	vimm.f32 $0.0e+00;
	v24 =	vimm.f32 $0.0e+00;
	v26 =	vimm.f32 $0.0e+00;
	[tilespmem:s29], [sflag:$0x7] =	stream.indirect.gather [hbm4b:s2+s23], $0x80, s20, s23, $0xb8;
	[tilespmem:$0x109E0] =	vst v63  }
0xe0: {  	v14 =	vimm.s32 $0x0;
	v12 =	vimm.s32 $0x0;
	v13 =	vimm.s32 $0x0;
	s30 =	simm.s32 $0x1C80;
	s31 =	simm.s32 $0xB460;
	s5 =	simm.s32 $0x0  }
0xe1: {  	v11 =	vimm.f32 $0.0e+00;
	v10 =	vimm.f32 $0.0e+00;
	v9 =	vimm.f32 $0.0e+00;
	[tilespmem:s31], [sflag:$0x8] =	stream.indirect.gather [hbm4b:s2+s23], $0x80, s30, s23, $0xb8;
	[tilespmem:$0x109E0] =	vst v63  }
.LBB2_5:
0xe2: {  	p0 =	sgt.u32 s28, $0x28  }
.Ltmp1:
0xe3: {  	_ = 	snop;
	(pc) =	sbr.rel @p0 .LBB2_7-.Ltmp1, $4  }
0xe4: {  	_ = 	snop  }
0xe5: {  	s0 =	sshll.u32 s28, $0x4  }
0xe6: {  	s0 =	sand.u32 $0x3FFFFFF0, s0  }
0xe7: {  	v27 =	vld [tilespmem:s0+$0x1860]  }
0xe8: {  	s0 =	sadd.s32 $0x7, s28  }
0xe9: {  	s4 =	sand.u32 $0x7, s0  }
0xea: {  	p0 =	sgt.s32 s4, $0x3  }
0xeb: {  	p1 =	sgt.s32 @p0 s4, $0x5  }
0xec: {  	s0 =	smul.u32 $0xC0, s0;
	p2 =	por !p1, !p0  }
0xed: {  	p2 =	seq.s32 @!p2 s4, $0x6  }
0xee: {  	s0 =	sshra.s32 s0, $0x2;
	p3 =	por @p0 !p2, !p1  }
0xef: {  	s0 =	sadd.s32 $0x1B60, s0;
	p2 =	por @p0 p2, !p1;
	p3 =	por p3, !p0  }
0xf0: {  	p2 =	por p2, !p0;
	s10 =	simm.s32 @!p3 $0x30;
	s18 =	simm.s32 @!p3 $0xB460  }
0xf1: {  	[tilespmem:s18], [sflag:$0x8] =	stream.indirect.gather @!p3 [hbm4b:s2+s10], $0x80, s0, s10, $0xb8;
	[tilespmem:$0x109E0] =	vst v63  }
0xf2: {  	s10 =	simm.s32 @!p2 $0x30;
	s18 =	simm.s32 @!p2 $0xCC60  }
0xf3: {  	[tilespmem:s18], [sflag:$0x9] =	stream.indirect.gather @!p2 [hbm4b:s2+s10], $0x80, s0, s10, $0xb8;
	[tilespmem:$0x109E0] =	vst v63  }
0xf4: {  	p2 =	por p1, !p0  }
0xf5: {  	p2 =	seq.s32 @!p2 s4, $0x4  }
0xf6: {  	p3 =	por @p0 !p2, p1  }
0xf7: {  	p1 =	por @p0 p2, p1;
	p3 =	por p3, !p0  }
0xf8: {  	p1 =	por p1, !p0;
	s10 =	simm.s32 @!p3 $0x30;
	s18 =	simm.s32 @!p3 $0x8460  }
0xf9: {  	[tilespmem:s18], [sflag:$0x6] =	stream.indirect.gather @!p3 [hbm4b:s2+s10], $0x80, s0, s10, $0xb8;
	[tilespmem:$0x109E0] =	vst v63  }
0xfa: {  	s10 =	simm.s32 @!p1 $0x30;
	s18 =	simm.s32 @!p1 $0x9C60  }
0xfb: {  	[tilespmem:s18], [sflag:$0x7] =	stream.indirect.gather @!p1 [hbm4b:s2+s10], $0x80, s0, s10, $0xb8;
	[tilespmem:$0x109E0] =	vst v63  }
0xfc: {  	p1 =	sgt.s32 @!p0 s4, $0x1  }
0xfd: {  	p2 =	por !p1, p0  }
0xfe: {  	p2 =	seq.s32 @!p2 s4, $0x2  }
0xff: {  	p3 =	por @!p0 !p2, !p1  }
0x100: {  	p2 =	por @!p0 p2, !p1;
	p3 =	por p3, p0  }
0x101: {  	p2 =	por p2, p0;
	s10 =	simm.s32 @!p3 $0x30;
	s18 =	simm.s32 @!p3 $0x5460  }
0x102: {  	[tilespmem:s18], [sflag:$0x4] =	stream.indirect.gather @!p3 [hbm4b:s2+s10], $0x80, s0, s10, $0xb8;
	[tilespmem:$0x109E0] =	vst v63  }
0x103: {  	s10 =	simm.s32 @!p2 $0x30;
	s18 =	simm.s32 @!p2 $0x6C60  }
0x104: {  	[tilespmem:s18], [sflag:$0x5] =	stream.indirect.gather @!p2 [hbm4b:s2+s10], $0x80, s0, s10, $0xb8;
	[tilespmem:$0x109E0] =	vst v63  }
0x105: {  	p2 =	por p1, p0  }
0x106: {  	p2 =	seq.s32 @!p2 s4, $0x0  }
0x107: {  	p3 =	por @!p0 !p2, p1  }
0x108: {  	p1 =	por @!p0 p2, p1;
	p3 =	por p3, p0  }
0x109: {  	p0 =	por p1, p0;
	s4 =	simm.s32 @!p3 $0x30;
	s10 =	simm.s32 @!p3 $0x2460  }
0x10a: {  	[tilespmem:s10], [sflag:$0x2] =	stream.indirect.gather @!p3 [hbm4b:s2+s4], $0x80, s0, s4, $0xb8;
	[tilespmem:$0x109E0] =	vst v63  }
0x10b: {  	s4 =	simm.s32 @!p0 $0x30;
	s10 =	simm.s32 @!p0 $0x3C60  }
0x10c: {  	[tilespmem:s10], [sflag:$0x3] =	stream.indirect.gather @!p0 [hbm4b:s2+s4], $0x80, s0, s4, $0xb8;
	[tilespmem:$0x109E0] =	vst v63  }
.LBB2_7:
0x10d: {  	s0 =	sand.u32 $0x7, s28  }
0x10e: {  	p0 =	sgt.s32 s0, $0x3  }
0x10f: {  	p4 =	sgt.s32 @p0 s0, $0x5  }
0x110: {  	p1 =	por !p4, !p0  }
0x111: {  	s4 =	simm.s32 @!p1 $0x0;
	p2 =	seq.s32 @!p1 s0, $0x6  }
0x112: {  	s4 =	simm.s32 @p1 $0x1;
	p3 =	por @p0 p2, !p4  }
0x113: {  	p2 =	por @p0 !p2, !p4;
	[smem:$0x7FD] =	sst s4;
	p3 =	por p3, !p0  }
0x114: {  	p2 =	por !p2, !p0;
	s4 =	simm.s32 @!p3 $0x9;
	p3 =	por p4, !p0  }
0x115: {  	s20 =	sld [smem:$0x7FD];
	p5 =	seq.s32 @!p3 s0, $0x4;
	p3 =	sgt.s32 @!p0 s0, $0x1  }
0x116: {  	s4 =	simm.s32 @p2 $0x8;
	p6 =	por @p0 p5, p4;
	p2 =	por !p3, p0  }
0x117: {  	p4 =	por @p0 !p5, p4;
	p5 =	por p6, !p0;
	p6 =	seq.s32 @!p2 s0, $0x2  }
0x118: {  	p1 =	por p3, p0;
	s10 =	simm.s32 @!p5 $0x7;
	p5 =	por @!p0 p6, !p3  }
0x119: {  	p4 =	por !p4, !p0;
	p1 =	seq.s32 @!p1 s0, $0x0;
	p5 =	por p5, p0  }
0x11a: {  	s10 =	simm.s32 @p4 $0x6;
	p4 =	por @!p0 p1, p3;
	p1 =	por @!p0 !p1, p3  }
0x11b: {  	s0 =	simm.s32 @!p5 $0x5;
	p5 =	por @!p0 !p6, !p3;
	p3 =	por p4, p0  }
0x11c: {  	p1 =	por !p1, p0;
	s18 =	simm.s32 @!p3 $0x3;
	p3 =	por !p5, p0  }
0x11d: {  	s0 =	simm.s32 @p3 $0x4;
	s18 =	simm.s32 @p1 $0x2;
	p1 =	seq.s32 s20, $0x1  }
0x11e: {  	s4 =	smov.u32 @p1 s10;
	s0 =	smov.u32 @p2 s18  }
0x11f: {  	v28 =	vnsel vm0, $0x0, v27;
	s0 =	smov.u32 @p0 s4  }
0x120: {  	v29 =	vperm.xlane v28, v3;
	_ =	swait.ge [sflag:s0], $0x1800  }
0x121: {  	s10 =	sshll.u32 s28, $0x7;
	[sflag:s0] =	ssyncset.done $0x0  }
0x122: {  	v28 =	vadd.f32 v29, v28;
	s18 =	sand.u32 $0x7, s5;
	s20 =	sand.u32 $0x3FFFFF80, s10;
	[sflag:s0] =	ssyncadd.s32 $0xFFFFE800  }
0x123: {  	s10 =	smul.u32 $0x6000, s18;
	v32 =	vld [tilespmem:s20+$0x60]  }
0x124: {  	v30 =	vsel vm1, $0x0, v27;
	v29 =	vperm.xlane v28, v4;
	v33 =	vld [tilespmem:s20+$0x70]  }
0x125: {  	v31 =	vperm.xlane v30, v3;
	s4 =	sshrl.u32 s10, $0x2;
	v34 =	vld [tilespmem:s20+$0x80]  }
0x126: {  	v28 =	vadd.f32 v29, v28;
	s4 =	sadd.s32 $0x24A0, s4;
	v35 =	vld [tilespmem:s20+$0x90]  }
0x127: {  	v29 =	vadd.f32 v31, v30;
	v31 =	vld [tilespmem:s4+$0xFFFFFFC0]  }
0x128: {  	v30 =	vperm.xlane v28, v5;
	v39 =	vld [tilespmem:s4+$0xFFFFFFD0]  }
0x129: {  	v37 =	vperm.xlane v29, v4;
	v36 =	vld [tilespmem:s20+$0xA0]  }
0x12a: {  	v28 =	vadd.f32 v30, v28;
	v30 =	vld [tilespmem:s4+$0xFFFFFFE0]  }
0x12b: {  	v29 =	vadd.f32 v37, v29;
	v37 =	vld [tilespmem:s20+$0xB0]  }
0x12c: {  	v44 =	vld [tilespmem:s4+$0xFFFFFFF0]  }
0x12d: {  	v41 =	vsel vm2, $0x0, v27;
	v38 =	vld [tilespmem:s20+$0xC0]  }
0x12e: {  	v43 =	vperm.xlane v41, v3;
	v56 =	vld [tilespmem:s4+$0x0]  }
0x12f: {  	v27 =	vsel vm3, $0x0, v27;
	v58 =	vld [tilespmem:s4+$0x10]  }
0x130: {  	v57 =	vperm.xlane v27, v3;
	v41 =	vadd.f32 v43, v41;
	v40 =	vperm.xlane v28, v6;
	v59 =	vld [tilespmem:s4+$0x20]  }
0x131: {  	s18 =	sadd.s32 $0x80, s4;
	v63 =	vld [tilespmem:s4+$0x30];
	v31 =	vmul.f32 v31, v32;
	v45 =	vmul.f32 v39, v33  }
0x132: {  	v60 =	vadd.f32 v57, v27;
	v46 =	vperm.xlane v41, v4;
	v42 =	vperm.xlane v29, v5;
	v61 =	vld [tilespmem:s18+$0xFFFFFFC0]  }
0x133: {  	v28 =	vadd.f32 v40, v28;
	v62 =	vld [tilespmem:s18+$0xFFFFFFD0];
	v30 =	vmul.f32 v30, v34;
	v31 =	vadd.f32 v45, v31  }
0x134: {  	v41 =	vadd.f32 v46, v41;
	v29 =	vadd.f32 v42, v29;
	v48 =	vld [tilespmem:s18+$0xFFFFFFE0]  }
0x135: {  	v28 =	vadd.f32 $5.000000000e-01, v28;
	v57 =	vld [tilespmem:s18+$0x10];
	v30 =	vadd.f32 v30, v31;
	v31 =	vmul.f32 v44, v35  }
0x136: {  	v47 =	vperm.xlane v41, v5;
	v42 =	vperm.xlane v29, v6;
	v39 =	vld [tilespmem:s20+$0xD0]  }
0x137: {  	v49 =	vld [tilespmem:s18+$0xFFFFFFF0];
	v28 =	vtrunc.f32 v28;
	v27 =	vadd.f32 v31, v30;
	v30 =	vmul.f32 v56, v36  }
0x138: {  	v29 =	vadd.f32 v42, v29;
	v50 =	vmul.f32 v59, v38;
	v45 =	vmul.f32 v58, v37;
	v58 =	vld [tilespmem:s18+$0x20]  }
0x139: {  	v54 =	vld [tilespmem:s18+$0x0];
	v43 =	vmul.f32 v61, v32;
	v51 =	vmul.f32 v62, v33;
	v30 =	vadd.f32 v30, v27  }
0x13a: {  	v29 =	vadd.f32 $5.000000000e-01, v29;
	v44 =	vmul.f32 v57, v37;
	v31 =	vperm.xlane v60, v4  }
0x13b: {  	v40 =	vmul.f32 v63, v39;
	v56 =	vmul.f32 v48, v34;
	v30 =	vadd.f32 v45, v30  }
0x13c: {  	s0 =	sadd.s32 $0x80, s18;
	v63 =	vld [tilespmem:s18+$0x30];
	v27 =	vcvt.f32.s32 v28;
	v28 =	vtrunc.f32 v29;
	v29 =	vadd.f32 v31, v60  }
0x13d: {  	v42 =	vmul.f32 v58, v38;
	v31 =	vadd.f32 v47, v41;
	v60 =	vld [tilespmem:s0+$0xFFFFFFC0];
	v30 =	vadd.f32 v50, v30  }
0x13e: {  	v55 =	vadd.f32 v51, v43;
	v41 =	vmul.f32 v49, v35;
	v47 =	vmul.f32 v54, v36  }
0x13f: {  	v52 =	vperm.xlane v29, v5;
	v53 =	vperm.xlane v31, v6;
	v40 =	vadd.f32 v40, v30  }
0x140: {  	v62 =	vld [tilespmem:s0+$0xFFFFFFD0];
	v28 =	vcvt.f32.s32 v28;
	vm7 =	vlt.s32 v27, $0xE0;
	v30 =	vadd.f32 v56, v55  }
0x141: {  	v29 =	vadd.f32 v52, v29;
	v31 =	vadd.f32 v53, v31;
	v61 =	vperm.xlane v40, v3  }
0x142: {  	v58 =	vmul.f32 v63, v39;
	v52 =	vld [tilespmem:s0+$0xFFFFFFE0];
	v54 =	vmul.f32 v60, v32;
	v41 =	vadd.f32 v41, v30  }
0x143: {  	v59 =	vperm.xlane v29, v6;
	v31 =	vtrunc.f32 v31;
	v40 =	vadd.f32 v40, v61  }
0x144: {  	v53 =	vld [tilespmem:s0+$0xFFFFFFF0];
	v30 =	vcvt.f32.s32 v31;
	v31 =	vor.u32 v27, v28;
	v41 =	vadd.f32 v47, v41  }
0x145: {  	v50 =	vld [tilespmem:s0+$0x0];
	v55 =	vmul.f32 v62, v33;
	vm6 =	vgt.s32 v31, $0xFFFFFFFF;
	v31 =	vperm.xlane v40, v0  }
0x146: {  	vm8 =	vlt.s32 v28, $0xE0;
	v29 =	vadd.f32 v59, v29;
	v41 =	vadd.f32 v44, v41  }
0x147: {  	s20 =	simm.s32 $0x0;
	v59 =	vadd.f32 v55, v54;
	v60 =	vmul.f32 v52, v34;
	v56 =	vadd.f32 v40, v31  }
0x148: {  	v63 =	vmov s20;
	vm7 =	vmand vm7, vm8;
	v57 =	vadd.f32 v42, v41  }
0x149: {  	v62 =	vmul.f32 v53, v35;
	v61 =	vadd.f32 v60, v59;
	v49 =	vperm.xlane v56, v1  }
0x14a: {  	v46 =	vld [tilespmem:s0+$0x10];
	v52 =	vmul.f32 v50, v36;
	vm6 =	vmand vm7, vm6;
	v44 =	vadd.f32 v58, v57  }
0x14b: {  	s18 =	sadd.s32 $0x80, s0;
	v45 =	vld [tilespmem:s0+$0x20];
	v51 =	vadd.f32 v62, v61;
	v31 =	vsel vm6, $0x1, v7;
	v43 =	vadd.f32 v56, v49  }
0x14c: {  	s31 =	simm.s32 $0x1;
	s30 =	simm.s32 $0x2;
	s29 =	simm.s32 $0x3;
	v50 =	vld [tilespmem:s18+$0xFFFFFFD0];
	v40 =	vimm.f32 $0.0e+00;
	vm6 =	veq.s32 v63, v8;
	v48 =	vperm.xlane v44, v3  }
0x14d: {  	s10 =	simm.s32 $0xFFFFFFE0;
	s4 =	simm.s32 $0xFFFFFFF0;
	s20 =	simm.s32 $0x4;
	v42 =	vimm.f32 $0.0e+00;
	v41 =	vimm.f32 $0.0e+00;
	v49 =	vld [tilespmem:s18+$0xFFFFFFC0];
	v47 =	vperm.xlane v43, v2  }
.LBB2_8:
0x14e: {  	p0 =	sne.s32 s20, $0x2F;
	v53 =	vld [tilespmem:s0+$0x30];
	v44 =	vadd.f32 v44, v48;
	v48 =	vmov s4;
	v54 =	vmov s10;
	s0 =	smov.u32 s18;
	s10 =	smov.u32 s31  }
0x14f: {  	s31 =	smov.u32 s30;
	s30 =	smov.u32 s29;
	s29 =	smov.u32 s20;
	v55 =	vld [tilespmem:s18+$0xFFFFFFE0];
	v51 =	vadd.f32 v52, v51;
	v46 =	vmul.f32 v46, v37;
	v43 =	vadd.f32 v43, v47  }
0x150: {  	vm7 =	veq.s32 v48, v8;
	vm8 =	veq.s32 v54, v8;
	v47 =	vperm.xlane v44, v0  }
0x151: {  	v45 =	vmul.f32 v45, v38;
	v48 =	vld [tilespmem:s18+$0xFFFFFFF0];
	v46 =	vadd.f32 v46, v51;
	v40 =	vsel vm8, v43, v40  }
0x152: {  	v49 =	vmul.f32 v49, v32;
	v50 =	vmul.f32 v50, v33;
	v47 =	vadd.f32 v44, v47  }
0x153: {  	v42 =	vsel vm6, v43, v42;
	v52 =	vld [tilespmem:s18+$0x0];
	v44 =	vadd.f32 v45, v46;
	v45 =	vmul.f32 v53, v39  }
.Ltmp2:
0x154: {  	v49 =	vadd.f32 v50, v49;
	v50 =	vmul.f32 v55, v34;
	v51 =	vperm.xlane v47, v1;
	(pc) =	sbr.rel @p0 .LBB2_8-.Ltmp2, $4  }
0x155: {  	v41 =	vsel vm7, v43, v41;
	v53 =	vmov s10;
	v46 =	vld [tilespmem:s18+$0x10];
	v44 =	vadd.f32 v45, v44  }
0x156: {  	s18 =	sadd.s32 $0x80, s18;
	v54 =	vadd.f32 v50, v49;
	v55 =	vmul.f32 v48, v35;
	v45 =	vld [tilespmem:s0+$0x20];
	v43 =	vadd.f32 v47, v51  }
0x157: {  	vm6 =	veq.s32 v53, v8;
	v49 =	vld [tilespmem:s18+$0xFFFFFFC0];
	v48 =	vperm.xlane v44, v3  }
0x158: {  	s20 =	sadd.s32 $0x1, s20;
	s4 =	sadd.s32 $0xFFFFFFF0, s10;
	s10 =	sadd.s32 $0xFFFFFFE0, s10;
	v50 =	vld [tilespmem:s18+$0xFFFFFFD0];
	v51 =	vadd.f32 v55, v54;
	v52 =	vmul.f32 v52, v36;
	v47 =	vperm.xlane v43, v2  }
0x159: {  	_ = 	snop  }
0x15a: {  	v53 =	vld [tilespmem:s18+$0xFFFFFFE0];
	_ =	sdelay $0x1  }
0x15b: {  	v54 =	vld [tilespmem:s18+$0xFFFFFFF0]  }
0x15c: {  	v32 =	vmul.f32 v49, v32;
	v33 =	vmul.f32 v50, v33  }
0x15d: {  	v57 =	vld [tilespmem:s18+$0x0]  }
0x15e: {  	v58 =	vmul.f32 v53, v34;
	v32 =	vadd.f32 v33, v32  }
0x15f: {  	v59 =	vld [tilespmem:s18+$0x10]  }
0x160: {  	v60 =	vmul.f32 v54, v35;
	v32 =	vadd.f32 v58, v32  }
0x161: {  	v61 =	vld [tilespmem:s18+$0x20]  }
0x162: {  	v62 =	vld [tilespmem:s0+$0x30];
	v63 =	vmul.f32 v57, v36;
	v32 =	vadd.f32 v60, v32  }
0x163: {  	v46 =	vmul.f32 v46, v37;
	v53 =	vadd.f32 v52, v51;
	v54 =	vld [tilespmem:s18+$0x30]  }
0x164: {  	v55 =	vmul.f32 v59, v37;
	v32 =	vadd.f32 v63, v32  }
0x165: {  	v57 =	vmul.f32 v45, v38;
	v56 =	vadd.f32 v46, v53  }
0x166: {  	v58 =	vmul.f32 v61, v38;
	v32 =	vadd.f32 v55, v32  }
0x167: {  	v59 =	vmul.f32 v62, v39;
	v34 =	vadd.f32 v57, v56  }
0x168: {  	v60 =	vmul.f32 v54, v39;
	v32 =	vadd.f32 v58, v32  }
0x169: {  	v34 =	vadd.f32 v59, v34  }
0x16a: {  	v32 =	vadd.f32 v60, v32  }
0x16b: {  	v61 =	vadd.f32 v44, v48;
	v35 =	vperm.xlane v34, v3  }
0x16c: {  	v63 =	vperm.xlane v32, v3  }
0x16d: {  	v62 =	vperm.xlane v61, v0;
	v34 =	vadd.f32 v34, v35  }
0x16e: {  	v32 =	vadd.f32 v32, v63  }
0x16f: {  	v33 =	vadd.f32 v61, v62;
	v45 =	vperm.xlane v34, v0  }
0x170: {  	v37 =	vperm.xlane v32, v0  }
0x171: {  	v36 =	vadd.f32 v43, v47;
	v44 =	vperm.xlane v33, v1;
	v34 =	vadd.f32 v34, v45  }
0x172: {  	v50 =	vmov s31;
	v46 =	vmov s4;
	v32 =	vadd.f32 v32, v37  }
0x173: {  	v49 =	vsel vm6, v36, v42;
	v33 =	vadd.f32 v33, v44;
	v48 =	vperm.xlane v34, v1  }
0x174: {  	s4 =	sadd.s32 $0xFFFFFFF0, s31;
	vm6 =	veq.s32 v50, v8;
	vm7 =	veq.s32 v46, v8;
	v51 =	vperm.xlane v32, v1  }
0x175: {  	v52 =	vmov s4;
	v47 =	vperm.xlane v33, v2;
	v34 =	vadd.f32 v34, v48  }
0x176: {  	s18 =	sadd.s32 $0xFFFFFFF0, s30;
	v41 =	vsel vm7, v36, v41;
	vm7 =	veq.s32 v52, v8;
	v32 =	vadd.f32 v32, v51  }
0x177: {  	v57 =	vmov s18;
	v33 =	vadd.f32 v33, v47;
	v37 =	vperm.xlane v34, v2  }
0x178: {  	s20 =	sadd.s32 $0xFFFFFFF0, s29;
	v54 =	vmov s30;
	v59 =	vmov s29;
	v56 =	vperm.xlane v32, v2  }
0x179: {  	v58 =	vmov s20;
	v53 =	vsel vm6, v33, v49;
	v34 =	vadd.f32 v34, v37  }
0x17a: {  	v55 =	vsel vm7, v33, v41;
	vm7 =	veq.s32 v57, v8;
	v32 =	vadd.f32 v32, v56  }
0x17b: {  	vm6 =	veq.s32 v54, v8;
	v39 =	vsel vm7, v34, v55;
	vm7 =	veq.s32 v58, v8  }
0x17c: {  	v35 =	vsel vm6, v34, v53;
	vm6 =	veq.s32 v59, v8;
	v37 =	vsel vm7, v32, v39  }
0x17d: {  	v35 =	vsel vm6, v32, v35;
	v60 =	vnsel vm4, $0xFF61B1E6, v37  }
0x17e: {  	v61 =	vmax.f32 v35, v60  }
0x17f: {  	v62 =	vperm.xlane v61, v3;
	_ =	sdelay $0x1  }
0x180: {  	v39 =	vmax.f32 v61, v62  }
0x181: {  	v41 =	vperm.xlane v39, v4;
	_ =	sdelay $0x1  }
0x182: {  	v39 =	vmax.f32 v39, v41  }
0x183: {  	v41 =	vperm.xlane v39, v5;
	_ =	sdelay $0x1  }
0x184: {  	v39 =	vmax.f32 v39, v41  }
0x185: {  	v41 =	vperm.xlane v39, v6;
	_ =	sdelay $0x1  }
0x186: {  	v39 =	vmax.f32 v39, v41  }
0x187: {  	v63 =	vor.u32 $0x10, v8;
	vm6 =	veq.f32 v60, v39  }
0x188: {  	vm7 =	veq.f32 v35, v39;
	v45 =	vnsel vm6, $0x63, v63  }
0x189: {  	v41 =	vsel vm7, v8, v45  }
0x18a: {  	v46 =	vperm.xlane v41, v3;
	_ =	sdelay $0x1  }
0x18b: {  	v47 =	vmov s10;
	s10 =	sadd.s32 $0xFFFFFFE0, s30;
	vm6 =	vlt.s32 v41, v46  }
0x18c: {  	s4 =	sadd.s32 $0xFFFFFFE0, s31;
	v50 =	vmov s10;
	v41 =	vsel vm6, v41, v46  }
0x18d: {  	s18 =	smul.u32 $0xC0, s28;
	s20 =	sadd.s32 $0xFFFFFFE0, s29;
	v48 =	vmov s4;
	vm7 =	veq.s32 v47, v8;
	v49 =	vperm.xlane v41, v4  }
0x18e: {  	v51 =	vmov s20;
	v36 =	vsel vm7, v36, v40;
	vm6 =	veq.s32 v48, v8  }
0x18f: {  	s29 =	sshra.s32 s18, $0x2;
	v33 =	vsel vm6, v33, v36;
	vm6 =	veq.s32 v50, v8;
	vm7 =	vlt.s32 v41, v49  }
0x190: {  	[tilespmem:s29+$0xE460] =	vst v35;
	v33 =	vsel vm6, v34, v33;
	vm6 =	veq.s32 v51, v8;
	v52 =	vsel vm7, v41, v49  }
0x191: {  	[tilespmem:s29+$0xE470] =	vst v37;
	v32 =	vsel vm6, v32, v33;
	v53 =	vperm.xlane v52, v5  }
0x192: {  	[tilespmem:s29+$0xE480] =	vst v32  }
0x193: {  	v32 =	vld [tilespmem:$0xF180];
	vm6 =	vlt.s32 v52, v53  }
0x194: {  	v54 =	vld [tilespmem:$0xF1B0];
	v33 =	vsel vm6, v52, v53  }
0x195: {  	v56 =	vld [tilespmem:$0xF1C0];
	v55 =	vperm.xlane v33, v6  }
0x196: {  	v37 =	vld [tilespmem:$0xF190]  }
0x197: {  	vm6 =	vlt.s32 v33, v55  }
0x198: {  	v33 =	vsel vm6, v33, v55  }
0x199: {  	vm6 =	veq.s32 v33, v8;
	vm7 =	veq.s32 v33, v63  }
0x19a: {  	v57 =	vnsel vm6, $0x0, v54;
	v58 =	vnsel vm7, $0x0, v56  }
0x19b: {  	v32 =	vnsel vm6, $0x0, v32;
	v59 =	vnsel vm7, $0x0, v37;
	v33 =	vadd.s32 v58, v57  }
0x19c: {  	v32 =	vadd.s32 v59, v32;
	v34 =	vperm.xlane v33, v3  }
0x19d: {  	v35 =	vperm.xlane v32, v3  }
0x19e: {  	v33 =	vadd.s32 v33, v34  }
0x19f: {  	v32 =	vadd.s32 v35, v32;
	v34 =	vperm.xlane v33, v4  }
0x1a0: {  	s30 =	sadd.s32 $0xFFFFFFF0, s28;
	v35 =	vperm.xlane v32, v4  }
0x1a1: {  	s31 =	sadd.s32 $0xFFFFFFE0, s28;
	v61 =	vmov s28;
	v62 =	vmov s30;
	v33 =	vadd.s32 v34, v33  }
0x1a2: {  	v63 =	vmov s31;
	v32 =	vadd.s32 v35, v32;
	v34 =	vperm.xlane v33, v5  }
0x1a3: {  	vm7 =	veq.s32 v62, v8;
	vm8 =	veq.s32 v63, v8;
	v35 =	vperm.xlane v32, v5  }
0x1a4: {  	v24 =	vsel vm7, v39, v24;
	v21 =	vsel vm8, v39, v21;
	v33 =	vadd.s32 v34, v33  }
0x1a5: {  	v22 =	vsel vm7, v27, v22;
	v32 =	vadd.s32 v35, v32;
	v34 =	vperm.xlane v33, v6  }
0x1a6: {  	v17 =	vsel vm8, v27, v17;
	v19 =	vsel vm7, v28, v19;
	v35 =	vperm.xlane v32, v6  }
0x1a7: {  	v15 =	vsel vm8, v28, v15;
	v16 =	vsel vm7, v31, v16;
	v34 =	vadd.s32 v28, v34  }
0x1a8: {  	v13 =	vsel vm8, v31, v13;
	v60 =	vadd.s32 v27, v35;
	v33 =	vadd.s32 v33, v34  }
0x1a9: {  	s28 =	sadd.s32 $0x1, s28;
	v10 =	vsel vm7, v29, v10;
	v32 =	vadd.s32 v32, v60;
	vm6 =	vgt.s32 v33, $0x0  }
0x1aa: {  	p0 =	sne.s32 s28, $0x30;
	v9 =	vsel vm8, v29, v9;
	v33 =	vnsel vm6, $0x0, v33;
	vm6 =	vgt.s32 v32, $0x0  }
.Ltmp3:
0x1ab: {  	v33 =	vmin.u32 v33, $0xDF;
	v32 =	vnsel vm6, $0x0, v32;
	vm6 =	veq.s32 v61, v8;
	(pc) =	sbr.rel @p0 .LBB2_5-.Ltmp3, $4  }
0x1ac: {  	v33 =	vmul.u32 $0xE0, v33;
	v32 =	vmin.u32 v32, $0xDF;
	v26 =	vsel vm6, v39, v26  }
0x1ad: {  	v25 =	vsel vm6, v27, v25;
	v23 =	vsel vm6, v28, v23;
	v30 =	vadd.s32 v30, v32  }
0x1ae: {  	v20 =	vsel vm6, v31, v20;
	v11 =	vsel vm6, v29, v11;
	v30 =	vadd.s32 v33, v30  }
0x1af: {  	s5 =	sadd.s32 $0x1, s5;
	v18 =	vsel vm6, v30, v18;
	v14 =	vsel vm7, v30, v14;
	v12 =	vsel vm8, v30, v12  }
0x1b0: {  	[tilespmem:$0xEDC0] =	vst v18  }
0x1b1: {  	[tilespmem:$0xF0F0] =	vst v26  }
0x1b2: {  	[tilespmem:$0xED60] =	vst v25  }
0x1b3: {  	[tilespmem:$0xED90] =	vst v23  }
0x1b4: {  	[tilespmem:$0xF150] =	vst v20  }
0x1b5: {  	[tilespmem:$0xEDD0] =	vst v14  }
0x1b6: {  	[tilespmem:$0xF100] =	vst v24  }
0x1b7: {  	[tilespmem:$0xED70] =	vst v22  }
0x1b8: {  	[tilespmem:$0xEDA0] =	vst v19  }
0x1b9: {  	[tilespmem:$0xF160] =	vst v16  }
0x1ba: {  	[tilespmem:$0xEDE0] =	vst v12  }
0x1bb: {  	[tilespmem:$0xF110] =	vst v21  }
0x1bc: {  	[tilespmem:$0xED80] =	vst v17  }
0x1bd: {  	[tilespmem:$0xEDB0] =	vst v15  }
0x1be: {  	[tilespmem:$0xF170] =	vst v13;
	s0 =	simm.s32 $0xEDF0;
	s4 =	simm.s32 $0xEDC0  }
0x1bf: {  	[tilespmem:s0], [sflag:$0x1] =	stream.indirect.gather [hbm4b:s3+s23], $0x10, s4, s23, $0xb8;
	[tilespmem:$0x109E0] =	vst v63  }
0x1c0: {  	s10 =	simm.s32 $0x0;
	s5 =	simm.s32 $0xFFFFFFF0;
	_ =	swait.ge [sflag:s25], $0x300  }
0x1c1: {  	v12 =	vadd.f32 $0.0e+00, v11;
	v11 =	vmov s10;
	v13 =	vmov s5;
	[sflag:s25] =	ssyncset.done $0x0  }
0x1c2: {  	s18 =	simm.s32 $0xFFFFFFE0;
	vm6 =	veq.s32 v11, v8;
	vm9 =	veq.s32 v13, v8;
	[sflag:s25] =	ssyncadd.s32 $0xFFFFFD00  }
0x1c3: {  	v13 =	vmov s18;
	v14 =	vnsel vm6, $0x0, v12;
	v15 =	vnsel vm9, $0x0, v10;
	v11 =	vld [tilespmem:s0+$0x0]  }
0x1c4: {  	vm8 =	veq.s32 v13, v8;
	v14 =	vadd.f32 v15, v14  }
0x1c5: {  	v13 =	vnsel vm8, $0x0, v9  }
0x1c6: {  	v13 =	vadd.f32 v14, v13;
	_ =	sdelay $0x1  }
0x1c7: {  	v15 =	vperm.xlane v13, v3;
	v11 =	vsel vm5, $0x0, v11  }
0x1c8: {  	v14 =	vperm.xlane v11, v3  }
0x1c9: {  	v13 =	vadd.f32 v15, v13  }
0x1ca: {  	v14 =	vadd.f32 v14, v11  }
0x1cb: {  	vm9 =	vmmov vm9;
	v17 =	vperm.xlane v13, v4  }
0x1cc: {  	s20 =	simm.s32 $0x1;
	vm13 =	vmmov vm6;
	vm11 =	vmmov vm8;
	v16 =	vperm.xlane v14, v4  }
0x1cd: {  	s28 =	simm.s32 $0xFFFFFFF1;
	vm6 =	vmmov vm9;
	s0 =	simm.s32 $0xEE00;
	v15 =	vmov s20;
	v13 =	vadd.f32 v17, v13  }
0x1ce: {  	vm7 =	veq.s32 v15, v8;
	v15 =	vmov s28;
	v17 =	vld [tilespmem:s0+$0x0];
	v14 =	vadd.f32 v16, v14  }
0x1cf: {  	s29 =	simm.s32 $0xFFFFFFE1;
	v18 =	vnsel vm7, $0x0, v12;
	vm10 =	veq.s32 v15, v8;
	v20 =	vperm.xlane v13, v5  }
0x1d0: {  	v15 =	vnsel vm10, $0x0, v10;
	v16 =	vmov s29;
	v19 =	vperm.xlane v14, v5  }
0x1d1: {  	v15 =	vadd.f32 v15, v18;
	vm12 =	veq.s32 v16, v8;
	v13 =	vadd.f32 v20, v13  }
0x1d2: {  	vm11 =	vmmov vm11;
	v16 =	vnsel vm12, $0x0, v9;
	v14 =	vadd.f32 v19, v14  }
0x1d3: {  	v15 =	vadd.f32 v15, v16;
	v16 =	vsel vm5, $0x0, v17;
	v18 =	vperm.xlane v13, v6  }
0x1d4: {  	vm7 =	vmmov vm7;
	v19 =	vperm.xlane v16, v3;
	v17 =	vperm.xlane v14, v6  }
0x1d5: {  	v11 =	vimm.f32 $0.0e+00;
	v20 =	vperm.xlane v15, v3;
	v13 =	vadd.f32 v18, v13  }
0x1d6: {  	vm8 =	vmmov vm10;
	v16 =	vadd.f32 v19, v16;
	v14 =	vadd.f32 v17, v14  }
0x1d7: {  	s30 =	simm.s32 $0x2;
	vm9 =	vmmov vm12;
	vm12 =	vmmov vm13;
	v17 =	vadd.f32 v20, v15  }
0x1d8: {  	s31 =	simm.s32 $0xFFFFFFE2;
	v18 =	vperm.xlane v16, v4;
	v13 =	vadd.f32 v13, v14;
	v14 =	vmov s30  }
0x1d9: {  	v20 =	vmov s31;
	v19 =	vperm.xlane v17, v4;
	vm10 =	veq.s32 v14, v8  }
0x1da: {  	s4 =	simm.s32 $0xFFFFFFF2;
	s5 =	simm.s32 $0x3;
	v14 =	vimm.f32 $0.0e+00;
	v15 =	vmul.f32 $5.000000000e-01, v13;
	v13 =	vimm.f32 $0.0e+00  }
.LBB2_11:
0x1db: {  	p0 =	sne.s32 s5, $0x2F;
	v21 =	vmov s4;
	v16 =	vadd.f32 v18, v16;
	v17 =	vadd.f32 v19, v17;
	s0 =	sadd.s32 $0x10, s0  }
0x1dc: {  	v19 =	vnsel vm10, $0x0, v12;
	v18 =	vld [tilespmem:s0+$0x0];
	vm13 =	veq.s32 v21, v8;
	v11 =	vsel vm11, v15, v11  }
0x1dd: {  	v21 =	vnsel vm13, $0x0, v10;
	v22 =	vperm.xlane v16, v5;
	v23 =	vperm.xlane v17, v5  }
0x1de: {  	vm14 =	veq.s32 v20, v8;
	v14 =	vsel vm12, v15, v14;
	v19 =	vadd.f32 v21, v19  }
0x1df: {  	v20 =	vnsel vm14, $0x0, v9;
	v16 =	vadd.f32 v22, v16;
	v17 =	vadd.f32 v23, v17  }
0x1e0: {  	v13 =	vsel vm6, v15, v13;
	vm6 =	vmmov vm8;
	v19 =	vadd.f32 v19, v20  }
0x1e1: {  	v15 =	vsel vm5, $0x0, v18;
	v18 =	vperm.xlane v16, v6;
	v20 =	vperm.xlane v17, v6  }
0x1e2: {  	vm8 =	vmmov vm13;
	v21 =	vperm.xlane v15, v3;
	v22 =	vperm.xlane v19, v3  }
.Ltmp4:
0x1e3: {  	vm11 =	vmmov vm9;
	v18 =	vadd.f32 v18, v16;
	v20 =	vadd.f32 v20, v17;
	(pc) =	sbr.rel @p0 .LBB2_11-.Ltmp4, $4  }
0x1e4: {  	vm9 =	vmmov vm14;
	v16 =	vadd.f32 v21, v15;
	v17 =	vadd.f32 v22, v19  }
0x1e5: {  	vm12 =	vmmov vm7;
	vm7 =	vmmov vm10;
	v15 =	vadd.f32 v20, v18  }
0x1e6: {  	s10 =	sadd.s32 $0xFFFFFFE0, s5;
	v20 =	vmov s5;
	v18 =	vperm.xlane v16, v4;
	v19 =	vperm.xlane v17, v4  }
0x1e7: {  	s4 =	sadd.s32 $0xFFFFFFF0, s5;
	s5 =	sadd.s32 $0x1, s5;
	vm10 =	veq.s32 v20, v8;
	v20 =	vmov s10;
	v15 =	vmul.f32 $5.000000000e-01, v15  }
0x1e8: {  	v21 =	vmov s4;
	s0 =	sadd.s32 $0x10, s0  }
0x1e9: {  	vm14 =	veq.s32 v21, v8;
	v56 =	vld [tilespmem:s0+$0x0]  }
0x1ea: {  	v12 =	vnsel vm10, $0x0, v12;
	v10 =	vnsel vm14, $0x0, v10  }
0x1eb: {  	vm13 =	veq.s32 v20, v8;
	v10 =	vadd.f32 v10, v12  }
0x1ec: {  	v9 =	vnsel vm13, $0x0, v9  }
0x1ed: {  	v9 =	vadd.f32 v10, v9  }
0x1ee: {  	v10 =	vsel vm5, $0x0, v56  }
0x1ef: {  	v57 =	vperm.xlane v10, v3;
	v58 =	vperm.xlane v9, v3;
	_ =	sdelay $0x1  }
0x1f0: {  	v10 =	vadd.f32 v57, v10;
	v9 =	vadd.f32 v58, v9;
	_ =	sdelay $0x1  }
0x1f1: {  	v12 =	vperm.xlane v10, v4;
	v20 =	vperm.xlane v9, v4  }
0x1f2: {  	v16 =	vadd.f32 v18, v16;
	v17 =	vadd.f32 v19, v17  }
0x1f3: {  	v10 =	vadd.f32 v12, v10;
	v9 =	vadd.f32 v20, v9  }
0x1f4: {  	v59 =	vperm.xlane v16, v5;
	v60 =	vperm.xlane v17, v5  }
0x1f5: {  	v61 =	vperm.xlane v10, v5;
	v20 =	vperm.xlane v9, v5  }
0x1f6: {  	v62 =	vadd.f32 v60, v17;
	v12 =	vadd.f32 v59, v16  }
0x1f7: {  	v10 =	vadd.f32 v61, v10;
	v9 =	vadd.f32 v20, v9  }
0x1f8: {  	v18 =	vperm.xlane v62, v6;
	v63 =	vperm.xlane v12, v6  }
0x1f9: {  	v19 =	vperm.xlane v10, v6;
	v20 =	vperm.xlane v9, v6  }
0x1fa: {  	v16 =	vadd.f32 v18, v62;
	v12 =	vadd.f32 v63, v12  }
0x1fb: {  	v10 =	vadd.f32 v19, v10;
	v9 =	vadd.f32 v20, v9  }
0x1fc: {  	vm9 =	vmmov vm9;
	vm7 =	vmmov vm7;
	v12 =	vadd.f32 v16, v12  }
0x1fd: {  	v11 =	vsel vm11, v15, v11;
	v14 =	vsel vm12, v15, v14;
	v9 =	vadd.f32 v9, v10  }
0x1fe: {  	v13 =	vsel vm6, v15, v13;
	vm6 =	vmmov vm8;
	v10 =	vmul.f32 $5.000000000e-01, v12  }
0x1ff: {  	vm12 =	vmmov vm14;
	vm14 =	vmmov vm10;
	v9 =	vmul.f32 $5.000000000e-01, v9  }
0x200: {  	vm15 =	vmmov vm13;
	v12 =	vsel vm7, v10, v14;
	vm7 =	vmmov vm14  }
0x201: {  	v13 =	vsel vm6, v10, v13;
	vm6 =	vmmov vm12;
	v12 =	vsel vm7, v9, v12  }
0x202: {  	s30 =	smul.u32 $0x6, s1;
	v10 =	vsel vm9, v10, v11;
	vm7 =	vmmov vm15;
	v11 =	vsel vm6, v9, v13;
	[tilespmem:$0xF120] =	vst v12  }
0x203: {  	v9 =	vsel vm7, v9, v10;
	[tilespmem:$0xF130] =	vst v11  }
0x204: {  	s31 =	simm.s32 $0xE460;
	s0 =	sadd.s32 s9, s30;
	[tilespmem:$0xF140] =	vst v9  }
0x205: {  	[hbm4b:s0+s6] =	stream.linear.scatter [tilespmem:s31], [sflag:$0xA], $0x900, $0x38;
	[tilespmem:$0x109E0] =	vst v63  }
0x206: {  	_ =	swait.ge [sflag:s19], $0x900  }
0x207: {  	[sflag:s19] =	ssyncset.done $0x0  }
0x208: {  	s1 =	sadd.s32 s11, s22;
	s4 =	simm.s32 $0xF0F0;
	[sflag:s19] =	ssyncadd.s32 $0xFFFFF700  }
0x209: {  	[hbm4b:s1+s6] =	stream.linear.scatter [tilespmem:s4], [sflag:$0xA], $0x30, $0x38;
	[tilespmem:$0x109E0] =	vst v63  }
0x20a: {  	_ =	swait.ge [sflag:s19], $0x30  }
0x20b: {  	[sflag:s19] =	ssyncset.done $0x0  }
0x20c: {  	s5 =	sadd.s32 s12, s22;
	s10 =	simm.s32 $0xF120;
	[sflag:s19] =	ssyncadd.s32 $0xFFFFFFD0  }
0x20d: {  	[hbm4b:s5+s6] =	stream.linear.scatter [tilespmem:s10], [sflag:$0xA], $0x30, $0x38;
	[tilespmem:$0x109E0] =	vst v63  }
0x20e: {  	_ =	swait.ge [sflag:s19], $0x30  }
0x20f: {  	[sflag:s19] =	ssyncset.done $0x0  }
0x210: {  	s18 =	sadd.s32 s13, s22;
	s20 =	simm.s32 $0xF150;
	[sflag:s19] =	ssyncadd.s32 $0xFFFFFFD0  }
0x211: {  	[hbm4b:s18+s6] =	stream.linear.scatter [tilespmem:s20], [sflag:$0xA], $0x30, $0x38;
	[tilespmem:$0x109E0] =	vst v63  }
0x212: {  	_ =	swait.ge [sflag:s19], $0x30  }
0x213: {  	[sflag:s19] =	ssyncset.done $0x0  }
0x214: {  	s28 =	sadd.s32 s14, s22;
	s29 =	simm.s32 $0xED60;
	[sflag:s19] =	ssyncadd.s32 $0xFFFFFFD0  }
0x215: {  	[hbm4b:s28+s6] =	stream.linear.scatter [tilespmem:s29], [sflag:$0xA], $0x30, $0x38;
	[tilespmem:$0x109E0] =	vst v63  }
0x216: {  	s21 =	sadd.s32 $0x1, s21;
	_ =	swait.ge [sflag:s19], $0x30  }
0x217: {  	p0 =	sne.s32 s21, $0x3;
	s30 =	sadd.s32 s15, s22;
	[sflag:s19] =	ssyncset.done $0x0  }
.Ltmp5:
0x218: {  	s31 =	simm.s32 $0xED90;
	[sflag:s19] =	ssyncadd.s32 $0xFFFFFFD0;
	(pc) =	sbr.rel @p0 .LBB2_2-.Ltmp5, $4  }
0x219: {  	[hbm4b:s30+s6] =	stream.linear.scatter [tilespmem:s31], [sflag:$0xA], $0x30, $0x38;
	[tilespmem:$0x109E0] =	vst v63  }
0x21a: {  	_ =	swait.ge [sflag:s19], $0x30  }
0x21b: {  	[sflag:s19] =	ssyncset.done $0x0  }
0x21c: {  	[sflag:s19] =	ssyncadd.s32 $0xFFFFFFD0  }
0x21d: {  	s1 =	rddreg [dreg:$0x9]  }
0x21e: {  	s0 =	rddreg [dreg:$0x8];
	s1 =	sadd.s32 $0x1, s1  }
0x21f: {  	p0 =	sne.s32 s1, s0  }
.Ltmp6:
0x220: {  	_ = 	snop;
	(pc) =	sbr.rel @p0 .LBB2_1-.Ltmp6, $1  }
0x221: {  	_ =	sdelay $0x3  }
0x222: {  	_ =	sfence.sel $0x180000  }
0x223: {  	[bflag:$0x0] =	sbarrier.arrive $0xFFFF  }
0x224: {  	_ =	strace $0x90000047  }
0x225: {  	s0 =	stileid.u32;
	[bflag:$0x2] =	sbarrier.arrive $0xFFFF  }
0x226: {  	p0 =	sne.s32 s0, $0x0;
	s0 =	rddreg [dreg:$0x6]  }
0x227: {  	s0 =	sadd.s32 @!p0 $0x100000, s0  }
0x228: {  	[sflag:s0] =	ssyncadd.tile.s32 @!p0 $0x1;
	_ =	shalt  }
.Lfunc_end2:
_tile_overlayer_lowered:
.L_overlay_start_2:
0x229: {  	(tag) =	ssettag $0x2  }
0x22a: {  	s0 =	rddreg [dreg:$0x0];
	s2 =	stileid.u32  }
0x22b: {  	s1 =	rddreg [dreg:$0x1];
	p0 =	sne.s32 s2, $0x0  }
0x22c: {  	s3 =	rddreg [dreg:$0x2];
	[bflag:$0x3] =	sbarrier.arrive $0xFFFF;
	s2 =	simm.s32 @!p0 $0x1C0A  }
0x22d: {  	[timem:s3], [sflag:s2] =	dma.local @!p0 [hbm:s0], s1  }
0x22e: {  	s0 =	simm.s32 @!p0 $0xA  }
0x22f: {  	_ =	swait.ge @!p0 [sflag:s0], s1  }
0x230: {  	s1 =	ssub.s32 @!p0 $0x0, s1;
	[sflag:s0] =	ssyncset.done @!p0 $0x0  }
0x231: {  	[sflag:s0] =	ssyncadd.s32 @!p0 s1  }
0x232: {  	[bflag:$0x3] =	sbarrier.arrive $0xFFFF  }
0x233: {  	_ =	shalt  }

</sc_bundles>
